<compile_context>
chip_gen: v7x
topology: tpu7x:2x2x1
jax: 0.10.2.dev20260603
libtpu: 0.0.44.dev20260713+nightly
codegen_flags: <defaults>
</compile_context>

<pallas_src>
import functools

import jax
import jax.numpy as jnp
from jax import lax
from jax.experimental import pallas as pl
from jax.experimental.pallas import tpu as pltpu
from jax.experimental.pallas import tpu_sc as plsc

N = 10000
E = 320000
D = 128
H = 128
C = 10
G = 64

NC = 2
NS = 16
NW = NC * NS

CH = 128
NCHUNK = 80
HALF = 40
EPAD = NW * NCHUNK * CH
NPAD = 10240
ROWS_PT = NPAD // NS
OUT_PT = 624
TAIL_OFF = NS * OUT_PT
TAIL = N - TAIL_OFF

BLK = 2000
NBLK = N // BLK

def _deg_body(dstr, out, dst_v, ones_v, acc_sh):
    cid = lax.axis_index("c")
    sid = lax.axis_index("s")
    wid = sid * NC + cid
    z16 = jnp.zeros((16,), jnp.float32)
    o16 = jnp.ones((16,), jnp.float32)

    def zb(i, _):
        for l in range(H // 16):
            ones_v[i, pl.ds(l * 16, 16)] = z16
        return 0
    lax.fori_loop(0, CH, zb, 0)
    for k in range(ROWS_PT // CH):
        pltpu.sync_copy(ones_v,
                        acc_sh.at[pl.ds(sid * ROWS_PT + k * CH, CH)])

    def ob(i, _):
        for l in range(H // 16):
            ones_v[i, pl.ds(l * 16, 16)] = o16
        return 0
    lax.fori_loop(0, CH, ob, 0)
    pltpu.sync_copy(dstr.at[wid], dst_v)
    plsc.subcore_barrier()

    def chunk(j, _):
        pltpu.sync_copy(ones_v, acc_sh.at[dst_v.at[j]], add=True)
        return 0
    lax.fori_loop(0, NCHUNK, chunk, 0)
    plsc.subcore_barrier()
    pltpu.sync_copy(acc_sh.at[pl.ds(sid * OUT_PT, OUT_PT)],
                    out.at[cid, pl.ds(sid * OUT_PT, OUT_PT)])

    @pl.when(sid == NS - 1)
    def _():
        pltpu.sync_copy(acc_sh.at[pl.ds(TAIL_OFF, TAIL)],
                        out.at[cid, pl.ds(TAIL_OFF, TAIL)])


@functools.lru_cache(maxsize=None)
def _deg_kernel():
    mesh = plsc.VectorSubcoreMesh(core_axis_name="c", subcore_axis_name="s")
    return pl.kernel(
        _deg_body,
        out_type=jax.ShapeDtypeStruct((NC, N, H), jnp.float32),
        mesh=mesh,
        scratch_types=[
            pltpu.VMEM((NCHUNK, CH), jnp.int32),
            pltpu.VMEM((CH, H), jnp.float32),
            pltpu.VMEM_SHARED((NPAD, H), jnp.float32),
        ],
    )


def _mp_body(ts, srcr, dstr, out, src_v, dst_v, rows0, rows1, acc_sh,
             sem0, sem1):
    cid = lax.axis_index("c")
    sid = lax.axis_index("s")
    wid = sid * NC + cid
    z16 = jnp.zeros((16,), jnp.float32)

    def zb(i, _):
        for l in range(H // 16):
            rows0[i, pl.ds(l * 16, 16)] = z16
        return 0
    lax.fori_loop(0, CH, zb, 0)
    for k in range(ROWS_PT // CH):
        pltpu.sync_copy(rows0,
                        acc_sh.at[pl.ds(sid * ROWS_PT + k * CH, CH)])

    pltpu.sync_copy(dstr.at[wid], dst_v)
    for h in range(NCHUNK // HALF):
        pltpu.sync_copy(srcr.at[wid, pl.ds(h * HALF, HALF)], src_v)
        if h == 0:
            plsc.subcore_barrier()
        pltpu.async_copy(ts.at[src_v.at[0]], rows0, sem0)

        def pair(j, _):
            c = h * HALF + 2 * j
            pltpu.make_async_copy(ts.at[src_v.at[2 * j]], rows0, sem0).wait()
            pltpu.async_copy(ts.at[src_v.at[2 * j + 1]], rows1, sem1)
            pltpu.sync_copy(rows0, acc_sh.at[dst_v.at[c]], add=True)
            pltpu.make_async_copy(ts.at[src_v.at[2 * j + 1]], rows1,
                                  sem1).wait()

            @pl.when(j < HALF // 2 - 1)
            def _():
                pltpu.async_copy(ts.at[src_v.at[2 * j + 2]], rows0, sem0)
            pltpu.sync_copy(rows1, acc_sh.at[dst_v.at[c + 1]], add=True)
            return 0
        lax.fori_loop(0, HALF // 2, pair, 0)
    plsc.subcore_barrier()
    pltpu.sync_copy(acc_sh.at[pl.ds(sid * OUT_PT, OUT_PT)],
                    out.at[cid, pl.ds(sid * OUT_PT, OUT_PT)])

    @pl.when(sid == NS - 1)
    def _():
        pltpu.sync_copy(acc_sh.at[pl.ds(TAIL_OFF, TAIL)],
                        out.at[cid, pl.ds(TAIL_OFF, TAIL)])


@functools.lru_cache(maxsize=None)
def _mp_kernel():
    mesh = plsc.VectorSubcoreMesh(core_axis_name="c", subcore_axis_name="s")
    return pl.kernel(
        _mp_body,
        out_type=jax.ShapeDtypeStruct((NC, N, H), jnp.float32),
        mesh=mesh,
        scratch_types=[
            pltpu.VMEM((HALF, CH), jnp.int32),
            pltpu.VMEM((NCHUNK, CH), jnp.int32),
            pltpu.VMEM((CH, H), jnp.float32),
            pltpu.VMEM((CH, H), jnp.float32),
            pltpu.VMEM_SHARED((NPAD, H), jnp.float32),
            pltpu.SemaphoreType.DMA,
            pltpu.SemaphoreType.DMA,
        ],
    )


def _ln_relu(h, g, b):
    mu = jnp.mean(h, axis=-1, keepdims=True)
    d = h - mu
    var = jnp.mean(d * d, axis=-1, keepdims=True)
    return jnp.maximum(d * lax.rsqrt(var + 1e-5) * g + b, 0.0)


def _pre_body(x_ref, wp_ref, bp_ref, gp_ref, bep_ref, o_ref):
    h = jnp.dot(x_ref[...], wp_ref[...],
                preferred_element_type=jnp.float32) + bp_ref[...]
    o_ref[...] = _ln_relu(h, gp_ref[...], bep_ref[...])


def _dinv_of(degp_blk):
    return lax.rsqrt(degp_blk[0, :, :1] + degp_blk[1, :, :1] + 1.0)


def _ts_body(h_ref, degp_ref, w_ref, o_ref):
    dinv = _dinv_of(degp_ref[...])
    t = jnp.dot(h_ref[...], w_ref[...], preferred_element_type=jnp.float32)
    o_ref[...] = t * dinv


def _mid_body(acc_ref, tsp_ref, degp_ref, b_ref, g_ref, be_ref, w_ref, o_ref):
    dinv = _dinv_of(degp_ref[...])
    conv = (acc_ref[0] + acc_ref[1] + tsp_ref[...]) * dinv + b_ref[...]
    h = _ln_relu(conv, g_ref[...], be_ref[...])
    t = jnp.dot(h, w_ref[...], preferred_element_type=jnp.float32)
    o_ref[...] = t * dinv


def _read_body(acc_ref, tsp_ref, degp_ref, b_ref, g_ref, be_ref, bat_ref,
               wpost_ref, o_ref, sums, cnts):
    i = pl.program_id(0)

    @pl.when(i == 0)
    def _():
        sums[...] = jnp.zeros_like(sums)
        cnts[...] = jnp.zeros_like(cnts)

    dinv = _dinv_of(degp_ref[...])
    conv = (acc_ref[0] + acc_ref[1] + tsp_ref[...]) * dinv + b_ref[...]
    h = _ln_relu(conv, g_ref[...], be_ref[...])
    bt = bat_ref[0, 0, :]
    onehot = (lax.broadcasted_iota(jnp.int32, (G, BLK), 0)
              == bt[None, :]).astype(jnp.float32)
    sums[...] += jnp.dot(onehot, h, preferred_element_type=jnp.float32)
    cnts[...] = cnts[...] + jnp.sum(onehot, axis=1, keepdims=True)

    @pl.when(i == NBLK - 1)
    def _():
        emb = sums[...] / jnp.maximum(cnts[...], 1.0)
        logits = jnp.dot(emb, wpost_ref[...],
                         preferred_element_type=jnp.float32)
        col = lax.broadcasted_iota(jnp.int32, (G, H), 1)
        lp = jnp.where(col < C, logits, -1e30)
        m = jnp.max(lp, axis=1, keepdims=True)
        z = lp - m
        lse = jnp.log(jnp.sum(jnp.exp(z), axis=1, keepdims=True))
        o_ref[...] = z - lse


def _row_spec(bs):
    return pl.BlockSpec(bs, lambda i: (i, 0))


def _full_spec(bs):
    return pl.BlockSpec(bs, lambda i: tuple(0 for _ in bs))


def kernel(x, edge_index, batch, W_pre, b_pre, g_pre, be_pre, W1, b1, g1,
           be1, W2, b2, g2, be2, W_post):
    f32 = jnp.float32
    npd = jnp.arange(EPAD - E, dtype=jnp.int32)
    ei = jnp.concatenate(
        [edge_index, jnp.stack([npd % N, N + npd % (NPAD - N)])], axis=1)
    srcr = ei[0].reshape(NW, NCHUNK, CH)
    dstr = ei[1].reshape(NW, NCHUNK, CH)
    batch3 = batch.reshape(NBLK, 1, BLK)
    b_pre2, g_pre2, be_pre2 = (b_pre.reshape(1, H), g_pre.reshape(1, H),
                               be_pre.reshape(1, H))
    b12, g12, be12 = b1.reshape(1, H), g1.reshape(1, H), be1.reshape(1, H)
    b22, g22, be22 = b2.reshape(1, H), g2.reshape(1, H), be2.reshape(1, H)
    wpost_pad = jnp.pad(W_post, ((0, 0), (0, H - C)))

    degp = _deg_kernel()(dstr)

    h0 = pl.pallas_call(
        _pre_body,
        grid=(NBLK,),
        in_specs=[_row_spec((BLK, D)), _full_spec((D, H)), _full_spec((1, H)),
                  _full_spec((1, H)), _full_spec((1, H))],
        out_specs=_row_spec((BLK, H)),
        out_shape=jax.ShapeDtypeStruct((N, H), f32),
    )(x, W_pre, b_pre2, g_pre2, be_pre2)

    acc_spec = pl.BlockSpec((NC, BLK, H), lambda i: (0, i, 0))
    deg_spec = acc_spec

    ts1 = pl.pallas_call(
        _ts_body,
        grid=(NBLK,),
        in_specs=[_row_spec((BLK, H)), deg_spec, _full_spec((H, H))],
        out_specs=_row_spec((BLK, H)),
        out_shape=jax.ShapeDtypeStruct((N, H), f32),
    )(h0, degp, W1)

    accs1 = _mp_kernel()(ts1, srcr, dstr)

    ts2 = pl.pallas_call(
        _mid_body,
        grid=(NBLK,),
        in_specs=[acc_spec, _row_spec((BLK, H)), deg_spec,
                  _full_spec((1, H)), _full_spec((1, H)), _full_spec((1, H)),
                  _full_spec((H, H))],
        out_specs=_row_spec((BLK, H)),
        out_shape=jax.ShapeDtypeStruct((N, H), f32),
    )(accs1, ts1, degp, b12, g12, be12, W2)

    accs2 = _mp_kernel()(ts2, srcr, dstr)

    logits = pl.pallas_call(
        _read_body,
        grid=(NBLK,),
        in_specs=[acc_spec, _row_spec((BLK, H)), deg_spec,
                  _full_spec((1, H)), _full_spec((1, H)), _full_spec((1, H)),
                  pl.BlockSpec((1, 1, BLK), lambda i: (i, 0, 0)),
                  _full_spec((H, H))],
        out_specs=_full_spec((G, H)),
        out_shape=jax.ShapeDtypeStruct((G, H), f32),
        scratch_shapes=[pltpu.VMEM((G, H), f32), pltpu.VMEM((G, H), f32)],
    )(accs2, ts2, degp, b22, g22, be22, batch3, wpost_pad)

    return logits[:, :C]

# --- scband reference (transcript-rebuilt; emitter-appended) ---
"""Pipeline reference for scband-graph-classifier-base-9397388444003 (READ-ONLY COPY).

The authoritative reference and input builder live on the scoring server;
editing this copy changes nothing except your own understanding.
"""

import jax, jax.numpy as jnp
import numpy as np

N = 10000
E = 320000
D = 128
H = 128
C = 10
G = 64


def layer_norm(h, gamma, beta):
    mu = jnp.mean(h, axis=-1, keepdims=True)
    var = jnp.var(h, axis=-1, keepdims=True)
    return (h - mu) * jax.lax.rsqrt(var + 1e-5) * gamma + beta


def gcn_conv(h, W, b, src, dst, n):
    # GCNConv: D^{-1/2} (A + I) D^{-1/2} (H W) + b
    h = h @ W
    loop = jnp.arange(n, dtype=src.dtype)
    src2 = jnp.concatenate([src, loop])
    dst2 = jnp.concatenate([dst, loop])
    deg = jnp.zeros((n,), dtype=h.dtype).at[dst2].add(1.0)
    dinv = jax.lax.rsqrt(jnp.maximum(deg, 1e-12))
    norm = dinv[src2] * dinv[dst2]
    msg = h[src2] * norm[:, None]
    out = jnp.zeros_like(h).at[dst2].add(msg)
    return out + b


def setup_inputs(seed: int = 0) -> dict:
    key = jax.random.key(seed)
    ks = jax.random.split(key, 20)
    s = 0.05
    inp = {
        'x': jax.random.normal(ks[0], (N, D), dtype=jnp.float32),
        'edge_index': jax.random.randint(ks[1], (2, E), 0, N, dtype=jnp.int32),
        'batch': jnp.sort(jax.random.randint(ks[2], (N,), 0, G, dtype=jnp.int32)),
        # pre-GNN MLP: Linear(D->H) + LayerNorm
        'W_pre': jax.random.normal(ks[3], (D, H), dtype=jnp.float32) * s,
        'b_pre': jnp.zeros((H,), dtype=jnp.float32),
        'g_pre': jnp.ones((H,), dtype=jnp.float32),
        'be_pre': jnp.zeros((H,), dtype=jnp.float32),
        # conv1 + norm
        'W1': jax.random.normal(ks[4], (H, H), dtype=jnp.float32) * s,
        'b1': jnp.zeros((H,), dtype=jnp.float32),
        'g1': jnp.ones((H,), dtype=jnp.float32),
        'be1': jnp.zeros((H,), dtype=jnp.float32),
        # conv2 + norm
        'W2': jax.random.normal(ks[5], (H, H), dtype=jnp.float32) * s,
        'b2': jnp.zeros((H,), dtype=jnp.float32),
        'g2': jnp.ones((H,), dtype=jnp.float32),
        'be2': jnp.zeros((H,), dtype=jnp.float32),
        # post-GNN MLP: Linear(H->C), bias=False, plain_last=True
        'W_post': jax.random.normal(ks[6], (H, C), dtype=jnp.float32) * s,
    }
    return inp


def reference(x, edge_index, batch, W_pre, b_pre, g_pre, be_pre, W1, b1, g1, be1, W2, b2, g2, be2, W_post):
    src, dst = edge_index[0], edge_index[1]
    n = x.shape[0]
    # pre_gnn MLP (plain_last=False): linear -> norm -> act (dropout p=0)
    h = x @ W_pre + b_pre
    h = layer_norm(h, g_pre, be_pre)
    h = jax.nn.relu(h)
    # conv block 1
    h = gcn_conv(h, W1, b1, src, dst, n)
    h = layer_norm(h, g1, be1)
    h = jax.nn.relu(h)
    # pool_method=None -> passthrough
    # conv block 2
    h = gcn_conv(h, W2, b2, src, dst, n)
    h = layer_norm(h, g2, be2)
    h = jax.nn.relu(h)
    # global mean readout per graph
    sums = jax.ops.segment_sum(h, batch, num_segments=G)
    cnts = jax.ops.segment_sum(jnp.ones((n, 1), dtype=h.dtype), batch, num_segments=G)
    emb = sums / jnp.maximum(cnts, 1.0)
    # post_gnn (single plain layer, no bias)
    logits = emb @ W_post
    return jax.nn.log_softmax(logits, axis=1)

if __name__ == "__main__":
    import jax
    _d = setup_inputs()
    print(jax.jit(kernel)(*tuple(_d.values())))

</pallas_src>

<mosaic_0001>
#map = affine_map<(d0, d1) -> (0, 0)>
#map1 = affine_map<(d0, d1) -> (0, 0, 0)>
module attributes {stable_mosaic.version = 14 : i64} {
  func.func @_mp_body(%arg0: i32, %arg1: i32, %arg2: memref<10000x128xf32, #tpu.memory_space<hbm>>, %arg3: memref<32x80x128xi32, #tpu.memory_space<hbm>>, %arg4: memref<32x80x128xi32, #tpu.memory_space<hbm>>, %arg5: memref<2x10000x128xf32, #tpu.memory_space<hbm>>, %arg6: memref<40x128xi32, #tpu.memory_space<vmem>>, %arg7: memref<80x128xi32, #tpu.memory_space<vmem>>, %arg8: memref<128x128xf32, #tpu.memory_space<vmem>>, %arg9: memref<128x128xf32, #tpu.memory_space<vmem>>, %arg10: memref<10240x128xf32, #tpu.memory_space<vmem_shared>>, %arg11: memref<!tpu.dma_semaphore, #tpu.memory_space<semaphore_mem>>, %arg12: memref<!tpu.dma_semaphore, #tpu.memory_space<semaphore_mem>>) attributes {dimension_semantics = [#tpu.dimension_semantics<core_parallel>, #tpu.dimension_semantics<subcore_parallel>], iteration_bounds = array<i64: 2, 16>, scalar_prefetch = 0 : i64, scratch_operands = 7 : i64, tpu.core_type = #tpu.core_type<sc_vector_subcore>, window_params = [{transform_indices = #map}, {transform_indices = #map1}, {transform_indices = #map1}, {transform_indices = #map1}]} {
    %mul3A = arith.constant 2 : i32
    %mul3A_0 = arith.muli %arg1, %mul3A : i32
    %add3A = arith.addi %mul3A_0, %arg0 : i32
    %broadcast_in_dim3A = arith.constant 0.000000e+00 : f32
    %broadcast_in_dim3A_1 = vector.broadcast %broadcast_in_dim3A : f32 to vector<16xf32>
    %scan3A = arith.constant 0 : i32
    %scan3A_2 = arith.constant 0 : i32
    %scan3A_3 = arith.constant 128 : i32
    %scan3A_4 = arith.addi %scan3A_2, %scan3A_3 : i32
    %scan3A_5 = arith.constant 1 : i32
    %scan3A_6 = scf.for %scan3A_62 = %scan3A_2 to %scan3A_4 step %scan3A_5 iter_args(%scan3A_63 = %scan3A) -> (i32)  : i32 {
      %swap3A = arith.index_cast %scan3A_62 : i32 to index
      %swap3A_64 = arith.constant 0 : index
      %swap3A_65 = tpu.vector_load %arg8[%swap3A, %swap3A_64] {strides = array<i32>} : memref<128x128xf32, #tpu.memory_space<vmem>>, vector<1x16xf32>,
      %swap3A_66 = vector.shape_cast %swap3A_65 : vector<1x16xf32> to vector<16xf32>
      %swap3A_67 = vector.shape_cast %broadcast_in_dim3A_1 : vector<16xf32> to vector<1x16xf32>
      tpu.vector_store %arg8[%swap3A, %swap3A_64], %swap3A_67 {strides = array<i32>} : memref<128x128xf32, #tpu.memory_space<vmem>>, vector<1x16xf32>,
      %swap3A_68 = arith.index_cast %scan3A_62 : i32 to index
      %swap3A_69 = arith.constant 16 : index
      %swap3A_70 = tpu.vector_load %arg8[%swap3A_68, %swap3A_69] {strides = array<i32>} : memref<128x128xf32, #tpu.memory_space<vmem>>, vector<1x16xf32>,
      %swap3A_71 = vector.shape_cast %swap3A_70 : vector<1x16xf32> to vector<16xf32>
      %swap3A_72 = vector.shape_cast %broadcast_in_dim3A_1 : vector<16xf32> to vector<1x16xf32>
      tpu.vector_store %arg8[%swap3A_68, %swap3A_69], %swap3A_72 {strides = array<i32>} : memref<128x128xf32, #tpu.memory_space<vmem>>, vector<1x16xf32>,
      %swap3A_73 = arith.index_cast %scan3A_62 : i32 to index
      %swap3A_74 = arith.constant 32 : index
      %swap3A_75 = tpu.vector_load %arg8[%swap3A_73, %swap3A_74] {strides = array<i32>} : memref<128x128xf32, #tpu.memory_space<vmem>>, vector<1x16xf32>,
      %swap3A_76 = vector.shape_cast %swap3A_75 : vector<1x16xf32> to vector<16xf32>
      %swap3A_77 = vector.shape_cast %broadcast_in_dim3A_1 : vector<16xf32> to vector<1x16xf32>
      tpu.vector_store %arg8[%swap3A_73, %swap3A_74], %swap3A_77 {strides = array<i32>} : memref<128x128xf32, #tpu.memory_space<vmem>>, vector<1x16xf32>,
      %swap3A_78 = arith.index_cast %scan3A_62 : i32 to index
      %swap3A_79 = arith.constant 48 : index
      %swap3A_80 = tpu.vector_load %arg8[%swap3A_78, %swap3A_79] {strides = array<i32>} : memref<128x128xf32, #tpu.memory_space<vmem>>, vector<1x16xf32>,
      %swap3A_81 = vector.shape_cast %swap3A_80 : vector<1x16xf32> to vector<16xf32>
      %swap3A_82 = vector.shape_cast %broadcast_in_dim3A_1 : vector<16xf32> to vector<1x16xf32>
      tpu.vector_store %arg8[%swap3A_78, %swap3A_79], %swap3A_82 {strides = array<i32>} : memref<128x128xf32, #tpu.memory_space<vmem>>, vector<1x16xf32>,
      %swap3A_83 = arith.index_cast %scan3A_62 : i32 to index
      %swap3A_84 = arith.constant 64 : index
      %swap3A_85 = tpu.vector_load %arg8[%swap3A_83, %swap3A_84] {strides = array<i32>} : memref<128x128xf32, #tpu.memory_space<vmem>>, vector<1x16xf32>,
      %swap3A_86 = vector.shape_cast %swap3A_85 : vector<1x16xf32> to vector<16xf32>
      %swap3A_87 = vector.shape_cast %broadcast_in_dim3A_1 : vector<16xf32> to vector<1x16xf32>
      tpu.vector_store %arg8[%swap3A_83, %swap3A_84], %swap3A_87 {strides = array<i32>} : memref<128x128xf32, #tpu.memory_space<vmem>>, vector<1x16xf32>,
      %swap3A_88 = arith.index_cast %scan3A_62 : i32 to index
      %swap3A_89 = arith.constant 80 : index
      %swap3A_90 = tpu.vector_load %arg8[%swap3A_88, %swap3A_89] {strides = array<i32>} : memref<128x128xf32, #tpu.memory_space<vmem>>, vector<1x16xf32>,
      %swap3A_91 = vector.shape_cast %swap3A_90 : vector<1x16xf32> to vector<16xf32>
      %swap3A_92 = vector.shape_cast %broadcast_in_dim3A_1 : vector<16xf32> to vector<1x16xf32>
      tpu.vector_store %arg8[%swap3A_88, %swap3A_89], %swap3A_92 {strides = array<i32>} : memref<128x128xf32, #tpu.memory_space<vmem>>, vector<1x16xf32>,
      %swap3A_93 = arith.index_cast %scan3A_62 : i32 to index
      %swap3A_94 = arith.constant 96 : index
      %swap3A_95 = tpu.vector_load %arg8[%swap3A_93, %swap3A_94] {strides = array<i32>} : memref<128x128xf32, #tpu.memory_space<vmem>>, vector<1x16xf32>,
      %swap3A_96 = vector.shape_cast %swap3A_95 : vector<1x16xf32> to vector<16xf32>
      %swap3A_97 = vector.shape_cast %broadcast_in_dim3A_1 : vector<16xf32> to vector<1x16xf32>
      tpu.vector_store %arg8[%swap3A_93, %swap3A_94], %swap3A_97 {strides = array<i32>} : memref<128x128xf32, #tpu.memory_space<vmem>>, vector<1x16xf32>,
      %swap3A_98 = arith.index_cast %scan3A_62 : i32 to index
      %swap3A_99 = arith.constant 112 : index
      %swap3A_100 = tpu.vector_load %arg8[%swap3A_98, %swap3A_99] {strides = array<i32>} : memref<128x128xf32, #tpu.memory_space<vmem>>, vector<1x16xf32>,
      %swap3A_101 = vector.shape_cast %swap3A_100 : vector<1x16xf32> to vector<16xf32>
      %swap3A_102 = vector.shape_cast %broadcast_in_dim3A_1 : vector<16xf32> to vector<1x16xf32>
      tpu.vector_store %arg8[%swap3A_98, %swap3A_99], %swap3A_102 {strides = array<i32>} : memref<128x128xf32, #tpu.memory_space<vmem>>, vector<1x16xf32>,
      %scan3A_103 = arith.constant 0 : i32
      scf.yield %scan3A_103 : i32
    }
    %scan3A_7 = arith.constant 128 : i32
    %mul3A_8 = arith.constant 640 : i32
    %mul3A_9 = arith.muli %arg1, %mul3A_8 : i32
    %add3A_10 = arith.constant 0 : i32
    %add3A_11 = arith.addi %mul3A_9, %add3A_10 : i32
    "tpu.region"() ({
      %run_scoped3A = tpu.sem_alloc : memref<!tpu.dma_semaphore, #tpu.memory_space<semaphore_mem>>
      %dma_start3A_62 = arith.constant 0 : i32
      %dma_start3A_63 = tpu.memref_slice %arg10[%add3A_11, %dma_start3A_62] : memref<10240x128xf32, #tpu.memory_space<vmem_shared>> -> memref<128x128xf32, #tpu.memory_space<vmem_shared>>
      %dma_start3A_64 = arith.constant 0 : i32
      %dma_start3A_65 = tpu.memref_slice %arg10[%add3A_11, %dma_start3A_64] : memref<10240x128xf32, #tpu.memory_space<vmem_shared>> -> memref<128x128xf32, #tpu.memory_space<vmem_shared>>
      tpu.enqueue_dma source(%arg8 : memref<128x128xf32, #tpu.memory_space<vmem>>) target(%dma_start3A_65 : memref<128x128xf32, #tpu.memory_space<vmem_shared>>) target_semaphore(%run_scoped3A : memref<!tpu.dma_semaphore, #tpu.memory_space<semaphore_mem>>)
      %dma_wait3A = arith.constant 0 : i32
      %dma_wait3A_66 = tpu.memref_slice %arg10[%add3A_11, %dma_wait3A] : memref<10240x128xf32, #tpu.memory_space<vmem_shared>> -> memref<128x128xf32, #tpu.memory_space<vmem_shared>>
      %dma_wait3A_67 = arith.constant 0 : i32
      %dma_wait3A_68 = tpu.memref_slice %arg10[%add3A_11, %dma_wait3A_67] : memref<10240x128xf32, #tpu.memory_space<vmem_shared>> -> memref<128x128xf32, #tpu.memory_space<vmem_shared>>
      tpu.wait_dma2 semaphore(%run_scoped3A : memref<!tpu.dma_semaphore, #tpu.memory_space<semaphore_mem>>) src(%arg8 : memref<128x128xf32, #tpu.memory_space<vmem>>) dst(%dma_wait3A_68 : memref<128x128xf32, #tpu.memory_space<vmem_shared>>)
      tpu.yield
    }) : () -> ()
    %mul3A_12 = arith.constant 640 : i32
    %mul3A_13 = arith.muli %arg1, %mul3A_12 : i32
    %add3A_14 = arith.constant 128 : i32
    %add3A_15 = arith.addi %mul3A_13, %add3A_14 : i32
    "tpu.region"() ({
      %run_scoped3A = tpu.sem_alloc : memref<!tpu.dma_semaphore, #tpu.memory_space<semaphore_mem>>
      %dma_start3A_62 = arith.constant 0 : i32
      %dma_start3A_63 = tpu.memref_slice %arg10[%add3A_15, %dma_start3A_62] : memref<10240x128xf32, #tpu.memory_space<vmem_shared>> -> memref<128x128xf32, #tpu.memory_space<vmem_shared>>
      %dma_start3A_64 = arith.constant 0 : i32
      %dma_start3A_65 = tpu.memref_slice %arg10[%add3A_15, %dma_start3A_64] : memref<10240x128xf32, #tpu.memory_space<vmem_shared>> -> memref<128x128xf32, #tpu.memory_space<vmem_shared>>
      tpu.enqueue_dma source(%arg8 : memref<128x128xf32, #tpu.memory_space<vmem>>) target(%dma_start3A_65 : memref<128x128xf32, #tpu.memory_space<vmem_shared>>) target_semaphore(%run_scoped3A : memref<!tpu.dma_semaphore, #tpu.memory_space<semaphore_mem>>)
      %dma_wait3A = arith.constant 0 : i32
      %dma_wait3A_66 = tpu.memref_slice %arg10[%add3A_15, %dma_wait3A] : memref<10240x128xf32, #tpu.memory_space<vmem_shared>> -> memref<128x128xf32, #tpu.memory_space<vmem_shared>>
      %dma_wait3A_67 = arith.constant 0 : i32
      %dma_wait3A_68 = tpu.memref_slice %arg10[%add3A_15, %dma_wait3A_67] : memref<10240x128xf32, #tpu.memory_space<vmem_shared>> -> memref<128x128xf32, #tpu.memory_space<vmem_shared>>
      tpu.wait_dma2 semaphore(%run_scoped3A : memref<!tpu.dma_semaphore, #tpu.memory_space<semaphore_mem>>) src(%arg8 : memref<128x128xf32, #tpu.memory_space<vmem>>) dst(%dma_wait3A_68 : memref<128x128xf32, #tpu.memory_space<vmem_shared>>)
      tpu.yield
    }) : () -> ()
    %mul3A_16 = arith.constant 640 : i32
    %mul3A_17 = arith.muli %arg1, %mul3A_16 : i32
    %add3A_18 = arith.constant 256 : i32
    %add3A_19 = arith.addi %mul3A_17, %add3A_18 : i32
    "tpu.region"() ({
      %run_scoped3A = tpu.sem_alloc : memref<!tpu.dma_semaphore, #tpu.memory_space<semaphore_mem>>
      %dma_start3A_62 = arith.constant 0 : i32
      %dma_start3A_63 = tpu.memref_slice %arg10[%add3A_19, %dma_start3A_62] : memref<10240x128xf32, #tpu.memory_space<vmem_shared>> -> memref<128x128xf32, #tpu.memory_space<vmem_shared>>
      %dma_start3A_64 = arith.constant 0 : i32
      %dma_start3A_65 = tpu.memref_slice %arg10[%add3A_19, %dma_start3A_64] : memref<10240x128xf32, #tpu.memory_space<vmem_shared>> -> memref<128x128xf32, #tpu.memory_space<vmem_shared>>
      tpu.enqueue_dma source(%arg8 : memref<128x128xf32, #tpu.memory_space<vmem>>) target(%dma_start3A_65 : memref<128x128xf32, #tpu.memory_space<vmem_shared>>) target_semaphore(%run_scoped3A : memref<!tpu.dma_semaphore, #tpu.memory_space<semaphore_mem>>)
      %dma_wait3A = arith.constant 0 : i32
      %dma_wait3A_66 = tpu.memref_slice %arg10[%add3A_19, %dma_wait3A] : memref<10240x128xf32, #tpu.memory_space<vmem_shared>> -> memref<128x128xf32, #tpu.memory_space<vmem_shared>>
      %dma_wait3A_67 = arith.constant 0 : i32
      %dma_wait3A_68 = tpu.memref_slice %arg10[%add3A_19, %dma_wait3A_67] : memref<10240x128xf32, #tpu.memory_space<vmem_shared>> -> memref<128x128xf32, #tpu.memory_space<vmem_shared>>
      tpu.wait_dma2 semaphore(%run_scoped3A : memref<!tpu.dma_semaphore, #tpu.memory_space<semaphore_mem>>) src(%arg8 : memref<128x128xf32, #tpu.memory_space<vmem>>) dst(%dma_wait3A_68 : memref<128x128xf32, #tpu.memory_space<vmem_shared>>)
      tpu.yield
    }) : () -> ()
    %mul3A_20 = arith.constant 640 : i32
    %mul3A_21 = arith.muli %arg1, %mul3A_20 : i32
    %add3A_22 = arith.constant 384 : i32
    %add3A_23 = arith.addi %mul3A_21, %add3A_22 : i32
    "tpu.region"() ({
      %run_scoped3A = tpu.sem_alloc : memref<!tpu.dma_semaphore, #tpu.memory_space<semaphore_mem>>
      %dma_start3A_62 = arith.constant 0 : i32
      %dma_start3A_63 = tpu.memref_slice %arg10[%add3A_23, %dma_start3A_62] : memref<10240x128xf32, #tpu.memory_space<vmem_shared>> -> memref<128x128xf32, #tpu.memory_space<vmem_shared>>
      %dma_start3A_64 = arith.constant 0 : i32
      %dma_start3A_65 = tpu.memref_slice %arg10[%add3A_23, %dma_start3A_64] : memref<10240x128xf32, #tpu.memory_space<vmem_shared>> -> memref<128x128xf32, #tpu.memory_space<vmem_shared>>
      tpu.enqueue_dma source(%arg8 : memref<128x128xf32, #tpu.memory_space<vmem>>) target(%dma_start3A_65 : memref<128x128xf32, #tpu.memory_space<vmem_shared>>) target_semaphore(%run_scoped3A : memref<!tpu.dma_semaphore, #tpu.memory_space<semaphore_mem>>)
      %dma_wait3A = arith.constant 0 : i32
      %dma_wait3A_66 = tpu.memref_slice %arg10[%add3A_23, %dma_wait3A] : memref<10240x128xf32, #tpu.memory_space<vmem_shared>> -> memref<128x128xf32, #tpu.memory_space<vmem_shared>>
      %dma_wait3A_67 = arith.constant 0 : i32
      %dma_wait3A_68 = tpu.memref_slice %arg10[%add3A_23, %dma_wait3A_67] : memref<10240x128xf32, #tpu.memory_space<vmem_shared>> -> memref<128x128xf32, #tpu.memory_space<vmem_shared>>
      tpu.wait_dma2 semaphore(%run_scoped3A : memref<!tpu.dma_semaphore, #tpu.memory_space<semaphore_mem>>) src(%arg8 : memref<128x128xf32, #tpu.memory_space<vmem>>) dst(%dma_wait3A_68 : memref<128x128xf32, #tpu.memory_space<vmem_shared>>)
      tpu.yield
    }) : () -> ()
    %mul3A_24 = arith.constant 640 : i32
    %mul3A_25 = arith.muli %arg1, %mul3A_24 : i32
    %add3A_26 = arith.constant 512 : i32
    %add3A_27 = arith.addi %mul3A_25, %add3A_26 : i32
    "tpu.region"() ({
      %run_scoped3A = tpu.sem_alloc : memref<!tpu.dma_semaphore, #tpu.memory_space<semaphore_mem>>
      %dma_start3A_62 = arith.constant 0 : i32
      %dma_start3A_63 = tpu.memref_slice %arg10[%add3A_27, %dma_start3A_62] : memref<10240x128xf32, #tpu.memory_space<vmem_shared>> -> memref<128x128xf32, #tpu.memory_space<vmem_shared>>
      %dma_start3A_64 = arith.constant 0 : i32
      %dma_start3A_65 = tpu.memref_slice %arg10[%add3A_27, %dma_start3A_64] : memref<10240x128xf32, #tpu.memory_space<vmem_shared>> -> memref<128x128xf32, #tpu.memory_space<vmem_shared>>
      tpu.enqueue_dma source(%arg8 : memref<128x128xf32, #tpu.memory_space<vmem>>) target(%dma_start3A_65 : memref<128x128xf32, #tpu.memory_space<vmem_shared>>) target_semaphore(%run_scoped3A : memref<!tpu.dma_semaphore, #tpu.memory_space<semaphore_mem>>)
      %dma_wait3A = arith.constant 0 : i32
      %dma_wait3A_66 = tpu.memref_slice %arg10[%add3A_27, %dma_wait3A] : memref<10240x128xf32, #tpu.memory_space<vmem_shared>> -> memref<128x128xf32, #tpu.memory_space<vmem_shared>>
      %dma_wait3A_67 = arith.constant 0 : i32
      %dma_wait3A_68 = tpu.memref_slice %arg10[%add3A_27, %dma_wait3A_67] : memref<10240x128xf32, #tpu.memory_space<vmem_shared>> -> memref<128x128xf32, #tpu.memory_space<vmem_shared>>
      tpu.wait_dma2 semaphore(%run_scoped3A : memref<!tpu.dma_semaphore, #tpu.memory_space<semaphore_mem>>) src(%arg8 : memref<128x128xf32, #tpu.memory_space<vmem>>) dst(%dma_wait3A_68 : memref<128x128xf32, #tpu.memory_space<vmem_shared>>)
      tpu.yield
    }) : () -> ()
    "tpu.region"() ({
      %run_scoped3A = tpu.sem_alloc : memref<!tpu.dma_semaphore, #tpu.memory_space<semaphore_mem>>
      %dma_start3A_62 = arith.constant 0 : i32
      %dma_start3A_63 = arith.constant 0 : i32
      %dma_start3A_64 = tpu.memref_slice %arg4[%add3A, %dma_start3A_62, %dma_start3A_63] : memref<32x80x128xi32, #tpu.memory_space<hbm>> -> memref<1x80x128xi32, #tpu.memory_space<hbm>>
      %dma_start3A_65 = tpu.memref_squeeze %dma_start3A_64 : memref<1x80x128xi32, #tpu.memory_space<hbm>> -> memref<80x128xi32, #tpu.memory_space<hbm>>
      %dma_start3A_66 = arith.constant 0 : i32
      %dma_start3A_67 = arith.constant 0 : i32
      %dma_start3A_68 = tpu.memref_slice %arg4[%add3A, %dma_start3A_66, %dma_start3A_67] : memref<32x80x128xi32, #tpu.memory_space<hbm>> -> memref<1x80x128xi32, #tpu.memory_space<hbm>>
      %dma_start3A_69 = tpu.memref_squeeze %dma_start3A_68 : memref<1x80x128xi32, #tpu.memory_space<hbm>> -> memref<80x128xi32, #tpu.memory_space<hbm>>
      tpu.enqueue_dma source(%dma_start3A_69 : memref<80x128xi32, #tpu.memory_space<hbm>>) target(%arg7 : memref<80x128xi32, #tpu.memory_space<vmem>>) target_semaphore(%run_scoped3A : memref<!tpu.dma_semaphore, #tpu.memory_space<semaphore_mem>>)
      %dma_wait3A = arith.constant 0 : i32
      %dma_wait3A_70 = arith.constant 0 : i32
      %dma_wait3A_71 = tpu.memref_slice %arg4[%add3A, %dma_wait3A, %dma_wait3A_70] : memref<32x80x128xi32, #tpu.memory_space<hbm>> -> memref<1x80x128xi32, #tpu.memory_space<hbm>>
      %dma_wait3A_72 = tpu.memref_squeeze %dma_wait3A_71 : memref<1x80x128xi32, #tpu.memory_space<hbm>> -> memref<80x128xi32, #tpu.memory_space<hbm>>
      %dma_wait3A_73 = arith.constant 0 : i32
      %dma_wait3A_74 = arith.constant 0 : i32
      %dma_wait3A_75 = tpu.memref_slice %arg4[%add3A, %dma_wait3A_73, %dma_wait3A_74] : memref<32x80x128xi32, #tpu.memory_space<hbm>> -> memref<1x80x128xi32, #tpu.memory_space<hbm>>
      %dma_wait3A_76 = tpu.memref_squeeze %dma_wait3A_75 : memref<1x80x128xi32, #tpu.memory_space<hbm>> -> memref<80x128xi32, #tpu.memory_space<hbm>>
      tpu.wait_dma2 semaphore(%run_scoped3A : memref<!tpu.dma_semaphore, #tpu.memory_space<semaphore_mem>>) src(%dma_wait3A_76 : memref<80x128xi32, #tpu.memory_space<hbm>>) dst(%arg7 : memref<80x128xi32, #tpu.memory_space<vmem>>)
      tpu.yield
    }) : () -> ()
    "tpu.region"() ({
      %run_scoped3A = tpu.sem_alloc : memref<!tpu.dma_semaphore, #tpu.memory_space<semaphore_mem>>
      %dma_start3A_62 = arith.constant 0 : i32
      %dma_start3A_63 = arith.constant 0 : i32
      %dma_start3A_64 = tpu.memref_slice %arg3[%add3A, %dma_start3A_62, %dma_start3A_63] : memref<32x80x128xi32, #tpu.memory_space<hbm>> -> memref<1x40x128xi32, #tpu.memory_space<hbm>>
      %dma_start3A_65 = tpu.memref_squeeze %dma_start3A_64 : memref<1x40x128xi32, #tpu.memory_space<hbm>> -> memref<40x128xi32, #tpu.memory_space<hbm>>
      %dma_start3A_66 = arith.constant 0 : i32
      %dma_start3A_67 = arith.constant 0 : i32
      %dma_start3A_68 = tpu.memref_slice %arg3[%add3A, %dma_start3A_66, %dma_start3A_67] : memref<32x80x128xi32, #tpu.memory_space<hbm>> -> memref<1x40x128xi32, #tpu.memory_space<hbm>>
      %dma_start3A_69 = tpu.memref_squeeze %dma_start3A_68 : memref<1x40x128xi32, #tpu.memory_space<hbm>> -> memref<40x128xi32, #tpu.memory_space<hbm>>
      tpu.enqueue_dma source(%dma_start3A_69 : memref<40x128xi32, #tpu.memory_space<hbm>>) target(%arg6 : memref<40x128xi32, #tpu.memory_space<vmem>>) target_semaphore(%run_scoped3A : memref<!tpu.dma_semaphore, #tpu.memory_space<semaphore_mem>>)
      %dma_wait3A = arith.constant 0 : i32
      %dma_wait3A_70 = arith.constant 0 : i32
      %dma_wait3A_71 = tpu.memref_slice %arg3[%add3A, %dma_wait3A, %dma_wait3A_70] : memref<32x80x128xi32, #tpu.memory_space<hbm>> -> memref<1x40x128xi32, #tpu.memory_space<hbm>>
      %dma_wait3A_72 = tpu.memref_squeeze %dma_wait3A_71 : memref<1x40x128xi32, #tpu.memory_space<hbm>> -> memref<40x128xi32, #tpu.memory_space<hbm>>
      %dma_wait3A_73 = arith.constant 0 : i32
      %dma_wait3A_74 = arith.constant 0 : i32
      %dma_wait3A_75 = tpu.memref_slice %arg3[%add3A, %dma_wait3A_73, %dma_wait3A_74] : memref<32x80x128xi32, #tpu.memory_space<hbm>> -> memref<1x40x128xi32, #tpu.memory_space<hbm>>
      %dma_wait3A_76 = tpu.memref_squeeze %dma_wait3A_75 : memref<1x40x128xi32, #tpu.memory_space<hbm>> -> memref<40x128xi32, #tpu.memory_space<hbm>>
      tpu.wait_dma2 semaphore(%run_scoped3A : memref<!tpu.dma_semaphore, #tpu.memory_space<semaphore_mem>>) src(%dma_wait3A_76 : memref<40x128xi32, #tpu.memory_space<hbm>>) dst(%arg6 : memref<40x128xi32, #tpu.memory_space<vmem>>)
      tpu.yield
    }) : () -> ()
    %barrier3A = arith.constant 0 : index
    tpu.barrier barrier_id(%barrier3A)
    %dma_start3A = arith.constant 0 : i32
    %dma_start3A_28 = arith.constant 0 : i32
    %dma_start3A_29 = tpu.memref_slice %arg6[%dma_start3A, %dma_start3A_28] : memref<40x128xi32, #tpu.memory_space<vmem>> -> memref<1x128xi32, #tpu.memory_space<vmem>>
    %dma_start3A_30 = tpu.memref_squeeze %dma_start3A_29 : memref<1x128xi32, #tpu.memory_space<vmem>> -> memref<128xi32, #tpu.memory_space<vmem>>
    %dma_start3A_31 = arith.constant 0 : i32
    %dma_start3A_32 = arith.constant 0 : i32
    %dma_start3A_33 = tpu.memref_slice %arg2[%dma_start3A_31, %dma_start3A_32] : memref<10000x128xf32, #tpu.memory_space<hbm>> -> memref<10000x128xf32, #tpu.memory_space<hbm>>
    tpu.enqueue_indirect_dma source(%dma_start3A_33 : memref<10000x128xf32, #tpu.memory_space<hbm>>) target(%arg8 : memref<128x128xf32, #tpu.memory_space<vmem>>) offsets(%dma_start3A_30 : memref<128xi32, #tpu.memory_space<vmem>>) semaphore(%arg11 : memref<!tpu.dma_semaphore, #tpu.memory_space<semaphore_mem>>)
    %scan3A_34 = arith.constant 0 : i32
    %scan3A_35 = arith.constant 0 : i32
    %scan3A_36 = arith.constant 20 : i32
    %scan3A_37 = arith.addi %scan3A_35, %scan3A_36 : i32
    %scan3A_38 = arith.constant 1 : i32
    %scan3A_39 = scf.for %scan3A_62 = %scan3A_35 to %scan3A_37 step %scan3A_38 iter_args(%scan3A_63 = %scan3A_34) -> (i32)  : i32 {
      %mul3A_64 = arith.constant 2 : i32
      %mul3A_65 = arith.muli %mul3A_64, %scan3A_62 : i32
      %add3A_66 = arith.constant 0 : i32
      %add3A_67 = arith.addi %add3A_66, %mul3A_65 : i32
      %mul3A_68 = arith.constant 2 : i32
      %mul3A_69 = arith.muli %mul3A_68, %scan3A_62 : i32
      %dma_wait3A = arith.constant 0 : i32
      %dma_wait3A_70 = tpu.memref_slice %arg6[%mul3A_69, %dma_wait3A] : memref<40x128xi32, #tpu.memory_space<vmem>> -> memref<1x128xi32, #tpu.memory_space<vmem>>
      %dma_wait3A_71 = tpu.memref_squeeze %dma_wait3A_70 : memref<1x128xi32, #tpu.memory_space<vmem>> -> memref<128xi32, #tpu.memory_space<vmem>>
      %dma_wait3A_72 = arith.constant 0 : i32
      %dma_wait3A_73 = arith.constant 0 : i32
      %dma_wait3A_74 = tpu.memref_slice %arg2[%dma_wait3A_72, %dma_wait3A_73] : memref<10000x128xf32, #tpu.memory_space<hbm>> -> memref<10000x128xf32, #tpu.memory_space<hbm>>
      tpu.wait_indirect_dma semaphore(%arg11 : memref<!tpu.dma_semaphore, #tpu.memory_space<semaphore_mem>>) src(%dma_wait3A_74 : memref<10000x128xf32, #tpu.memory_space<hbm>>) dst(%arg8 : memref<128x128xf32, #tpu.memory_space<vmem>>)
      %mul3A_75 = arith.constant 2 : i32
      %mul3A_76 = arith.muli %mul3A_75, %scan3A_62 : i32
      %add3A_77 = arith.constant 1 : i32
      %add3A_78 = arith.addi %mul3A_76, %add3A_77 : i32
      %dma_start3A_79 = arith.constant 0 : i32
      %dma_start3A_80 = tpu.memref_slice %arg6[%add3A_78, %dma_start3A_79] : memref<40x128xi32, #tpu.memory_space<vmem>> -> memref<1x128xi32, #tpu.memory_space<vmem>>
      %dma_start3A_81 = tpu.memref_squeeze %dma_start3A_80 : memref<1x128xi32, #tpu.memory_space<vmem>> -> memref<128xi32, #tpu.memory_space<vmem>>
      %dma_start3A_82 = arith.constant 0 : i32
      %dma_start3A_83 = arith.constant 0 : i32
      %dma_start3A_84 = tpu.memref_slice %arg2[%dma_start3A_82, %dma_start3A_83] : memref<10000x128xf32, #tpu.memory_space<hbm>> -> memref<10000x128xf32, #tpu.memory_space<hbm>>
      tpu.enqueue_indirect_dma source(%dma_start3A_84 : memref<10000x128xf32, #tpu.memory_space<hbm>>) target(%arg9 : memref<128x128xf32, #tpu.memory_space<vmem>>) offsets(%dma_start3A_81 : memref<128xi32, #tpu.memory_space<vmem>>) semaphore(%arg12 : memref<!tpu.dma_semaphore, #tpu.memory_space<semaphore_mem>>)
      "tpu.region"() ({
        %run_scoped3A = tpu.sem_alloc : memref<!tpu.dma_semaphore, #tpu.memory_space<semaphore_mem>>
        %dma_start3A_102 = arith.constant 0 : i32
        %dma_start3A_103 = tpu.memref_slice %arg7[%add3A_67, %dma_start3A_102] : memref<80x128xi32, #tpu.memory_space<vmem>> -> memref<1x128xi32, #tpu.memory_space<vmem>>
        %dma_start3A_104 = tpu.memref_squeeze %dma_start3A_103 : memref<1x128xi32, #tpu.memory_space<vmem>> -> memref<128xi32, #tpu.memory_space<vmem>>
        %dma_start3A_105 = arith.constant 0 : i32
        %dma_start3A_106 = arith.constant 0 : i32
        %dma_start3A_107 = tpu.memref_slice %arg10[%dma_start3A_105, %dma_start3A_106] : memref<10240x128xf32, #tpu.memory_space<vmem_shared>> -> memref<10240x128xf32, #tpu.memory_space<vmem_shared>>
        tpu.enqueue_indirect_dma source(%arg8 : memref<128x128xf32, #tpu.memory_space<vmem>>) target(%dma_start3A_107 : memref<10240x128xf32, #tpu.memory_space<vmem_shared>>) offsets(%dma_start3A_104 : memref<128xi32, #tpu.memory_space<vmem>>) semaphore(%run_scoped3A : memref<!tpu.dma_semaphore, #tpu.memory_space<semaphore_mem>>) {add = true}
        %dma_wait3A_108 = arith.constant 0 : i32
        %dma_wait3A_109 = tpu.memref_slice %arg7[%add3A_67, %dma_wait3A_108] : memref<80x128xi32, #tpu.memory_space<vmem>> -> memref<1x128xi32, #tpu.memory_space<vmem>>
        %dma_wait3A_110 = tpu.memref_squeeze %dma_wait3A_109 : memref<1x128xi32, #tpu.memory_space<vmem>> -> memref<128xi32, #tpu.memory_space<vmem>>
        %dma_wait3A_111 = arith.constant 0 : i32
        %dma_wait3A_112 = arith.constant 0 : i32
        %dma_wait3A_113 = tpu.memref_slice %arg10[%dma_wait3A_111, %dma_wait3A_112] : memref<10240x128xf32, #tpu.memory_space<vmem_shared>> -> memref<10240x128xf32, #tpu.memory_space<vmem_shared>>
        tpu.wait_indirect_dma semaphore(%run_scoped3A : memref<!tpu.dma_semaphore, #tpu.memory_space<semaphore_mem>>) src(%arg8 : memref<128x128xf32, #tpu.memory_space<vmem>>) dst(%dma_wait3A_113 : memref<10240x128xf32, #tpu.memory_space<vmem_shared>>)
        tpu.yield
      }) : () -> ()
      %mul3A_85 = arith.constant 2 : i32
      %mul3A_86 = arith.muli %mul3A_85, %scan3A_62 : i32
      %add3A_87 = arith.constant 1 : i32
      %add3A_88 = arith.addi %mul3A_86, %add3A_87 : i32
      %dma_wait3A_89 = arith.constant 0 : i32
      %dma_wait3A_90 = tpu.memref_slice %arg6[%add3A_88, %dma_wait3A_89] : memref<40x128xi32, #tpu.memory_space<vmem>> -> memref<1x128xi32, #tpu.memory_space<vmem>>
      %dma_wait3A_91 = tpu.memref_squeeze %dma_wait3A_90 : memref<1x128xi32, #tpu.memory_space<vmem>> -> memref<128xi32, #tpu.memory_space<vmem>>
      %dma_wait3A_92 = arith.constant 0 : i32
      %dma_wait3A_93 = arith.constant 0 : i32
      %dma_wait3A_94 = tpu.memref_slice %arg2[%dma_wait3A_92, %dma_wait3A_93] : memref<10000x128xf32, #tpu.memory_space<hbm>> -> memref<10000x128xf32, #tpu.memory_space<hbm>>
      tpu.wait_indirect_dma semaphore(%arg12 : memref<!tpu.dma_semaphore, #tpu.memory_space<semaphore_mem>>) src(%dma_wait3A_94 : memref<10000x128xf32, #tpu.memory_space<hbm>>) dst(%arg9 : memref<128x128xf32, #tpu.memory_space<vmem>>)
      %lt3A = arith.constant 19 : i32
      %lt3A_95 = arith.cmpi slt, %scan3A_62, %lt3A : i32
      %convert_element_type3A_96 = arith.extui %lt3A_95 : i1 to i32
      %cond3A_97 = arith.constant 0 : i32
      %cond3A_98 = arith.cmpi ne, %convert_element_type3A_96, %cond3A_97 : i32
      scf.if %cond3A_98 {
        %mul3A_102 = arith.constant 2 : i32
        %mul3A_103 = arith.muli %mul3A_102, %scan3A_62 : i32
        %add3A_104 = arith.constant 2 : i32
        %add3A_105 = arith.addi %mul3A_103, %add3A_104 : i32
        %dma_start3A_106 = arith.constant 0 : i32
        %dma_start3A_107 = tpu.memref_slice %arg6[%add3A_105, %dma_start3A_106] : memref<40x128xi32, #tpu.memory_space<vmem>> -> memref<1x128xi32, #tpu.memory_space<vmem>>
        %dma_start3A_108 = tpu.memref_squeeze %dma_start3A_107 : memref<1x128xi32, #tpu.memory_space<vmem>> -> memref<128xi32, #tpu.memory_space<vmem>>
        %dma_start3A_109 = arith.constant 0 : i32
        %dma_start3A_110 = arith.constant 0 : i32
        %dma_start3A_111 = tpu.memref_slice %arg2[%dma_start3A_109, %dma_start3A_110] : memref<10000x128xf32, #tpu.memory_space<hbm>> -> memref<10000x128xf32, #tpu.memory_space<hbm>>
        tpu.enqueue_indirect_dma source(%dma_start3A_111 : memref<10000x128xf32, #tpu.memory_space<hbm>>) target(%arg8 : memref<128x128xf32, #tpu.memory_space<vmem>>) offsets(%dma_start3A_108 : memref<128xi32, #tpu.memory_space<vmem>>) semaphore(%arg11 : memref<!tpu.dma_semaphore, #tpu.memory_space<semaphore_mem>>)
      } else {
      }
      %add3A_99 = arith.constant 1 : i32
      %add3A_100 = arith.addi %add3A_67, %add3A_99 : i32
      "tpu.region"() ({
        %run_scoped3A = tpu.sem_alloc : memref<!tpu.dma_semaphore, #tpu.memory_space<semaphore_mem>>
        %dma_start3A_102 = arith.constant 0 : i32
        %dma_start3A_103 = tpu.memref_slice %arg7[%add3A_100, %dma_start3A_102] : memref<80x128xi32, #tpu.memory_space<vmem>> -> memref<1x128xi32, #tpu.memory_space<vmem>>
        %dma_start3A_104 = tpu.memref_squeeze %dma_start3A_103 : memref<1x128xi32, #tpu.memory_space<vmem>> -> memref<128xi32, #tpu.memory_space<vmem>>
        %dma_start3A_105 = arith.constant 0 : i32
        %dma_start3A_106 = arith.constant 0 : i32
        %dma_start3A_107 = tpu.memref_slice %arg10[%dma_start3A_105, %dma_start3A_106] : memref<10240x128xf32, #tpu.memory_space<vmem_shared>> -> memref<10240x128xf32, #tpu.memory_space<vmem_shared>>
        tpu.enqueue_indirect_dma source(%arg9 : memref<128x128xf32, #tpu.memory_space<vmem>>) target(%dma_start3A_107 : memref<10240x128xf32, #tpu.memory_space<vmem_shared>>) offsets(%dma_start3A_104 : memref<128xi32, #tpu.memory_space<vmem>>) semaphore(%run_scoped3A : memref<!tpu.dma_semaphore, #tpu.memory_space<semaphore_mem>>) {add = true}
        %dma_wait3A_108 = arith.constant 0 : i32
        %dma_wait3A_109 = tpu.memref_slice %arg7[%add3A_100, %dma_wait3A_108] : memref<80x128xi32, #tpu.memory_space<vmem>> -> memref<1x128xi32, #tpu.memory_space<vmem>>
        %dma_wait3A_110 = tpu.memref_squeeze %dma_wait3A_109 : memref<1x128xi32, #tpu.memory_space<vmem>> -> memref<128xi32, #tpu.memory_space<vmem>>
        %dma_wait3A_111 = arith.constant 0 : i32
        %dma_wait3A_112 = arith.constant 0 : i32
        %dma_wait3A_113 = tpu.memref_slice %arg10[%dma_wait3A_111, %dma_wait3A_112] : memref<10240x128xf32, #tpu.memory_space<vmem_shared>> -> memref<10240x128xf32, #tpu.memory_space<vmem_shared>>
        tpu.wait_indirect_dma semaphore(%run_scoped3A : memref<!tpu.dma_semaphore, #tpu.memory_space<semaphore_mem>>) src(%arg9 : memref<128x128xf32, #tpu.memory_space<vmem>>) dst(%dma_wait3A_113 : memref<10240x128xf32, #tpu.memory_space<vmem_shared>>)
        tpu.yield
      }) : () -> ()
      %scan3A_101 = arith.constant 0 : i32
      scf.yield %scan3A_101 : i32
    }
    %scan3A_40 = arith.constant 20 : i32
    "tpu.region"() ({
      %run_scoped3A = tpu.sem_alloc : memref<!tpu.dma_semaphore, #tpu.memory_space<semaphore_mem>>
      %dma_start3A_62 = arith.constant 40 : i32
      %dma_start3A_63 = arith.constant 0 : i32
      %dma_start3A_64 = tpu.memref_slice %arg3[%add3A, %dma_start3A_62, %dma_start3A_63] : memref<32x80x128xi32, #tpu.memory_space<hbm>> -> memref<1x40x128xi32, #tpu.memory_space<hbm>>
      %dma_start3A_65 = tpu.memref_squeeze %dma_start3A_64 : memref<1x40x128xi32, #tpu.memory_space<hbm>> -> memref<40x128xi32, #tpu.memory_space<hbm>>
      %dma_start3A_66 = arith.constant 40 : i32
      %dma_start3A_67 = arith.constant 0 : i32
      %dma_start3A_68 = tpu.memref_slice %arg3[%add3A, %dma_start3A_66, %dma_start3A_67] : memref<32x80x128xi32, #tpu.memory_space<hbm>> -> memref<1x40x128xi32, #tpu.memory_space<hbm>>
      %dma_start3A_69 = tpu.memref_squeeze %dma_start3A_68 : memref<1x40x128xi32, #tpu.memory_space<hbm>> -> memref<40x128xi32, #tpu.memory_space<hbm>>
      tpu.enqueue_dma source(%dma_start3A_69 : memref<40x128xi32, #tpu.memory_space<hbm>>) target(%arg6 : memref<40x128xi32, #tpu.memory_space<vmem>>) target_semaphore(%run_scoped3A : memref<!tpu.dma_semaphore, #tpu.memory_space<semaphore_mem>>)
      %dma_wait3A = arith.constant 40 : i32
      %dma_wait3A_70 = arith.constant 0 : i32
      %dma_wait3A_71 = tpu.memref_slice %arg3[%add3A, %dma_wait3A, %dma_wait3A_70] : memref<32x80x128xi32, #tpu.memory_space<hbm>> -> memref<1x40x128xi32, #tpu.memory_space<hbm>>
      %dma_wait3A_72 = tpu.memref_squeeze %dma_wait3A_71 : memref<1x40x128xi32, #tpu.memory_space<hbm>> -> memref<40x128xi32, #tpu.memory_space<hbm>>
      %dma_wait3A_73 = arith.constant 40 : i32
      %dma_wait3A_74 = arith.constant 0 : i32
      %dma_wait3A_75 = tpu.memref_slice %arg3[%add3A, %dma_wait3A_73, %dma_wait3A_74] : memref<32x80x128xi32, #tpu.memory_space<hbm>> -> memref<1x40x128xi32, #tpu.memory_space<hbm>>
      %dma_wait3A_76 = tpu.memref_squeeze %dma_wait3A_75 : memref<1x40x128xi32, #tpu.memory_space<hbm>> -> memref<40x128xi32, #tpu.memory_space<hbm>>
      tpu.wait_dma2 semaphore(%run_scoped3A : memref<!tpu.dma_semaphore, #tpu.memory_space<semaphore_mem>>) src(%dma_wait3A_76 : memref<40x128xi32, #tpu.memory_space<hbm>>) dst(%arg6 : memref<40x128xi32, #tpu.memory_space<vmem>>)
      tpu.yield
    }) : () -> ()
    %dma_start3A_41 = arith.constant 0 : i32
    %dma_start3A_42 = arith.constant 0 : i32
    %dma_start3A_43 = tpu.memref_slice %arg6[%dma_start3A_41, %dma_start3A_42] : memref<40x128xi32, #tpu.memory_space<vmem>> -> memref<1x128xi32, #tpu.memory_space<vmem>>
    %dma_start3A_44 = tpu.memref_squeeze %dma_start3A_43 : memref<1x128xi32, #tpu.memory_space<vmem>> -> memref<128xi32, #tpu.memory_space<vmem>>
    %dma_start3A_45 = arith.constant 0 : i32
    %dma_start3A_46 = arith.constant 0 : i32
    %dma_start3A_47 = tpu.memref_slice %arg2[%dma_start3A_45, %dma_start3A_46] : memref<10000x128xf32, #tpu.memory_space<hbm>> -> memref<10000x128xf32, #tpu.memory_space<hbm>>
    tpu.enqueue_indirect_dma source(%dma_start3A_47 : memref<10000x128xf32, #tpu.memory_space<hbm>>) target(%arg8 : memref<128x128xf32, #tpu.memory_space<vmem>>) offsets(%dma_start3A_44 : memref<128xi32, #tpu.memory_space<vmem>>) semaphore(%arg11 : memref<!tpu.dma_semaphore, #tpu.memory_space<semaphore_mem>>)
    %scan3A_48 = arith.constant 0 : i32
    %scan3A_49 = arith.constant 0 : i32
    %scan3A_50 = arith.constant 20 : i32
    %scan3A_51 = arith.addi %scan3A_49, %scan3A_50 : i32
    %scan3A_52 = arith.constant 1 : i32
    %scan3A_53 = scf.for %scan3A_62 = %scan3A_49 to %scan3A_51 step %scan3A_52 iter_args(%scan3A_63 = %scan3A_48) -> (i32)  : i32 {
      %mul3A_64 = arith.constant 2 : i32
      %mul3A_65 = arith.muli %mul3A_64, %scan3A_62 : i32
      %add3A_66 = arith.constant 40 : i32
      %add3A_67 = arith.addi %add3A_66, %mul3A_65 : i32
      %mul3A_68 = arith.constant 2 : i32
      %mul3A_69 = arith.muli %mul3A_68, %scan3A_62 : i32
      %dma_wait3A = arith.constant 0 : i32
      %dma_wait3A_70 = tpu.memref_slice %arg6[%mul3A_69, %dma_wait3A] : memref<40x128xi32, #tpu.memory_space<vmem>> -> memref<1x128xi32, #tpu.memory_space<vmem>>
      %dma_wait3A_71 = tpu.memref_squeeze %dma_wait3A_70 : memref<1x128xi32, #tpu.memory_space<vmem>> -> memref<128xi32, #tpu.memory_space<vmem>>
      %dma_wait3A_72 = arith.constant 0 : i32
      %dma_wait3A_73 = arith.constant 0 : i32
      %dma_wait3A_74 = tpu.memref_slice %arg2[%dma_wait3A_72, %dma_wait3A_73] : memref<10000x128xf32, #tpu.memory_space<hbm>> -> memref<10000x128xf32, #tpu.memory_space<hbm>>
      tpu.wait_indirect_dma semaphore(%arg11 : memref<!tpu.dma_semaphore, #tpu.memory_space<semaphore_mem>>) src(%dma_wait3A_74 : memref<10000x128xf32, #tpu.memory_space<hbm>>) dst(%arg8 : memref<128x128xf32, #tpu.memory_space<vmem>>)
      %mul3A_75 = arith.constant 2 : i32
      %mul3A_76 = arith.muli %mul3A_75, %scan3A_62 : i32
      %add3A_77 = arith.constant 1 : i32
      %add3A_78 = arith.addi %mul3A_76, %add3A_77 : i32
      %dma_start3A_79 = arith.constant 0 : i32
      %dma_start3A_80 = tpu.memref_slice %arg6[%add3A_78, %dma_start3A_79] : memref<40x128xi32, #tpu.memory_space<vmem>> -> memref<1x128xi32, #tpu.memory_space<vmem>>
      %dma_start3A_81 = tpu.memref_squeeze %dma_start3A_80 : memref<1x128xi32, #tpu.memory_space<vmem>> -> memref<128xi32, #tpu.memory_space<vmem>>
      %dma_start3A_82 = arith.constant 0 : i32
      %dma_start3A_83 = arith.constant 0 : i32
      %dma_start3A_84 = tpu.memref_slice %arg2[%dma_start3A_82, %dma_start3A_83] : memref<10000x128xf32, #tpu.memory_space<hbm>> -> memref<10000x128xf32, #tpu.memory_space<hbm>>
      tpu.enqueue_indirect_dma source(%dma_start3A_84 : memref<10000x128xf32, #tpu.memory_space<hbm>>) target(%arg9 : memref<128x128xf32, #tpu.memory_space<vmem>>) offsets(%dma_start3A_81 : memref<128xi32, #tpu.memory_space<vmem>>) semaphore(%arg12 : memref<!tpu.dma_semaphore, #tpu.memory_space<semaphore_mem>>)
      "tpu.region"() ({
        %run_scoped3A = tpu.sem_alloc : memref<!tpu.dma_semaphore, #tpu.memory_space<semaphore_mem>>
        %dma_start3A_102 = arith.constant 0 : i32
        %dma_start3A_103 = tpu.memref_slice %arg7[%add3A_67, %dma_start3A_102] : memref<80x128xi32, #tpu.memory_space<vmem>> -> memref<1x128xi32, #tpu.memory_space<vmem>>
        %dma_start3A_104 = tpu.memref_squeeze %dma_start3A_103 : memref<1x128xi32, #tpu.memory_space<vmem>> -> memref<128xi32, #tpu.memory_space<vmem>>
        %dma_start3A_105 = arith.constant 0 : i32
        %dma_start3A_106 = arith.constant 0 : i32
        %dma_start3A_107 = tpu.memref_slice %arg10[%dma_start3A_105, %dma_start3A_106] : memref<10240x128xf32, #tpu.memory_space<vmem_shared>> -> memref<10240x128xf32, #tpu.memory_space<vmem_shared>>
        tpu.enqueue_indirect_dma source(%arg8 : memref<128x128xf32, #tpu.memory_space<vmem>>) target(%dma_start3A_107 : memref<10240x128xf32, #tpu.memory_space<vmem_shared>>) offsets(%dma_start3A_104 : memref<128xi32, #tpu.memory_space<vmem>>) semaphore(%run_scoped3A : memref<!tpu.dma_semaphore, #tpu.memory_space<semaphore_mem>>) {add = true}
        %dma_wait3A_108 = arith.constant 0 : i32
        %dma_wait3A_109 = tpu.memref_slice %arg7[%add3A_67, %dma_wait3A_108] : memref<80x128xi32, #tpu.memory_space<vmem>> -> memref<1x128xi32, #tpu.memory_space<vmem>>
        %dma_wait3A_110 = tpu.memref_squeeze %dma_wait3A_109 : memref<1x128xi32, #tpu.memory_space<vmem>> -> memref<128xi32, #tpu.memory_space<vmem>>
        %dma_wait3A_111 = arith.constant 0 : i32
        %dma_wait3A_112 = arith.constant 0 : i32
        %dma_wait3A_113 = tpu.memref_slice %arg10[%dma_wait3A_111, %dma_wait3A_112] : memref<10240x128xf32, #tpu.memory_space<vmem_shared>> -> memref<10240x128xf32, #tpu.memory_space<vmem_shared>>
        tpu.wait_indirect_dma semaphore(%run_scoped3A : memref<!tpu.dma_semaphore, #tpu.memory_space<semaphore_mem>>) src(%arg8 : memref<128x128xf32, #tpu.memory_space<vmem>>) dst(%dma_wait3A_113 : memref<10240x128xf32, #tpu.memory_space<vmem_shared>>)
        tpu.yield
      }) : () -> ()
      %mul3A_85 = arith.constant 2 : i32
      %mul3A_86 = arith.muli %mul3A_85, %scan3A_62 : i32
      %add3A_87 = arith.constant 1 : i32
      %add3A_88 = arith.addi %mul3A_86, %add3A_87 : i32
      %dma_wait3A_89 = arith.constant 0 : i32
      %dma_wait3A_90 = tpu.memref_slice %arg6[%add3A_88, %dma_wait3A_89] : memref<40x128xi32, #tpu.memory_space<vmem>> -> memref<1x128xi32, #tpu.memory_space<vmem>>
      %dma_wait3A_91 = tpu.memref_squeeze %dma_wait3A_90 : memref<1x128xi32, #tpu.memory_space<vmem>> -> memref<128xi32, #tpu.memory_space<vmem>>
      %dma_wait3A_92 = arith.constant 0 : i32
      %dma_wait3A_93 = arith.constant 0 : i32
      %dma_wait3A_94 = tpu.memref_slice %arg2[%dma_wait3A_92, %dma_wait3A_93] : memref<10000x128xf32, #tpu.memory_space<hbm>> -> memref<10000x128xf32, #tpu.memory_space<hbm>>
      tpu.wait_indirect_dma semaphore(%arg12 : memref<!tpu.dma_semaphore, #tpu.memory_space<semaphore_mem>>) src(%dma_wait3A_94 : memref<10000x128xf32, #tpu.memory_space<hbm>>) dst(%arg9 : memref<128x128xf32, #tpu.memory_space<vmem>>)
      %lt3A = arith.constant 19 : i32
      %lt3A_95 = arith.cmpi slt, %scan3A_62, %lt3A : i32
      %convert_element_type3A_96 = arith.extui %lt3A_95 : i1 to i32
      %cond3A_97 = arith.constant 0 : i32
      %cond3A_98 = arith.cmpi ne, %convert_element_type3A_96, %cond3A_97 : i32
      scf.if %cond3A_98 {
        %mul3A_102 = arith.constant 2 : i32
        %mul3A_103 = arith.muli %mul3A_102, %scan3A_62 : i32
        %add3A_104 = arith.constant 2 : i32
        %add3A_105 = arith.addi %mul3A_103, %add3A_104 : i32
        %dma_start3A_106 = arith.constant 0 : i32
        %dma_start3A_107 = tpu.memref_slice %arg6[%add3A_105, %dma_start3A_106] : memref<40x128xi32, #tpu.memory_space<vmem>> -> memref<1x128xi32, #tpu.memory_space<vmem>>
        %dma_start3A_108 = tpu.memref_squeeze %dma_start3A_107 : memref<1x128xi32, #tpu.memory_space<vmem>> -> memref<128xi32, #tpu.memory_space<vmem>>
        %dma_start3A_109 = arith.constant 0 : i32
        %dma_start3A_110 = arith.constant 0 : i32
        %dma_start3A_111 = tpu.memref_slice %arg2[%dma_start3A_109, %dma_start3A_110] : memref<10000x128xf32, #tpu.memory_space<hbm>> -> memref<10000x128xf32, #tpu.memory_space<hbm>>
        tpu.enqueue_indirect_dma source(%dma_start3A_111 : memref<10000x128xf32, #tpu.memory_space<hbm>>) target(%arg8 : memref<128x128xf32, #tpu.memory_space<vmem>>) offsets(%dma_start3A_108 : memref<128xi32, #tpu.memory_space<vmem>>) semaphore(%arg11 : memref<!tpu.dma_semaphore, #tpu.memory_space<semaphore_mem>>)
      } else {
      }
      %add3A_99 = arith.constant 1 : i32
      %add3A_100 = arith.addi %add3A_67, %add3A_99 : i32
      "tpu.region"() ({
        %run_scoped3A = tpu.sem_alloc : memref<!tpu.dma_semaphore, #tpu.memory_space<semaphore_mem>>
        %dma_start3A_102 = arith.constant 0 : i32
        %dma_start3A_103 = tpu.memref_slice %arg7[%add3A_100, %dma_start3A_102] : memref<80x128xi32, #tpu.memory_space<vmem>> -> memref<1x128xi32, #tpu.memory_space<vmem>>
        %dma_start3A_104 = tpu.memref_squeeze %dma_start3A_103 : memref<1x128xi32, #tpu.memory_space<vmem>> -> memref<128xi32, #tpu.memory_space<vmem>>
        %dma_start3A_105 = arith.constant 0 : i32
        %dma_start3A_106 = arith.constant 0 : i32
        %dma_start3A_107 = tpu.memref_slice %arg10[%dma_start3A_105, %dma_start3A_106] : memref<10240x128xf32, #tpu.memory_space<vmem_shared>> -> memref<10240x128xf32, #tpu.memory_space<vmem_shared>>
        tpu.enqueue_indirect_dma source(%arg9 : memref<128x128xf32, #tpu.memory_space<vmem>>) target(%dma_start3A_107 : memref<10240x128xf32, #tpu.memory_space<vmem_shared>>) offsets(%dma_start3A_104 : memref<128xi32, #tpu.memory_space<vmem>>) semaphore(%run_scoped3A : memref<!tpu.dma_semaphore, #tpu.memory_space<semaphore_mem>>) {add = true}
        %dma_wait3A_108 = arith.constant 0 : i32
        %dma_wait3A_109 = tpu.memref_slice %arg7[%add3A_100, %dma_wait3A_108] : memref<80x128xi32, #tpu.memory_space<vmem>> -> memref<1x128xi32, #tpu.memory_space<vmem>>
        %dma_wait3A_110 = tpu.memref_squeeze %dma_wait3A_109 : memref<1x128xi32, #tpu.memory_space<vmem>> -> memref<128xi32, #tpu.memory_space<vmem>>
        %dma_wait3A_111 = arith.constant 0 : i32
        %dma_wait3A_112 = arith.constant 0 : i32
        %dma_wait3A_113 = tpu.memref_slice %arg10[%dma_wait3A_111, %dma_wait3A_112] : memref<10240x128xf32, #tpu.memory_space<vmem_shared>> -> memref<10240x128xf32, #tpu.memory_space<vmem_shared>>
        tpu.wait_indirect_dma semaphore(%run_scoped3A : memref<!tpu.dma_semaphore, #tpu.memory_space<semaphore_mem>>) src(%arg9 : memref<128x128xf32, #tpu.memory_space<vmem>>) dst(%dma_wait3A_113 : memref<10240x128xf32, #tpu.memory_space<vmem_shared>>)
        tpu.yield
      }) : () -> ()
      %scan3A_101 = arith.constant 0 : i32
      scf.yield %scan3A_101 : i32
    }
    %scan3A_54 = arith.constant 20 : i32
    %barrier3A_55 = arith.constant 0 : index
    tpu.barrier barrier_id(%barrier3A_55)
    %mul3A_56 = arith.constant 624 : i32
    %mul3A_57 = arith.muli %arg1, %mul3A_56 : i32
    %mul3A_58 = arith.constant 624 : i32
    %mul3A_59 = arith.muli %arg1, %mul3A_58 : i32
    "tpu.region"() ({
      %run_scoped3A = tpu.sem_alloc : memref<!tpu.dma_semaphore, #tpu.memory_space<semaphore_mem>>
      %dma_start3A_62 = arith.constant 0 : i32
      %dma_start3A_63 = tpu.memref_slice %arg5[%arg0, %mul3A_59, %dma_start3A_62] : memref<2x10000x128xf32, #tpu.memory_space<hbm>> -> memref<1x624x128xf32, #tpu.memory_space<hbm>>
      %dma_start3A_64 = tpu.memref_squeeze %dma_start3A_63 : memref<1x624x128xf32, #tpu.memory_space<hbm>> -> memref<624x128xf32, #tpu.memory_space<hbm>>
      %dma_start3A_65 = arith.constant 0 : i32
      %dma_start3A_66 = tpu.memref_slice %arg10[%mul3A_57, %dma_start3A_65] : memref<10240x128xf32, #tpu.memory_space<vmem_shared>> -> memref<624x128xf32, #tpu.memory_space<vmem_shared>>
      tpu.enqueue_dma source(%dma_start3A_66 : memref<624x128xf32, #tpu.memory_space<vmem_shared>>) target(%dma_start3A_64 : memref<624x128xf32, #tpu.memory_space<hbm>>) target_semaphore(%run_scoped3A : memref<!tpu.dma_semaphore, #tpu.memory_space<semaphore_mem>>)
      %dma_wait3A = arith.constant 0 : i32
      %dma_wait3A_67 = tpu.memref_slice %arg5[%arg0, %mul3A_59, %dma_wait3A] : memref<2x10000x128xf32, #tpu.memory_space<hbm>> -> memref<1x624x128xf32, #tpu.memory_space<hbm>>
      %dma_wait3A_68 = tpu.memref_squeeze %dma_wait3A_67 : memref<1x624x128xf32, #tpu.memory_space<hbm>> -> memref<624x128xf32, #tpu.memory_space<hbm>>
      %dma_wait3A_69 = arith.constant 0 : i32
      %dma_wait3A_70 = tpu.memref_slice %arg10[%mul3A_57, %dma_wait3A_69] : memref<10240x128xf32, #tpu.memory_space<vmem_shared>> -> memref<624x128xf32, #tpu.memory_space<vmem_shared>>
      tpu.wait_dma2 semaphore(%run_scoped3A : memref<!tpu.dma_semaphore, #tpu.memory_space<semaphore_mem>>) src(%dma_wait3A_70 : memref<624x128xf32, #tpu.memory_space<vmem_shared>>) dst(%dma_wait3A_68 : memref<624x128xf32, #tpu.memory_space<hbm>>)
      tpu.yield
    }) : () -> ()
    %eq3A = arith.constant 15 : i32
    %eq3A_60 = arith.cmpi eq, %arg1, %eq3A : i32
    %convert_element_type3A = arith.extui %eq3A_60 : i1 to i32
    %cond3A = arith.constant 0 : i32
    %cond3A_61 = arith.cmpi ne, %convert_element_type3A, %cond3A : i32
    scf.if %cond3A_61 {
      "tpu.region"() ({
        %run_scoped3A = tpu.sem_alloc : memref<!tpu.dma_semaphore, #tpu.memory_space<semaphore_mem>>
        %dma_start3A_62 = arith.constant 9984 : i32
        %dma_start3A_63 = arith.constant 0 : i32
        %dma_start3A_64 = tpu.memref_slice %arg5[%arg0, %dma_start3A_62, %dma_start3A_63] : memref<2x10000x128xf32, #tpu.memory_space<hbm>> -> memref<1x16x128xf32, #tpu.memory_space<hbm>>
        %dma_start3A_65 = tpu.memref_squeeze %dma_start3A_64 : memref<1x16x128xf32, #tpu.memory_space<hbm>> -> memref<16x128xf32, #tpu.memory_space<hbm>>
        %dma_start3A_66 = arith.constant 9984 : i32
        %dma_start3A_67 = arith.constant 0 : i32
        %dma_start3A_68 = tpu.memref_slice %arg10[%dma_start3A_66, %dma_start3A_67] : memref<10240x128xf32, #tpu.memory_space<vmem_shared>> -> memref<16x128xf32, #tpu.memory_space<vmem_shared>>
        tpu.enqueue_dma source(%dma_start3A_68 : memref<16x128xf32, #tpu.memory_space<vmem_shared>>) target(%dma_start3A_65 : memref<16x128xf32, #tpu.memory_space<hbm>>) target_semaphore(%run_scoped3A : memref<!tpu.dma_semaphore, #tpu.memory_space<semaphore_mem>>)
        %dma_wait3A = arith.constant 9984 : i32
        %dma_wait3A_69 = arith.constant 0 : i32
        %dma_wait3A_70 = tpu.memref_slice %arg5[%arg0, %dma_wait3A, %dma_wait3A_69] : memref<2x10000x128xf32, #tpu.memory_space<hbm>> -> memref<1x16x128xf32, #tpu.memory_space<hbm>>
        %dma_wait3A_71 = tpu.memref_squeeze %dma_wait3A_70 : memref<1x16x128xf32, #tpu.memory_space<hbm>> -> memref<16x128xf32, #tpu.memory_space<hbm>>
        %dma_wait3A_72 = arith.constant 9984 : i32
        %dma_wait3A_73 = arith.constant 0 : i32
        %dma_wait3A_74 = tpu.memref_slice %arg10[%dma_wait3A_72, %dma_wait3A_73] : memref<10240x128xf32, #tpu.memory_space<vmem_shared>> -> memref<16x128xf32, #tpu.memory_space<vmem_shared>>
        tpu.wait_dma2 semaphore(%run_scoped3A : memref<!tpu.dma_semaphore, #tpu.memory_space<semaphore_mem>>) src(%dma_wait3A_74 : memref<16x128xf32, #tpu.memory_space<vmem_shared>>) dst(%dma_wait3A_71 : memref<16x128xf32, #tpu.memory_space<hbm>>)
        tpu.yield
      }) : () -> ()
    } else {
    }
    return
  }
}

#map = affine_map<(d0, d1) -> (0, 0, 0)>
module attributes {stable_mosaic.version = 14 : i64} {
  func.func @_deg_body(%arg0: i32, %arg1: i32, %arg2: memref<32x80x128xi32, #tpu.memory_space<hbm>>, %arg3: memref<2x10000x128xf32, #tpu.memory_space<hbm>>, %arg4: memref<80x128xi32, #tpu.memory_space<vmem>>, %arg5: memref<128x128xf32, #tpu.memory_space<vmem>>, %arg6: memref<10240x128xf32, #tpu.memory_space<vmem_shared>>) attributes {dimension_semantics = [#tpu.dimension_semantics<core_parallel>, #tpu.dimension_semantics<subcore_parallel>], iteration_bounds = array<i64: 2, 16>, scalar_prefetch = 0 : i64, scratch_operands = 3 : i64, tpu.core_type = #tpu.core_type<sc_vector_subcore>, window_params = [{transform_indices = #map}, {transform_indices = #map}]} {
    %mul3A = arith.constant 2 : i32
    %mul3A_0 = arith.muli %arg1, %mul3A : i32
    %add3A = arith.addi %mul3A_0, %arg0 : i32
    %broadcast_in_dim3A = arith.constant 0.000000e+00 : f32
    %broadcast_in_dim3A_1 = vector.broadcast %broadcast_in_dim3A : f32 to vector<16xf32>
    %broadcast_in_dim3A_2 = arith.constant 1.000000e+00 : f32
    %broadcast_in_dim3A_3 = vector.broadcast %broadcast_in_dim3A_2 : f32 to vector<16xf32>
    %scan3A = arith.constant 0 : i32
    %scan3A_4 = arith.constant 0 : i32
    %scan3A_5 = arith.constant 128 : i32
    %scan3A_6 = arith.addi %scan3A_4, %scan3A_5 : i32
    %scan3A_7 = arith.constant 1 : i32
    %scan3A_8 = scf.for %scan3A_51 = %scan3A_4 to %scan3A_6 step %scan3A_7 iter_args(%scan3A_52 = %scan3A) -> (i32)  : i32 {
      %swap3A = arith.index_cast %scan3A_51 : i32 to index
      %swap3A_53 = arith.constant 0 : index
      %swap3A_54 = tpu.vector_load %arg5[%swap3A, %swap3A_53] {strides = array<i32>} : memref<128x128xf32, #tpu.memory_space<vmem>>, vector<1x16xf32>,
      %swap3A_55 = vector.shape_cast %swap3A_54 : vector<1x16xf32> to vector<16xf32>
      %swap3A_56 = vector.shape_cast %broadcast_in_dim3A_1 : vector<16xf32> to vector<1x16xf32>
      tpu.vector_store %arg5[%swap3A, %swap3A_53], %swap3A_56 {strides = array<i32>} : memref<128x128xf32, #tpu.memory_space<vmem>>, vector<1x16xf32>,
      %swap3A_57 = arith.index_cast %scan3A_51 : i32 to index
      %swap3A_58 = arith.constant 16 : index
      %swap3A_59 = tpu.vector_load %arg5[%swap3A_57, %swap3A_58] {strides = array<i32>} : memref<128x128xf32, #tpu.memory_space<vmem>>, vector<1x16xf32>,
      %swap3A_60 = vector.shape_cast %swap3A_59 : vector<1x16xf32> to vector<16xf32>
      %swap3A_61 = vector.shape_cast %broadcast_in_dim3A_1 : vector<16xf32> to vector<1x16xf32>
      tpu.vector_store %arg5[%swap3A_57, %swap3A_58], %swap3A_61 {strides = array<i32>} : memref<128x128xf32, #tpu.memory_space<vmem>>, vector<1x16xf32>,
      %swap3A_62 = arith.index_cast %scan3A_51 : i32 to index
      %swap3A_63 = arith.constant 32 : index
      %swap3A_64 = tpu.vector_load %arg5[%swap3A_62, %swap3A_63] {strides = array<i32>} : memref<128x128xf32, #tpu.memory_space<vmem>>, vector<1x16xf32>,
      %swap3A_65 = vector.shape_cast %swap3A_64 : vector<1x16xf32> to vector<16xf32>
      %swap3A_66 = vector.shape_cast %broadcast_in_dim3A_1 : vector<16xf32> to vector<1x16xf32>
      tpu.vector_store %arg5[%swap3A_62, %swap3A_63], %swap3A_66 {strides = array<i32>} : memref<128x128xf32, #tpu.memory_space<vmem>>, vector<1x16xf32>,
      %swap3A_67 = arith.index_cast %scan3A_51 : i32 to index
      %swap3A_68 = arith.constant 48 : index
      %swap3A_69 = tpu.vector_load %arg5[%swap3A_67, %swap3A_68] {strides = array<i32>} : memref<128x128xf32, #tpu.memory_space<vmem>>, vector<1x16xf32>,
      %swap3A_70 = vector.shape_cast %swap3A_69 : vector<1x16xf32> to vector<16xf32>
      %swap3A_71 = vector.shape_cast %broadcast_in_dim3A_1 : vector<16xf32> to vector<1x16xf32>
      tpu.vector_store %arg5[%swap3A_67, %swap3A_68], %swap3A_71 {strides = array<i32>} : memref<128x128xf32, #tpu.memory_space<vmem>>, vector<1x16xf32>,
      %swap3A_72 = arith.index_cast %scan3A_51 : i32 to index
      %swap3A_73 = arith.constant 64 : index
      %swap3A_74 = tpu.vector_load %arg5[%swap3A_72, %swap3A_73] {strides = array<i32>} : memref<128x128xf32, #tpu.memory_space<vmem>>, vector<1x16xf32>,
      %swap3A_75 = vector.shape_cast %swap3A_74 : vector<1x16xf32> to vector<16xf32>
      %swap3A_76 = vector.shape_cast %broadcast_in_dim3A_1 : vector<16xf32> to vector<1x16xf32>
      tpu.vector_store %arg5[%swap3A_72, %swap3A_73], %swap3A_76 {strides = array<i32>} : memref<128x128xf32, #tpu.memory_space<vmem>>, vector<1x16xf32>,
      %swap3A_77 = arith.index_cast %scan3A_51 : i32 to index
      %swap3A_78 = arith.constant 80 : index
      %swap3A_79 = tpu.vector_load %arg5[%swap3A_77, %swap3A_78] {strides = array<i32>} : memref<128x128xf32, #tpu.memory_space<vmem>>, vector<1x16xf32>,
      %swap3A_80 = vector.shape_cast %swap3A_79 : vector<1x16xf32> to vector<16xf32>
      %swap3A_81 = vector.shape_cast %broadcast_in_dim3A_1 : vector<16xf32> to vector<1x16xf32>
      tpu.vector_store %arg5[%swap3A_77, %swap3A_78], %swap3A_81 {strides = array<i32>} : memref<128x128xf32, #tpu.memory_space<vmem>>, vector<1x16xf32>,
      %swap3A_82 = arith.index_cast %scan3A_51 : i32 to index
      %swap3A_83 = arith.constant 96 : index
      %swap3A_84 = tpu.vector_load %arg5[%swap3A_82, %swap3A_83] {strides = array<i32>} : memref<128x128xf32, #tpu.memory_space<vmem>>, vector<1x16xf32>,
      %swap3A_85 = vector.shape_cast %swap3A_84 : vector<1x16xf32> to vector<16xf32>
      %swap3A_86 = vector.shape_cast %broadcast_in_dim3A_1 : vector<16xf32> to vector<1x16xf32>
      tpu.vector_store %arg5[%swap3A_82, %swap3A_83], %swap3A_86 {strides = array<i32>} : memref<128x128xf32, #tpu.memory_space<vmem>>, vector<1x16xf32>,
      %swap3A_87 = arith.index_cast %scan3A_51 : i32 to index
      %swap3A_88 = arith.constant 112 : index
      %swap3A_89 = tpu.vector_load %arg5[%swap3A_87, %swap3A_88] {strides = array<i32>} : memref<128x128xf32, #tpu.memory_space<vmem>>, vector<1x16xf32>,
      %swap3A_90 = vector.shape_cast %swap3A_89 : vector<1x16xf32> to vector<16xf32>
      %swap3A_91 = vector.shape_cast %broadcast_in_dim3A_1 : vector<16xf32> to vector<1x16xf32>
      tpu.vector_store %arg5[%swap3A_87, %swap3A_88], %swap3A_91 {strides = array<i32>} : memref<128x128xf32, #tpu.memory_space<vmem>>, vector<1x16xf32>,
      %scan3A_92 = arith.constant 0 : i32
      scf.yield %scan3A_92 : i32
    }
    %scan3A_9 = arith.constant 128 : i32
    %mul3A_10 = arith.constant 640 : i32
    %mul3A_11 = arith.muli %arg1, %mul3A_10 : i32
    %add3A_12 = arith.constant 0 : i32
    %add3A_13 = arith.addi %mul3A_11, %add3A_12 : i32
    "tpu.region"() ({
      %run_scoped3A = tpu.sem_alloc : memref<!tpu.dma_semaphore, #tpu.memory_space<semaphore_mem>>
      %dma_start3A = arith.constant 0 : i32
      %dma_start3A_51 = tpu.memref_slice %arg6[%add3A_13, %dma_start3A] : memref<10240x128xf32, #tpu.memory_space<vmem_shared>> -> memref<128x128xf32, #tpu.memory_space<vmem_shared>>
      %dma_start3A_52 = arith.constant 0 : i32
      %dma_start3A_53 = tpu.memref_slice %arg6[%add3A_13, %dma_start3A_52] : memref<10240x128xf32, #tpu.memory_space<vmem_shared>> -> memref<128x128xf32, #tpu.memory_space<vmem_shared>>
      tpu.enqueue_dma source(%arg5 : memref<128x128xf32, #tpu.memory_space<vmem>>) target(%dma_start3A_53 : memref<128x128xf32, #tpu.memory_space<vmem_shared>>) target_semaphore(%run_scoped3A : memref<!tpu.dma_semaphore, #tpu.memory_space<semaphore_mem>>)
      %dma_wait3A = arith.constant 0 : i32
      %dma_wait3A_54 = tpu.memref_slice %arg6[%add3A_13, %dma_wait3A] : memref<10240x128xf32, #tpu.memory_space<vmem_shared>> -> memref<128x128xf32, #tpu.memory_space<vmem_shared>>
      %dma_wait3A_55 = arith.constant 0 : i32
      %dma_wait3A_56 = tpu.memref_slice %arg6[%add3A_13, %dma_wait3A_55] : memref<10240x128xf32, #tpu.memory_space<vmem_shared>> -> memref<128x128xf32, #tpu.memory_space<vmem_shared>>
      tpu.wait_dma2 semaphore(%run_scoped3A : memref<!tpu.dma_semaphore, #tpu.memory_space<semaphore_mem>>) src(%arg5 : memref<128x128xf32, #tpu.memory_space<vmem>>) dst(%dma_wait3A_56 : memref<128x128xf32, #tpu.memory_space<vmem_shared>>)
      tpu.yield
    }) : () -> ()
    %mul3A_14 = arith.constant 640 : i32
    %mul3A_15 = arith.muli %arg1, %mul3A_14 : i32
    %add3A_16 = arith.constant 128 : i32
    %add3A_17 = arith.addi %mul3A_15, %add3A_16 : i32
    "tpu.region"() ({
      %run_scoped3A = tpu.sem_alloc : memref<!tpu.dma_semaphore, #tpu.memory_space<semaphore_mem>>
      %dma_start3A = arith.constant 0 : i32
      %dma_start3A_51 = tpu.memref_slice %arg6[%add3A_17, %dma_start3A] : memref<10240x128xf32, #tpu.memory_space<vmem_shared>> -> memref<128x128xf32, #tpu.memory_space<vmem_shared>>
      %dma_start3A_52 = arith.constant 0 : i32
      %dma_start3A_53 = tpu.memref_slice %arg6[%add3A_17, %dma_start3A_52] : memref<10240x128xf32, #tpu.memory_space<vmem_shared>> -> memref<128x128xf32, #tpu.memory_space<vmem_shared>>
      tpu.enqueue_dma source(%arg5 : memref<128x128xf32, #tpu.memory_space<vmem>>) target(%dma_start3A_53 : memref<128x128xf32, #tpu.memory_space<vmem_shared>>) target_semaphore(%run_scoped3A : memref<!tpu.dma_semaphore, #tpu.memory_space<semaphore_mem>>)
      %dma_wait3A = arith.constant 0 : i32
      %dma_wait3A_54 = tpu.memref_slice %arg6[%add3A_17, %dma_wait3A] : memref<10240x128xf32, #tpu.memory_space<vmem_shared>> -> memref<128x128xf32, #tpu.memory_space<vmem_shared>>
      %dma_wait3A_55 = arith.constant 0 : i32
      %dma_wait3A_56 = tpu.memref_slice %arg6[%add3A_17, %dma_wait3A_55] : memref<10240x128xf32, #tpu.memory_space<vmem_shared>> -> memref<128x128xf32, #tpu.memory_space<vmem_shared>>
      tpu.wait_dma2 semaphore(%run_scoped3A : memref<!tpu.dma_semaphore, #tpu.memory_space<semaphore_mem>>) src(%arg5 : memref<128x128xf32, #tpu.memory_space<vmem>>) dst(%dma_wait3A_56 : memref<128x128xf32, #tpu.memory_space<vmem_shared>>)
      tpu.yield
    }) : () -> ()
    %mul3A_18 = arith.constant 640 : i32
    %mul3A_19 = arith.muli %arg1, %mul3A_18 : i32
    %add3A_20 = arith.constant 256 : i32
    %add3A_21 = arith.addi %mul3A_19, %add3A_20 : i32
    "tpu.region"() ({
      %run_scoped3A = tpu.sem_alloc : memref<!tpu.dma_semaphore, #tpu.memory_space<semaphore_mem>>
      %dma_start3A = arith.constant 0 : i32
      %dma_start3A_51 = tpu.memref_slice %arg6[%add3A_21, %dma_start3A] : memref<10240x128xf32, #tpu.memory_space<vmem_shared>> -> memref<128x128xf32, #tpu.memory_space<vmem_shared>>
      %dma_start3A_52 = arith.constant 0 : i32
      %dma_start3A_53 = tpu.memref_slice %arg6[%add3A_21, %dma_start3A_52] : memref<10240x128xf32, #tpu.memory_space<vmem_shared>> -> memref<128x128xf32, #tpu.memory_space<vmem_shared>>
      tpu.enqueue_dma source(%arg5 : memref<128x128xf32, #tpu.memory_space<vmem>>) target(%dma_start3A_53 : memref<128x128xf32, #tpu.memory_space<vmem_shared>>) target_semaphore(%run_scoped3A : memref<!tpu.dma_semaphore, #tpu.memory_space<semaphore_mem>>)
      %dma_wait3A = arith.constant 0 : i32
      %dma_wait3A_54 = tpu.memref_slice %arg6[%add3A_21, %dma_wait3A] : memref<10240x128xf32, #tpu.memory_space<vmem_shared>> -> memref<128x128xf32, #tpu.memory_space<vmem_shared>>
      %dma_wait3A_55 = arith.constant 0 : i32
      %dma_wait3A_56 = tpu.memref_slice %arg6[%add3A_21, %dma_wait3A_55] : memref<10240x128xf32, #tpu.memory_space<vmem_shared>> -> memref<128x128xf32, #tpu.memory_space<vmem_shared>>
      tpu.wait_dma2 semaphore(%run_scoped3A : memref<!tpu.dma_semaphore, #tpu.memory_space<semaphore_mem>>) src(%arg5 : memref<128x128xf32, #tpu.memory_space<vmem>>) dst(%dma_wait3A_56 : memref<128x128xf32, #tpu.memory_space<vmem_shared>>)
      tpu.yield
    }) : () -> ()
    %mul3A_22 = arith.constant 640 : i32
    %mul3A_23 = arith.muli %arg1, %mul3A_22 : i32
    %add3A_24 = arith.constant 384 : i32
    %add3A_25 = arith.addi %mul3A_23, %add3A_24 : i32
    "tpu.region"() ({
      %run_scoped3A = tpu.sem_alloc : memref<!tpu.dma_semaphore, #tpu.memory_space<semaphore_mem>>
      %dma_start3A = arith.constant 0 : i32
      %dma_start3A_51 = tpu.memref_slice %arg6[%add3A_25, %dma_start3A] : memref<10240x128xf32, #tpu.memory_space<vmem_shared>> -> memref<128x128xf32, #tpu.memory_space<vmem_shared>>
      %dma_start3A_52 = arith.constant 0 : i32
      %dma_start3A_53 = tpu.memref_slice %arg6[%add3A_25, %dma_start3A_52] : memref<10240x128xf32, #tpu.memory_space<vmem_shared>> -> memref<128x128xf32, #tpu.memory_space<vmem_shared>>
      tpu.enqueue_dma source(%arg5 : memref<128x128xf32, #tpu.memory_space<vmem>>) target(%dma_start3A_53 : memref<128x128xf32, #tpu.memory_space<vmem_shared>>) target_semaphore(%run_scoped3A : memref<!tpu.dma_semaphore, #tpu.memory_space<semaphore_mem>>)
      %dma_wait3A = arith.constant 0 : i32
      %dma_wait3A_54 = tpu.memref_slice %arg6[%add3A_25, %dma_wait3A] : memref<10240x128xf32, #tpu.memory_space<vmem_shared>> -> memref<128x128xf32, #tpu.memory_space<vmem_shared>>
      %dma_wait3A_55 = arith.constant 0 : i32
      %dma_wait3A_56 = tpu.memref_slice %arg6[%add3A_25, %dma_wait3A_55] : memref<10240x128xf32, #tpu.memory_space<vmem_shared>> -> memref<128x128xf32, #tpu.memory_space<vmem_shared>>
      tpu.wait_dma2 semaphore(%run_scoped3A : memref<!tpu.dma_semaphore, #tpu.memory_space<semaphore_mem>>) src(%arg5 : memref<128x128xf32, #tpu.memory_space<vmem>>) dst(%dma_wait3A_56 : memref<128x128xf32, #tpu.memory_space<vmem_shared>>)
      tpu.yield
    }) : () -> ()
    %mul3A_26 = arith.constant 640 : i32
    %mul3A_27 = arith.muli %arg1, %mul3A_26 : i32
    %add3A_28 = arith.constant 512 : i32
    %add3A_29 = arith.addi %mul3A_27, %add3A_28 : i32
    "tpu.region"() ({
      %run_scoped3A = tpu.sem_alloc : memref<!tpu.dma_semaphore, #tpu.memory_space<semaphore_mem>>
      %dma_start3A = arith.constant 0 : i32
      %dma_start3A_51 = tpu.memref_slice %arg6[%add3A_29, %dma_start3A] : memref<10240x128xf32, #tpu.memory_space<vmem_shared>> -> memref<128x128xf32, #tpu.memory_space<vmem_shared>>
      %dma_start3A_52 = arith.constant 0 : i32
      %dma_start3A_53 = tpu.memref_slice %arg6[%add3A_29, %dma_start3A_52] : memref<10240x128xf32, #tpu.memory_space<vmem_shared>> -> memref<128x128xf32, #tpu.memory_space<vmem_shared>>
      tpu.enqueue_dma source(%arg5 : memref<128x128xf32, #tpu.memory_space<vmem>>) target(%dma_start3A_53 : memref<128x128xf32, #tpu.memory_space<vmem_shared>>) target_semaphore(%run_scoped3A : memref<!tpu.dma_semaphore, #tpu.memory_space<semaphore_mem>>)
      %dma_wait3A = arith.constant 0 : i32
      %dma_wait3A_54 = tpu.memref_slice %arg6[%add3A_29, %dma_wait3A] : memref<10240x128xf32, #tpu.memory_space<vmem_shared>> -> memref<128x128xf32, #tpu.memory_space<vmem_shared>>
      %dma_wait3A_55 = arith.constant 0 : i32
      %dma_wait3A_56 = tpu.memref_slice %arg6[%add3A_29, %dma_wait3A_55] : memref<10240x128xf32, #tpu.memory_space<vmem_shared>> -> memref<128x128xf32, #tpu.memory_space<vmem_shared>>
      tpu.wait_dma2 semaphore(%run_scoped3A : memref<!tpu.dma_semaphore, #tpu.memory_space<semaphore_mem>>) src(%arg5 : memref<128x128xf32, #tpu.memory_space<vmem>>) dst(%dma_wait3A_56 : memref<128x128xf32, #tpu.memory_space<vmem_shared>>)
      tpu.yield
    }) : () -> ()
    %scan3A_30 = arith.constant 0 : i32
    %scan3A_31 = arith.constant 0 : i32
    %scan3A_32 = arith.constant 128 : i32
    %scan3A_33 = arith.addi %scan3A_31, %scan3A_32 : i32
    %scan3A_34 = arith.constant 1 : i32
    %scan3A_35 = scf.for %scan3A_51 = %scan3A_31 to %scan3A_33 step %scan3A_34 iter_args(%scan3A_52 = %scan3A_30) -> (i32)  : i32 {
      %swap3A = arith.index_cast %scan3A_51 : i32 to index
      %swap3A_53 = arith.constant 0 : index
      %swap3A_54 = tpu.vector_load %arg5[%swap3A, %swap3A_53] {strides = array<i32>} : memref<128x128xf32, #tpu.memory_space<vmem>>, vector<1x16xf32>,
      %swap3A_55 = vector.shape_cast %swap3A_54 : vector<1x16xf32> to vector<16xf32>
      %swap3A_56 = vector.shape_cast %broadcast_in_dim3A_3 : vector<16xf32> to vector<1x16xf32>
      tpu.vector_store %arg5[%swap3A, %swap3A_53], %swap3A_56 {strides = array<i32>} : memref<128x128xf32, #tpu.memory_space<vmem>>, vector<1x16xf32>,
      %swap3A_57 = arith.index_cast %scan3A_51 : i32 to index
      %swap3A_58 = arith.constant 16 : index
      %swap3A_59 = tpu.vector_load %arg5[%swap3A_57, %swap3A_58] {strides = array<i32>} : memref<128x128xf32, #tpu.memory_space<vmem>>, vector<1x16xf32>,
      %swap3A_60 = vector.shape_cast %swap3A_59 : vector<1x16xf32> to vector<16xf32>
      %swap3A_61 = vector.shape_cast %broadcast_in_dim3A_3 : vector<16xf32> to vector<1x16xf32>
      tpu.vector_store %arg5[%swap3A_57, %swap3A_58], %swap3A_61 {strides = array<i32>} : memref<128x128xf32, #tpu.memory_space<vmem>>, vector<1x16xf32>,
      %swap3A_62 = arith.index_cast %scan3A_51 : i32 to index
      %swap3A_63 = arith.constant 32 : index
      %swap3A_64 = tpu.vector_load %arg5[%swap3A_62, %swap3A_63] {strides = array<i32>} : memref<128x128xf32, #tpu.memory_space<vmem>>, vector<1x16xf32>,
      %swap3A_65 = vector.shape_cast %swap3A_64 : vector<1x16xf32> to vector<16xf32>
      %swap3A_66 = vector.shape_cast %broadcast_in_dim3A_3 : vector<16xf32> to vector<1x16xf32>
      tpu.vector_store %arg5[%swap3A_62, %swap3A_63], %swap3A_66 {strides = array<i32>} : memref<128x128xf32, #tpu.memory_space<vmem>>, vector<1x16xf32>,
      %swap3A_67 = arith.index_cast %scan3A_51 : i32 to index
      %swap3A_68 = arith.constant 48 : index
      %swap3A_69 = tpu.vector_load %arg5[%swap3A_67, %swap3A_68] {strides = array<i32>} : memref<128x128xf32, #tpu.memory_space<vmem>>, vector<1x16xf32>,
      %swap3A_70 = vector.shape_cast %swap3A_69 : vector<1x16xf32> to vector<16xf32>
      %swap3A_71 = vector.shape_cast %broadcast_in_dim3A_3 : vector<16xf32> to vector<1x16xf32>
      tpu.vector_store %arg5[%swap3A_67, %swap3A_68], %swap3A_71 {strides = array<i32>} : memref<128x128xf32, #tpu.memory_space<vmem>>, vector<1x16xf32>,
      %swap3A_72 = arith.index_cast %scan3A_51 : i32 to index
      %swap3A_73 = arith.constant 64 : index
      %swap3A_74 = tpu.vector_load %arg5[%swap3A_72, %swap3A_73] {strides = array<i32>} : memref<128x128xf32, #tpu.memory_space<vmem>>, vector<1x16xf32>,
      %swap3A_75 = vector.shape_cast %swap3A_74 : vector<1x16xf32> to vector<16xf32>
      %swap3A_76 = vector.shape_cast %broadcast_in_dim3A_3 : vector<16xf32> to vector<1x16xf32>
      tpu.vector_store %arg5[%swap3A_72, %swap3A_73], %swap3A_76 {strides = array<i32>} : memref<128x128xf32, #tpu.memory_space<vmem>>, vector<1x16xf32>,
      %swap3A_77 = arith.index_cast %scan3A_51 : i32 to index
      %swap3A_78 = arith.constant 80 : index
      %swap3A_79 = tpu.vector_load %arg5[%swap3A_77, %swap3A_78] {strides = array<i32>} : memref<128x128xf32, #tpu.memory_space<vmem>>, vector<1x16xf32>,
      %swap3A_80 = vector.shape_cast %swap3A_79 : vector<1x16xf32> to vector<16xf32>
      %swap3A_81 = vector.shape_cast %broadcast_in_dim3A_3 : vector<16xf32> to vector<1x16xf32>
      tpu.vector_store %arg5[%swap3A_77, %swap3A_78], %swap3A_81 {strides = array<i32>} : memref<128x128xf32, #tpu.memory_space<vmem>>, vector<1x16xf32>,
      %swap3A_82 = arith.index_cast %scan3A_51 : i32 to index
      %swap3A_83 = arith.constant 96 : index
      %swap3A_84 = tpu.vector_load %arg5[%swap3A_82, %swap3A_83] {strides = array<i32>} : memref<128x128xf32, #tpu.memory_space<vmem>>, vector<1x16xf32>,
      %swap3A_85 = vector.shape_cast %swap3A_84 : vector<1x16xf32> to vector<16xf32>
      %swap3A_86 = vector.shape_cast %broadcast_in_dim3A_3 : vector<16xf32> to vector<1x16xf32>
      tpu.vector_store %arg5[%swap3A_82, %swap3A_83], %swap3A_86 {strides = array<i32>} : memref<128x128xf32, #tpu.memory_space<vmem>>, vector<1x16xf32>,
      %swap3A_87 = arith.index_cast %scan3A_51 : i32 to index
      %swap3A_88 = arith.constant 112 : index
      %swap3A_89 = tpu.vector_load %arg5[%swap3A_87, %swap3A_88] {strides = array<i32>} : memref<128x128xf32, #tpu.memory_space<vmem>>, vector<1x16xf32>,
      %swap3A_90 = vector.shape_cast %swap3A_89 : vector<1x16xf32> to vector<16xf32>
      %swap3A_91 = vector.shape_cast %broadcast_in_dim3A_3 : vector<16xf32> to vector<1x16xf32>
      tpu.vector_store %arg5[%swap3A_87, %swap3A_88], %swap3A_91 {strides = array<i32>} : memref<128x128xf32, #tpu.memory_space<vmem>>, vector<1x16xf32>,
      %scan3A_92 = arith.constant 0 : i32
      scf.yield %scan3A_92 : i32
    }
    %scan3A_36 = arith.constant 128 : i32
    "tpu.region"() ({
      %run_scoped3A = tpu.sem_alloc : memref<!tpu.dma_semaphore, #tpu.memory_space<semaphore_mem>>
      %dma_start3A = arith.constant 0 : i32
      %dma_start3A_51 = arith.constant 0 : i32
      %dma_start3A_52 = tpu.memref_slice %arg2[%add3A, %dma_start3A, %dma_start3A_51] : memref<32x80x128xi32, #tpu.memory_space<hbm>> -> memref<1x80x128xi32, #tpu.memory_space<hbm>>
      %dma_start3A_53 = tpu.memref_squeeze %dma_start3A_52 : memref<1x80x128xi32, #tpu.memory_space<hbm>> -> memref<80x128xi32, #tpu.memory_space<hbm>>
      %dma_start3A_54 = arith.constant 0 : i32
      %dma_start3A_55 = arith.constant 0 : i32
      %dma_start3A_56 = tpu.memref_slice %arg2[%add3A, %dma_start3A_54, %dma_start3A_55] : memref<32x80x128xi32, #tpu.memory_space<hbm>> -> memref<1x80x128xi32, #tpu.memory_space<hbm>>
      %dma_start3A_57 = tpu.memref_squeeze %dma_start3A_56 : memref<1x80x128xi32, #tpu.memory_space<hbm>> -> memref<80x128xi32, #tpu.memory_space<hbm>>
      tpu.enqueue_dma source(%dma_start3A_57 : memref<80x128xi32, #tpu.memory_space<hbm>>) target(%arg4 : memref<80x128xi32, #tpu.memory_space<vmem>>) target_semaphore(%run_scoped3A : memref<!tpu.dma_semaphore, #tpu.memory_space<semaphore_mem>>)
      %dma_wait3A = arith.constant 0 : i32
      %dma_wait3A_58 = arith.constant 0 : i32
      %dma_wait3A_59 = tpu.memref_slice %arg2[%add3A, %dma_wait3A, %dma_wait3A_58] : memref<32x80x128xi32, #tpu.memory_space<hbm>> -> memref<1x80x128xi32, #tpu.memory_space<hbm>>
      %dma_wait3A_60 = tpu.memref_squeeze %dma_wait3A_59 : memref<1x80x128xi32, #tpu.memory_space<hbm>> -> memref<80x128xi32, #tpu.memory_space<hbm>>
      %dma_wait3A_61 = arith.constant 0 : i32
      %dma_wait3A_62 = arith.constant 0 : i32
      %dma_wait3A_63 = tpu.memref_slice %arg2[%add3A, %dma_wait3A_61, %dma_wait3A_62] : memref<32x80x128xi32, #tpu.memory_space<hbm>> -> memref<1x80x128xi32, #tpu.memory_space<hbm>>
      %dma_wait3A_64 = tpu.memref_squeeze %dma_wait3A_63 : memref<1x80x128xi32, #tpu.memory_space<hbm>> -> memref<80x128xi32, #tpu.memory_space<hbm>>
      tpu.wait_dma2 semaphore(%run_scoped3A : memref<!tpu.dma_semaphore, #tpu.memory_space<semaphore_mem>>) src(%dma_wait3A_64 : memref<80x128xi32, #tpu.memory_space<hbm>>) dst(%arg4 : memref<80x128xi32, #tpu.memory_space<vmem>>)
      tpu.yield
    }) : () -> ()
    %barrier3A = arith.constant 0 : index
    tpu.barrier barrier_id(%barrier3A)
    %scan3A_37 = arith.constant 0 : i32
    %scan3A_38 = arith.constant 0 : i32
    %scan3A_39 = arith.constant 80 : i32
    %scan3A_40 = arith.addi %scan3A_38, %scan3A_39 : i32
    %scan3A_41 = arith.constant 1 : i32
    %scan3A_42 = scf.for %scan3A_51 = %scan3A_38 to %scan3A_40 step %scan3A_41 iter_args(%scan3A_52 = %scan3A_37) -> (i32)  : i32 {
      "tpu.region"() ({
        %run_scoped3A = tpu.sem_alloc : memref<!tpu.dma_semaphore, #tpu.memory_space<semaphore_mem>>
        %dma_start3A = arith.constant 0 : i32
        %dma_start3A_54 = tpu.memref_slice %arg4[%scan3A_51, %dma_start3A] : memref<80x128xi32, #tpu.memory_space<vmem>> -> memref<1x128xi32, #tpu.memory_space<vmem>>
        %dma_start3A_55 = tpu.memref_squeeze %dma_start3A_54 : memref<1x128xi32, #tpu.memory_space<vmem>> -> memref<128xi32, #tpu.memory_space<vmem>>
        %dma_start3A_56 = arith.constant 0 : i32
        %dma_start3A_57 = arith.constant 0 : i32
        %dma_start3A_58 = tpu.memref_slice %arg6[%dma_start3A_56, %dma_start3A_57] : memref<10240x128xf32, #tpu.memory_space<vmem_shared>> -> memref<10240x128xf32, #tpu.memory_space<vmem_shared>>
        tpu.enqueue_indirect_dma source(%arg5 : memref<128x128xf32, #tpu.memory_space<vmem>>) target(%dma_start3A_58 : memref<10240x128xf32, #tpu.memory_space<vmem_shared>>) offsets(%dma_start3A_55 : memref<128xi32, #tpu.memory_space<vmem>>) semaphore(%run_scoped3A : memref<!tpu.dma_semaphore, #tpu.memory_space<semaphore_mem>>) {add = true}
        %dma_wait3A = arith.constant 0 : i32
        %dma_wait3A_59 = tpu.memref_slice %arg4[%scan3A_51, %dma_wait3A] : memref<80x128xi32, #tpu.memory_space<vmem>> -> memref<1x128xi32, #tpu.memory_space<vmem>>
        %dma_wait3A_60 = tpu.memref_squeeze %dma_wait3A_59 : memref<1x128xi32, #tpu.memory_space<vmem>> -> memref<128xi32, #tpu.memory_space<vmem>>
        %dma_wait3A_61 = arith.constant 0 : i32
        %dma_wait3A_62 = arith.constant 0 : i32
        %dma_wait3A_63 = tpu.memref_slice %arg6[%dma_wait3A_61, %dma_wait3A_62] : memref<10240x128xf32, #tpu.memory_space<vmem_shared>> -> memref<10240x128xf32, #tpu.memory_space<vmem_shared>>
        tpu.wait_indirect_dma semaphore(%run_scoped3A : memref<!tpu.dma_semaphore, #tpu.memory_space<semaphore_mem>>) src(%arg5 : memref<128x128xf32, #tpu.memory_space<vmem>>) dst(%dma_wait3A_63 : memref<10240x128xf32, #tpu.memory_space<vmem_shared>>)
        tpu.yield
      }) : () -> ()
      %scan3A_53 = arith.constant 0 : i32
      scf.yield %scan3A_53 : i32
    }
    %scan3A_43 = arith.constant 80 : i32
    %barrier3A_44 = arith.constant 0 : index
    tpu.barrier barrier_id(%barrier3A_44)
    %mul3A_45 = arith.constant 624 : i32
    %mul3A_46 = arith.muli %arg1, %mul3A_45 : i32
    %mul3A_47 = arith.constant 624 : i32
    %mul3A_48 = arith.muli %arg1, %mul3A_47 : i32
    "tpu.region"() ({
      %run_scoped3A = tpu.sem_alloc : memref<!tpu.dma_semaphore, #tpu.memory_space<semaphore_mem>>
      %dma_start3A = arith.constant 0 : i32
      %dma_start3A_51 = tpu.memref_slice %arg3[%arg0, %mul3A_48, %dma_start3A] : memref<2x10000x128xf32, #tpu.memory_space<hbm>> -> memref<1x624x128xf32, #tpu.memory_space<hbm>>
      %dma_start3A_52 = tpu.memref_squeeze %dma_start3A_51 : memref<1x624x128xf32, #tpu.memory_space<hbm>> -> memref<624x128xf32, #tpu.memory_space<hbm>>
      %dma_start3A_53 = arith.constant 0 : i32
      %dma_start3A_54 = tpu.memref_slice %arg6[%mul3A_46, %dma_start3A_53] : memref<10240x128xf32, #tpu.memory_space<vmem_shared>> -> memref<624x128xf32, #tpu.memory_space<vmem_shared>>
      tpu.enqueue_dma source(%dma_start3A_54 : memref<624x128xf32, #tpu.memory_space<vmem_shared>>) target(%dma_start3A_52 : memref<624x128xf32, #tpu.memory_space<hbm>>) target_semaphore(%run_scoped3A : memref<!tpu.dma_semaphore, #tpu.memory_space<semaphore_mem>>)
      %dma_wait3A = arith.constant 0 : i32
      %dma_wait3A_55 = tpu.memref_slice %arg3[%arg0, %mul3A_48, %dma_wait3A] : memref<2x10000x128xf32, #tpu.memory_space<hbm>> -> memref<1x624x128xf32, #tpu.memory_space<hbm>>
      %dma_wait3A_56 = tpu.memref_squeeze %dma_wait3A_55 : memref<1x624x128xf32, #tpu.memory_space<hbm>> -> memref<624x128xf32, #tpu.memory_space<hbm>>
      %dma_wait3A_57 = arith.constant 0 : i32
      %dma_wait3A_58 = tpu.memref_slice %arg6[%mul3A_46, %dma_wait3A_57] : memref<10240x128xf32, #tpu.memory_space<vmem_shared>> -> memref<624x128xf32, #tpu.memory_space<vmem_shared>>
      tpu.wait_dma2 semaphore(%run_scoped3A : memref<!tpu.dma_semaphore, #tpu.memory_space<semaphore_mem>>) src(%dma_wait3A_58 : memref<624x128xf32, #tpu.memory_space<vmem_shared>>) dst(%dma_wait3A_56 : memref<624x128xf32, #tpu.memory_space<hbm>>)
      tpu.yield
    }) : () -> ()
    %eq3A = arith.constant 15 : i32
    %eq3A_49 = arith.cmpi eq, %arg1, %eq3A : i32
    %convert_element_type3A = arith.extui %eq3A_49 : i1 to i32
    %cond3A = arith.constant 0 : i32
    %cond3A_50 = arith.cmpi ne, %convert_element_type3A, %cond3A : i32
    scf.if %cond3A_50 {
      "tpu.region"() ({
        %run_scoped3A = tpu.sem_alloc : memref<!tpu.dma_semaphore, #tpu.memory_space<semaphore_mem>>
        %dma_start3A = arith.constant 9984 : i32
        %dma_start3A_51 = arith.constant 0 : i32
        %dma_start3A_52 = tpu.memref_slice %arg3[%arg0, %dma_start3A, %dma_start3A_51] : memref<2x10000x128xf32, #tpu.memory_space<hbm>> -> memref<1x16x128xf32, #tpu.memory_space<hbm>>
        %dma_start3A_53 = tpu.memref_squeeze %dma_start3A_52 : memref<1x16x128xf32, #tpu.memory_space<hbm>> -> memref<16x128xf32, #tpu.memory_space<hbm>>
        %dma_start3A_54 = arith.constant 9984 : i32
        %dma_start3A_55 = arith.constant 0 : i32
        %dma_start3A_56 = tpu.memref_slice %arg6[%dma_start3A_54, %dma_start3A_55] : memref<10240x128xf32, #tpu.memory_space<vmem_shared>> -> memref<16x128xf32, #tpu.memory_space<vmem_shared>>
        tpu.enqueue_dma source(%dma_start3A_56 : memref<16x128xf32, #tpu.memory_space<vmem_shared>>) target(%dma_start3A_53 : memref<16x128xf32, #tpu.memory_space<hbm>>) target_semaphore(%run_scoped3A : memref<!tpu.dma_semaphore, #tpu.memory_space<semaphore_mem>>)
        %dma_wait3A = arith.constant 9984 : i32
        %dma_wait3A_57 = arith.constant 0 : i32
        %dma_wait3A_58 = tpu.memref_slice %arg3[%arg0, %dma_wait3A, %dma_wait3A_57] : memref<2x10000x128xf32, #tpu.memory_space<hbm>> -> memref<1x16x128xf32, #tpu.memory_space<hbm>>
        %dma_wait3A_59 = tpu.memref_squeeze %dma_wait3A_58 : memref<1x16x128xf32, #tpu.memory_space<hbm>> -> memref<16x128xf32, #tpu.memory_space<hbm>>
        %dma_wait3A_60 = arith.constant 9984 : i32
        %dma_wait3A_61 = arith.constant 0 : i32
        %dma_wait3A_62 = tpu.memref_slice %arg6[%dma_wait3A_60, %dma_wait3A_61] : memref<10240x128xf32, #tpu.memory_space<vmem_shared>> -> memref<16x128xf32, #tpu.memory_space<vmem_shared>>
        tpu.wait_dma2 semaphore(%run_scoped3A : memref<!tpu.dma_semaphore, #tpu.memory_space<semaphore_mem>>) src(%dma_wait3A_62 : memref<16x128xf32, #tpu.memory_space<vmem_shared>>) dst(%dma_wait3A_59 : memref<16x128xf32, #tpu.memory_space<hbm>>)
        tpu.yield
      }) : () -> ()
    } else {
    }
    return
  }
}

#map = affine_map<(d0, d1) -> (0, 0)>
#map1 = affine_map<(d0, d1) -> (0, 0, 0)>
module attributes {stable_mosaic.version = 14 : i64} {
  func.func @_mp_body(%arg0: i32, %arg1: i32, %arg2: memref<10000x128xf32, #tpu.memory_space<hbm>>, %arg3: memref<32x80x128xi32, #tpu.memory_space<hbm>>, %arg4: memref<32x80x128xi32, #tpu.memory_space<hbm>>, %arg5: memref<2x10000x128xf32, #tpu.memory_space<hbm>>, %arg6: memref<40x128xi32, #tpu.memory_space<vmem>>, %arg7: memref<80x128xi32, #tpu.memory_space<vmem>>, %arg8: memref<128x128xf32, #tpu.memory_space<vmem>>, %arg9: memref<128x128xf32, #tpu.memory_space<vmem>>, %arg10: memref<10240x128xf32, #tpu.memory_space<vmem_shared>>, %arg11: memref<!tpu.dma_semaphore, #tpu.memory_space<semaphore_mem>>, %arg12: memref<!tpu.dma_semaphore, #tpu.memory_space<semaphore_mem>>) attributes {dimension_semantics = [#tpu.dimension_semantics<core_parallel>, #tpu.dimension_semantics<subcore_parallel>], iteration_bounds = array<i64: 2, 16>, scalar_prefetch = 0 : i64, scratch_operands = 7 : i64, tpu.core_type = #tpu.core_type<sc_vector_subcore>, window_params = [{transform_indices = #map}, {transform_indices = #map1}, {transform_indices = #map1}, {transform_indices = #map1}]} {
    %mul3A = arith.constant 2 : i32
    %mul3A_0 = arith.muli %arg1, %mul3A : i32
    %add3A = arith.addi %mul3A_0, %arg0 : i32
    %broadcast_in_dim3A = arith.constant 0.000000e+00 : f32
    %broadcast_in_dim3A_1 = vector.broadcast %broadcast_in_dim3A : f32 to vector<16xf32>
    %scan3A = arith.constant 0 : i32
    %scan3A_2 = arith.constant 0 : i32
    %scan3A_3 = arith.constant 128 : i32
    %scan3A_4 = arith.addi %scan3A_2, %scan3A_3 : i32
    %scan3A_5 = arith.constant 1 : i32
    %scan3A_6 = scf.for %scan3A_62 = %scan3A_2 to %scan3A_4 step %scan3A_5 iter_args(%scan3A_63 = %scan3A) -> (i32)  : i32 {
      %swap3A = arith.index_cast %scan3A_62 : i32 to index
      %swap3A_64 = arith.constant 0 : index
      %swap3A_65 = tpu.vector_load %arg8[%swap3A, %swap3A_64] {strides = array<i32>} : memref<128x128xf32, #tpu.memory_space<vmem>>, vector<1x16xf32>,
      %swap3A_66 = vector.shape_cast %swap3A_65 : vector<1x16xf32> to vector<16xf32>
      %swap3A_67 = vector.shape_cast %broadcast_in_dim3A_1 : vector<16xf32> to vector<1x16xf32>
      tpu.vector_store %arg8[%swap3A, %swap3A_64], %swap3A_67 {strides = array<i32>} : memref<128x128xf32, #tpu.memory_space<vmem>>, vector<1x16xf32>,
      %swap3A_68 = arith.index_cast %scan3A_62 : i32 to index
      %swap3A_69 = arith.constant 16 : index
      %swap3A_70 = tpu.vector_load %arg8[%swap3A_68, %swap3A_69] {strides = array<i32>} : memref<128x128xf32, #tpu.memory_space<vmem>>, vector<1x16xf32>,
      %swap3A_71 = vector.shape_cast %swap3A_70 : vector<1x16xf32> to vector<16xf32>
      %swap3A_72 = vector.shape_cast %broadcast_in_dim3A_1 : vector<16xf32> to vector<1x16xf32>
      tpu.vector_store %arg8[%swap3A_68, %swap3A_69], %swap3A_72 {strides = array<i32>} : memref<128x128xf32, #tpu.memory_space<vmem>>, vector<1x16xf32>,
      %swap3A_73 = arith.index_cast %scan3A_62 : i32 to index
      %swap3A_74 = arith.constant 32 : index
      %swap3A_75 = tpu.vector_load %arg8[%swap3A_73, %swap3A_74] {strides = array<i32>} : memref<128x128xf32, #tpu.memory_space<vmem>>, vector<1x16xf32>,
      %swap3A_76 = vector.shape_cast %swap3A_75 : vector<1x16xf32> to vector<16xf32>
      %swap3A_77 = vector.shape_cast %broadcast_in_dim3A_1 : vector<16xf32> to vector<1x16xf32>
      tpu.vector_store %arg8[%swap3A_73, %swap3A_74], %swap3A_77 {strides = array<i32>} : memref<128x128xf32, #tpu.memory_space<vmem>>, vector<1x16xf32>,
      %swap3A_78 = arith.index_cast %scan3A_62 : i32 to index
      %swap3A_79 = arith.constant 48 : index
      %swap3A_80 = tpu.vector_load %arg8[%swap3A_78, %swap3A_79] {strides = array<i32>} : memref<128x128xf32, #tpu.memory_space<vmem>>, vector<1x16xf32>,
      %swap3A_81 = vector.shape_cast %swap3A_80 : vector<1x16xf32> to vector<16xf32>
      %swap3A_82 = vector.shape_cast %broadcast_in_dim3A_1 : vector<16xf32> to vector<1x16xf32>
      tpu.vector_store %arg8[%swap3A_78, %swap3A_79], %swap3A_82 {strides = array<i32>} : memref<128x128xf32, #tpu.memory_space<vmem>>, vector<1x16xf32>,
      %swap3A_83 = arith.index_cast %scan3A_62 : i32 to index
      %swap3A_84 = arith.constant 64 : index
      %swap3A_85 = tpu.vector_load %arg8[%swap3A_83, %swap3A_84] {strides = array<i32>} : memref<128x128xf32, #tpu.memory_space<vmem>>, vector<1x16xf32>,
      %swap3A_86 = vector.shape_cast %swap3A_85 : vector<1x16xf32> to vector<16xf32>
      %swap3A_87 = vector.shape_cast %broadcast_in_dim3A_1 : vector<16xf32> to vector<1x16xf32>
      tpu.vector_store %arg8[%swap3A_83, %swap3A_84], %swap3A_87 {strides = array<i32>} : memref<128x128xf32, #tpu.memory_space<vmem>>, vector<1x16xf32>,
      %swap3A_88 = arith.index_cast %scan3A_62 : i32 to index
      %swap3A_89 = arith.constant 80 : index
      %swap3A_90 = tpu.vector_load %arg8[%swap3A_88, %swap3A_89] {strides = array<i32>} : memref<128x128xf32, #tpu.memory_space<vmem>>, vector<1x16xf32>,
      %swap3A_91 = vector.shape_cast %swap3A_90 : vector<1x16xf32> to vector<16xf32>
      %swap3A_92 = vector.shape_cast %broadcast_in_dim3A_1 : vector<16xf32> to vector<1x16xf32>
      tpu.vector_store %arg8[%swap3A_88, %swap3A_89], %swap3A_92 {strides = array<i32>} : memref<128x128xf32, #tpu.memory_space<vmem>>, vector<1x16xf32>,
      %swap3A_93 = arith.index_cast %scan3A_62 : i32 to index
      %swap3A_94 = arith.constant 96 : index
      %swap3A_95 = tpu.vector_load %arg8[%swap3A_93, %swap3A_94] {strides = array<i32>} : memref<128x128xf32, #tpu.memory_space<vmem>>, vector<1x16xf32>,
      %swap3A_96 = vector.shape_cast %swap3A_95 : vector<1x16xf32> to vector<16xf32>
      %swap3A_97 = vector.shape_cast %broadcast_in_dim3A_1 : vector<16xf32> to vector<1x16xf32>
      tpu.vector_store %arg8[%swap3A_93, %swap3A_94], %swap3A_97 {strides = array<i32>} : memref<128x128xf32, #tpu.memory_space<vmem>>, vector<1x16xf32>,
      %swap3A_98 = arith.index_cast %scan3A_62 : i32 to index
      %swap3A_99 = arith.constant 112 : index
      %swap3A_100 = tpu.vector_load %arg8[%swap3A_98, %swap3A_99] {strides = array<i32>} : memref<128x128xf32, #tpu.memory_space<vmem>>, vector<1x16xf32>,
      %swap3A_101 = vector.shape_cast %swap3A_100 : vector<1x16xf32> to vector<16xf32>
      %swap3A_102 = vector.shape_cast %broadcast_in_dim3A_1 : vector<16xf32> to vector<1x16xf32>
      tpu.vector_store %arg8[%swap3A_98, %swap3A_99], %swap3A_102 {strides = array<i32>} : memref<128x128xf32, #tpu.memory_space<vmem>>, vector<1x16xf32>,
      %scan3A_103 = arith.constant 0 : i32
      scf.yield %scan3A_103 : i32
    }
    %scan3A_7 = arith.constant 128 : i32
    %mul3A_8 = arith.constant 640 : i32
    %mul3A_9 = arith.muli %arg1, %mul3A_8 : i32
    %add3A_10 = arith.constant 0 : i32
    %add3A_11 = arith.addi %mul3A_9, %add3A_10 : i32
    "tpu.region"() ({
      %run_scoped3A = tpu.sem_alloc : memref<!tpu.dma_semaphore, #tpu.memory_space<semaphore_mem>>
      %dma_start3A_62 = arith.constant 0 : i32
      %dma_start3A_63 = tpu.memref_slice %arg10[%add3A_11, %dma_start3A_62] : memref<10240x128xf32, #tpu.memory_space<vmem_shared>> -> memref<128x128xf32, #tpu.memory_space<vmem_shared>>
      %dma_start3A_64 = arith.constant 0 : i32
      %dma_start3A_65 = tpu.memref_slice %arg10[%add3A_11, %dma_start3A_64] : memref<10240x128xf32, #tpu.memory_space<vmem_shared>> -> memref<128x128xf32, #tpu.memory_space<vmem_shared>>
      tpu.enqueue_dma source(%arg8 : memref<128x128xf32, #tpu.memory_space<vmem>>) target(%dma_start3A_65 : memref<128x128xf32, #tpu.memory_space<vmem_shared>>) target_semaphore(%run_scoped3A : memref<!tpu.dma_semaphore, #tpu.memory_space<semaphore_mem>>)
      %dma_wait3A = arith.constant 0 : i32
      %dma_wait3A_66 = tpu.memref_slice %arg10[%add3A_11, %dma_wait3A] : memref<10240x128xf32, #tpu.memory_space<vmem_shared>> -> memref<128x128xf32, #tpu.memory_space<vmem_shared>>
      %dma_wait3A_67 = arith.constant 0 : i32
      %dma_wait3A_68 = tpu.memref_slice %arg10[%add3A_11, %dma_wait3A_67] : memref<10240x128xf32, #tpu.memory_space<vmem_shared>> -> memref<128x128xf32, #tpu.memory_space<vmem_shared>>
      tpu.wait_dma2 semaphore(%run_scoped3A : memref<!tpu.dma_semaphore, #tpu.memory_space<semaphore_mem>>) src(%arg8 : memref<128x128xf32, #tpu.memory_space<vmem>>) dst(%dma_wait3A_68 : memref<128x128xf32, #tpu.memory_space<vmem_shared>>)
      tpu.yield
    }) : () -> ()
    %mul3A_12 = arith.constant 640 : i32
    %mul3A_13 = arith.muli %arg1, %mul3A_12 : i32
    %add3A_14 = arith.constant 128 : i32
    %add3A_15 = arith.addi %mul3A_13, %add3A_14 : i32
    "tpu.region"() ({
      %run_scoped3A = tpu.sem_alloc : memref<!tpu.dma_semaphore, #tpu.memory_space<semaphore_mem>>
      %dma_start3A_62 = arith.constant 0 : i32
      %dma_start3A_63 = tpu.memref_slice %arg10[%add3A_15, %dma_start3A_62] : memref<10240x128xf32, #tpu.memory_space<vmem_shared>> -> memref<128x128xf32, #tpu.memory_space<vmem_shared>>
      %dma_start3A_64 = arith.constant 0 : i32
      %dma_start3A_65 = tpu.memref_slice %arg10[%add3A_15, %dma_start3A_64] : memref<10240x128xf32, #tpu.memory_space<vmem_shared>> -> memref<128x128xf32, #tpu.memory_space<vmem_shared>>
      tpu.enqueue_dma source(%arg8 : memref<128x128xf32, #tpu.memory_space<vmem>>) target(%dma_start3A_65 : memref<128x128xf32, #tpu.memory_space<vmem_shared>>) target_semaphore(%run_scoped3A : memref<!tpu.dma_semaphore, #tpu.memory_space<semaphore_mem>>)
      %dma_wait3A = arith.constant 0 : i32
      %dma_wait3A_66 = tpu.memref_slice %arg10[%add3A_15, %dma_wait3A] : memref<10240x128xf32, #tpu.memory_space<vmem_shared>> -> memref<128x128xf32, #tpu.memory_space<vmem_shared>>
      %dma_wait3A_67 = arith.constant 0 : i32
      %dma_wait3A_68 = tpu.memref_slice %arg10[%add3A_15, %dma_wait3A_67] : memref<10240x128xf32, #tpu.memory_space<vmem_shared>> -> memref<128x128xf32, #tpu.memory_space<vmem_shared>>
      tpu.wait_dma2 semaphore(%run_scoped3A : memref<!tpu.dma_semaphore, #tpu.memory_space<semaphore_mem>>) src(%arg8 : memref<128x128xf32, #tpu.memory_space<vmem>>) dst(%dma_wait3A_68 : memref<128x128xf32, #tpu.memory_space<vmem_shared>>)
      tpu.yield
    }) : () -> ()
    %mul3A_16 = arith.constant 640 : i32
    %mul3A_17 = arith.muli %arg1, %mul3A_16 : i32
    %add3A_18 = arith.constant 256 : i32
    %add3A_19 = arith.addi %mul3A_17, %add3A_18 : i32
    "tpu.region"() ({
      %run_scoped3A = tpu.sem_alloc : memref<!tpu.dma_semaphore, #tpu.memory_space<semaphore_mem>>
      %dma_start3A_62 = arith.constant 0 : i32
      %dma_start3A_63 = tpu.memref_slice %arg10[%add3A_19, %dma_start3A_62] : memref<10240x128xf32, #tpu.memory_space<vmem_shared>> -> memref<128x128xf32, #tpu.memory_space<vmem_shared>>
      %dma_start3A_64 = arith.constant 0 : i32
      %dma_start3A_65 = tpu.memref_slice %arg10[%add3A_19, %dma_start3A_64] : memref<10240x128xf32, #tpu.memory_space<vmem_shared>> -> memref<128x128xf32, #tpu.memory_space<vmem_shared>>
      tpu.enqueue_dma source(%arg8 : memref<128x128xf32, #tpu.memory_space<vmem>>) target(%dma_start3A_65 : memref<128x128xf32, #tpu.memory_space<vmem_shared>>) target_semaphore(%run_scoped3A : memref<!tpu.dma_semaphore, #tpu.memory_space<semaphore_mem>>)
      %dma_wait3A = arith.constant 0 : i32
      %dma_wait3A_66 = tpu.memref_slice %arg10[%add3A_19, %dma_wait3A] : memref<10240x128xf32, #tpu.memory_space<vmem_shared>> -> memref<128x128xf32, #tpu.memory_space<vmem_shared>>
      %dma_wait3A_67 = arith.constant 0 : i32
      %dma_wait3A_68 = tpu.memref_slice %arg10[%add3A_19, %dma_wait3A_67] : memref<10240x128xf32, #tpu.memory_space<vmem_shared>> -> memref<128x128xf32, #tpu.memory_space<vmem_shared>>
      tpu.wait_dma2 semaphore(%run_scoped3A : memref<!tpu.dma_semaphore, #tpu.memory_space<semaphore_mem>>) src(%arg8 : memref<128x128xf32, #tpu.memory_space<vmem>>) dst(%dma_wait3A_68 : memref<128x128xf32, #tpu.memory_space<vmem_shared>>)
      tpu.yield
    }) : () -> ()
    %mul3A_20 = arith.constant 640 : i32
    %mul3A_21 = arith.muli %arg1, %mul3A_20 : i32
    %add3A_22 = arith.constant 384 : i32
    %add3A_23 = arith.addi %mul3A_21, %add3A_22 : i32
    "tpu.region"() ({
      %run_scoped3A = tpu.sem_alloc : memref<!tpu.dma_semaphore, #tpu.memory_space<semaphore_mem>>
      %dma_start3A_62 = arith.constant 0 : i32
      %dma_start3A_63 = tpu.memref_slice %arg10[%add3A_23, %dma_start3A_62] : memref<10240x128xf32, #tpu.memory_space<vmem_shared>> -> memref<128x128xf32, #tpu.memory_space<vmem_shared>>
      %dma_start3A_64 = arith.constant 0 : i32
      %dma_start3A_65 = tpu.memref_slice %arg10[%add3A_23, %dma_start3A_64] : memref<10240x128xf32, #tpu.memory_space<vmem_shared>> -> memref<128x128xf32, #tpu.memory_space<vmem_shared>>
      tpu.enqueue_dma source(%arg8 : memref<128x128xf32, #tpu.memory_space<vmem>>) target(%dma_start3A_65 : memref<128x128xf32, #tpu.memory_space<vmem_shared>>) target_semaphore(%run_scoped3A : memref<!tpu.dma_semaphore, #tpu.memory_space<semaphore_mem>>)
      %dma_wait3A = arith.constant 0 : i32
      %dma_wait3A_66 = tpu.memref_slice %arg10[%add3A_23, %dma_wait3A] : memref<10240x128xf32, #tpu.memory_space<vmem_shared>> -> memref<128x128xf32, #tpu.memory_space<vmem_shared>>
      %dma_wait3A_67 = arith.constant 0 : i32
      %dma_wait3A_68 = tpu.memref_slice %arg10[%add3A_23, %dma_wait3A_67] : memref<10240x128xf32, #tpu.memory_space<vmem_shared>> -> memref<128x128xf32, #tpu.memory_space<vmem_shared>>
      tpu.wait_dma2 semaphore(%run_scoped3A : memref<!tpu.dma_semaphore, #tpu.memory_space<semaphore_mem>>) src(%arg8 : memref<128x128xf32, #tpu.memory_space<vmem>>) dst(%dma_wait3A_68 : memref<128x128xf32, #tpu.memory_space<vmem_shared>>)
      tpu.yield
    }) : () -> ()
    %mul3A_24 = arith.constant 640 : i32
    %mul3A_25 = arith.muli %arg1, %mul3A_24 : i32
    %add3A_26 = arith.constant 512 : i32
    %add3A_27 = arith.addi %mul3A_25, %add3A_26 : i32
    "tpu.region"() ({
      %run_scoped3A = tpu.sem_alloc : memref<!tpu.dma_semaphore, #tpu.memory_space<semaphore_mem>>
      %dma_start3A_62 = arith.constant 0 : i32
      %dma_start3A_63 = tpu.memref_slice %arg10[%add3A_27, %dma_start3A_62] : memref<10240x128xf32, #tpu.memory_space<vmem_shared>> -> memref<128x128xf32, #tpu.memory_space<vmem_shared>>
      %dma_start3A_64 = arith.constant 0 : i32
      %dma_start3A_65 = tpu.memref_slice %arg10[%add3A_27, %dma_start3A_64] : memref<10240x128xf32, #tpu.memory_space<vmem_shared>> -> memref<128x128xf32, #tpu.memory_space<vmem_shared>>
      tpu.enqueue_dma source(%arg8 : memref<128x128xf32, #tpu.memory_space<vmem>>) target(%dma_start3A_65 : memref<128x128xf32, #tpu.memory_space<vmem_shared>>) target_semaphore(%run_scoped3A : memref<!tpu.dma_semaphore, #tpu.memory_space<semaphore_mem>>)
      %dma_wait3A = arith.constant 0 : i32
      %dma_wait3A_66 = tpu.memref_slice %arg10[%add3A_27, %dma_wait3A] : memref<10240x128xf32, #tpu.memory_space<vmem_shared>> -> memref<128x128xf32, #tpu.memory_space<vmem_shared>>
      %dma_wait3A_67 = arith.constant 0 : i32
      %dma_wait3A_68 = tpu.memref_slice %arg10[%add3A_27, %dma_wait3A_67] : memref<10240x128xf32, #tpu.memory_space<vmem_shared>> -> memref<128x128xf32, #tpu.memory_space<vmem_shared>>
      tpu.wait_dma2 semaphore(%run_scoped3A : memref<!tpu.dma_semaphore, #tpu.memory_space<semaphore_mem>>) src(%arg8 : memref<128x128xf32, #tpu.memory_space<vmem>>) dst(%dma_wait3A_68 : memref<128x128xf32, #tpu.memory_space<vmem_shared>>)
      tpu.yield
    }) : () -> ()
    "tpu.region"() ({
      %run_scoped3A = tpu.sem_alloc : memref<!tpu.dma_semaphore, #tpu.memory_space<semaphore_mem>>
      %dma_start3A_62 = arith.constant 0 : i32
      %dma_start3A_63 = arith.constant 0 : i32
      %dma_start3A_64 = tpu.memref_slice %arg4[%add3A, %dma_start3A_62, %dma_start3A_63] : memref<32x80x128xi32, #tpu.memory_space<hbm>> -> memref<1x80x128xi32, #tpu.memory_space<hbm>>
      %dma_start3A_65 = tpu.memref_squeeze %dma_start3A_64 : memref<1x80x128xi32, #tpu.memory_space<hbm>> -> memref<80x128xi32, #tpu.memory_space<hbm>>
      %dma_start3A_66 = arith.constant 0 : i32
      %dma_start3A_67 = arith.constant 0 : i32
      %dma_start3A_68 = tpu.memref_slice %arg4[%add3A, %dma_start3A_66, %dma_start3A_67] : memref<32x80x128xi32, #tpu.memory_space<hbm>> -> memref<1x80x128xi32, #tpu.memory_space<hbm>>
      %dma_start3A_69 = tpu.memref_squeeze %dma_start3A_68 : memref<1x80x128xi32, #tpu.memory_space<hbm>> -> memref<80x128xi32, #tpu.memory_space<hbm>>
      tpu.enqueue_dma source(%dma_start3A_69 : memref<80x128xi32, #tpu.memory_space<hbm>>) target(%arg7 : memref<80x128xi32, #tpu.memory_space<vmem>>) target_semaphore(%run_scoped3A : memref<!tpu.dma_semaphore, #tpu.memory_space<semaphore_mem>>)
      %dma_wait3A = arith.constant 0 : i32
      %dma_wait3A_70 = arith.constant 0 : i32
      %dma_wait3A_71 = tpu.memref_slice %arg4[%add3A, %dma_wait3A, %dma_wait3A_70] : memref<32x80x128xi32, #tpu.memory_space<hbm>> -> memref<1x80x128xi32, #tpu.memory_space<hbm>>
      %dma_wait3A_72 = tpu.memref_squeeze %dma_wait3A_71 : memref<1x80x128xi32, #tpu.memory_space<hbm>> -> memref<80x128xi32, #tpu.memory_space<hbm>>
      %dma_wait3A_73 = arith.constant 0 : i32
      %dma_wait3A_74 = arith.constant 0 : i32
      %dma_wait3A_75 = tpu.memref_slice %arg4[%add3A, %dma_wait3A_73, %dma_wait3A_74] : memref<32x80x128xi32, #tpu.memory_space<hbm>> -> memref<1x80x128xi32, #tpu.memory_space<hbm>>
      %dma_wait3A_76 = tpu.memref_squeeze %dma_wait3A_75 : memref<1x80x128xi32, #tpu.memory_space<hbm>> -> memref<80x128xi32, #tpu.memory_space<hbm>>
      tpu.wait_dma2 semaphore(%run_scoped3A : memref<!tpu.dma_semaphore, #tpu.memory_space<semaphore_mem>>) src(%dma_wait3A_76 : memref<80x128xi32, #tpu.memory_space<hbm>>) dst(%arg7 : memref<80x128xi32, #tpu.memory_space<vmem>>)
      tpu.yield
    }) : () -> ()
    "tpu.region"() ({
      %run_scoped3A = tpu.sem_alloc : memref<!tpu.dma_semaphore, #tpu.memory_space<semaphore_mem>>
      %dma_start3A_62 = arith.constant 0 : i32
      %dma_start3A_63 = arith.constant 0 : i32
      %dma_start3A_64 = tpu.memref_slice %arg3[%add3A, %dma_start3A_62, %dma_start3A_63] : memref<32x80x128xi32, #tpu.memory_space<hbm>> -> memref<1x40x128xi32, #tpu.memory_space<hbm>>
      %dma_start3A_65 = tpu.memref_squeeze %dma_start3A_64 : memref<1x40x128xi32, #tpu.memory_space<hbm>> -> memref<40x128xi32, #tpu.memory_space<hbm>>
      %dma_start3A_66 = arith.constant 0 : i32
      %dma_start3A_67 = arith.constant 0 : i32
      %dma_start3A_68 = tpu.memref_slice %arg3[%add3A, %dma_start3A_66, %dma_start3A_67] : memref<32x80x128xi32, #tpu.memory_space<hbm>> -> memref<1x40x128xi32, #tpu.memory_space<hbm>>
      %dma_start3A_69 = tpu.memref_squeeze %dma_start3A_68 : memref<1x40x128xi32, #tpu.memory_space<hbm>> -> memref<40x128xi32, #tpu.memory_space<hbm>>
      tpu.enqueue_dma source(%dma_start3A_69 : memref<40x128xi32, #tpu.memory_space<hbm>>) target(%arg6 : memref<40x128xi32, #tpu.memory_space<vmem>>) target_semaphore(%run_scoped3A : memref<!tpu.dma_semaphore, #tpu.memory_space<semaphore_mem>>)
      %dma_wait3A = arith.constant 0 : i32
      %dma_wait3A_70 = arith.constant 0 : i32
      %dma_wait3A_71 = tpu.memref_slice %arg3[%add3A, %dma_wait3A, %dma_wait3A_70] : memref<32x80x128xi32, #tpu.memory_space<hbm>> -> memref<1x40x128xi32, #tpu.memory_space<hbm>>
      %dma_wait3A_72 = tpu.memref_squeeze %dma_wait3A_71 : memref<1x40x128xi32, #tpu.memory_space<hbm>> -> memref<40x128xi32, #tpu.memory_space<hbm>>
      %dma_wait3A_73 = arith.constant 0 : i32
      %dma_wait3A_74 = arith.constant 0 : i32
      %dma_wait3A_75 = tpu.memref_slice %arg3[%add3A, %dma_wait3A_73, %dma_wait3A_74] : memref<32x80x128xi32, #tpu.memory_space<hbm>> -> memref<1x40x128xi32, #tpu.memory_space<hbm>>
      %dma_wait3A_76 = tpu.memref_squeeze %dma_wait3A_75 : memref<1x40x128xi32, #tpu.memory_space<hbm>> -> memref<40x128xi32, #tpu.memory_space<hbm>>
      tpu.wait_dma2 semaphore(%run_scoped3A : memref<!tpu.dma_semaphore, #tpu.memory_space<semaphore_mem>>) src(%dma_wait3A_76 : memref<40x128xi32, #tpu.memory_space<hbm>>) dst(%arg6 : memref<40x128xi32, #tpu.memory_space<vmem>>)
      tpu.yield
    }) : () -> ()
    %barrier3A = arith.constant 0 : index
    tpu.barrier barrier_id(%barrier3A)
    %dma_start3A = arith.constant 0 : i32
    %dma_start3A_28 = arith.constant 0 : i32
    %dma_start3A_29 = tpu.memref_slice %arg6[%dma_start3A, %dma_start3A_28] : memref<40x128xi32, #tpu.memory_space<vmem>> -> memref<1x128xi32, #tpu.memory_space<vmem>>
    %dma_start3A_30 = tpu.memref_squeeze %dma_start3A_29 : memref<1x128xi32, #tpu.memory_space<vmem>> -> memref<128xi32, #tpu.memory_space<vmem>>
    %dma_start3A_31 = arith.constant 0 : i32
    %dma_start3A_32 = arith.constant 0 : i32
    %dma_start3A_33 = tpu.memref_slice %arg2[%dma_start3A_31, %dma_start3A_32] : memref<10000x128xf32, #tpu.memory_space<hbm>> -> memref<10000x128xf32, #tpu.memory_space<hbm>>
    tpu.enqueue_indirect_dma source(%dma_start3A_33 : memref<10000x128xf32, #tpu.memory_space<hbm>>) target(%arg8 : memref<128x128xf32, #tpu.memory_space<vmem>>) offsets(%dma_start3A_30 : memref<128xi32, #tpu.memory_space<vmem>>) semaphore(%arg11 : memref<!tpu.dma_semaphore, #tpu.memory_space<semaphore_mem>>)
    %scan3A_34 = arith.constant 0 : i32
    %scan3A_35 = arith.constant 0 : i32
    %scan3A_36 = arith.constant 20 : i32
    %scan3A_37 = arith.addi %scan3A_35, %scan3A_36 : i32
    %scan3A_38 = arith.constant 1 : i32
    %scan3A_39 = scf.for %scan3A_62 = %scan3A_35 to %scan3A_37 step %scan3A_38 iter_args(%scan3A_63 = %scan3A_34) -> (i32)  : i32 {
      %mul3A_64 = arith.constant 2 : i32
      %mul3A_65 = arith.muli %mul3A_64, %scan3A_62 : i32
      %add3A_66 = arith.constant 0 : i32
      %add3A_67 = arith.addi %add3A_66, %mul3A_65 : i32
      %mul3A_68 = arith.constant 2 : i32
      %mul3A_69 = arith.muli %mul3A_68, %scan3A_62 : i32
      %dma_wait3A = arith.constant 0 : i32
      %dma_wait3A_70 = tpu.memref_slice %arg6[%mul3A_69, %dma_wait3A] : memref<40x128xi32, #tpu.memory_space<vmem>> -> memref<1x128xi32, #tpu.memory_space<vmem>>
      %dma_wait3A_71 = tpu.memref_squeeze %dma_wait3A_70 : memref<1x128xi32, #tpu.memory_space<vmem>> -> memref<128xi32, #tpu.memory_space<vmem>>
      %dma_wait3A_72 = arith.constant 0 : i32
      %dma_wait3A_73 = arith.constant 0 : i32
      %dma_wait3A_74 = tpu.memref_slice %arg2[%dma_wait3A_72, %dma_wait3A_73] : memref<10000x128xf32, #tpu.memory_space<hbm>> -> memref<10000x128xf32, #tpu.memory_space<hbm>>
      tpu.wait_indirect_dma semaphore(%arg11 : memref<!tpu.dma_semaphore, #tpu.memory_space<semaphore_mem>>) src(%dma_wait3A_74 : memref<10000x128xf32, #tpu.memory_space<hbm>>) dst(%arg8 : memref<128x128xf32, #tpu.memory_space<vmem>>)
      %mul3A_75 = arith.constant 2 : i32
      %mul3A_76 = arith.muli %mul3A_75, %scan3A_62 : i32
      %add3A_77 = arith.constant 1 : i32
      %add3A_78 = arith.addi %mul3A_76, %add3A_77 : i32
      %dma_start3A_79 = arith.constant 0 : i32
      %dma_start3A_80 = tpu.memref_slice %arg6[%add3A_78, %dma_start3A_79] : memref<40x128xi32, #tpu.memory_space<vmem>> -> memref<1x128xi32, #tpu.memory_space<vmem>>
      %dma_start3A_81 = tpu.memref_squeeze %dma_start3A_80 : memref<1x128xi32, #tpu.memory_space<vmem>> -> memref<128xi32, #tpu.memory_space<vmem>>
      %dma_start3A_82 = arith.constant 0 : i32
      %dma_start3A_83 = arith.constant 0 : i32
      %dma_start3A_84 = tpu.memref_slice %arg2[%dma_start3A_82, %dma_start3A_83] : memref<10000x128xf32, #tpu.memory_space<hbm>> -> memref<10000x128xf32, #tpu.memory_space<hbm>>
      tpu.enqueue_indirect_dma source(%dma_start3A_84 : memref<10000x128xf32, #tpu.memory_space<hbm>>) target(%arg9 : memref<128x128xf32, #tpu.memory_space<vmem>>) offsets(%dma_start3A_81 : memref<128xi32, #tpu.memory_space<vmem>>) semaphore(%arg12 : memref<!tpu.dma_semaphore, #tpu.memory_space<semaphore_mem>>)
      "tpu.region"() ({
        %run_scoped3A = tpu.sem_alloc : memref<!tpu.dma_semaphore, #tpu.memory_space<semaphore_mem>>
        %dma_start3A_102 = arith.constant 0 : i32
        %dma_start3A_103 = tpu.memref_slice %arg7[%add3A_67, %dma_start3A_102] : memref<80x128xi32, #tpu.memory_space<vmem>> -> memref<1x128xi32, #tpu.memory_space<vmem>>
        %dma_start3A_104 = tpu.memref_squeeze %dma_start3A_103 : memref<1x128xi32, #tpu.memory_space<vmem>> -> memref<128xi32, #tpu.memory_space<vmem>>
        %dma_start3A_105 = arith.constant 0 : i32
        %dma_start3A_106 = arith.constant 0 : i32
        %dma_start3A_107 = tpu.memref_slice %arg10[%dma_start3A_105, %dma_start3A_106] : memref<10240x128xf32, #tpu.memory_space<vmem_shared>> -> memref<10240x128xf32, #tpu.memory_space<vmem_shared>>
        tpu.enqueue_indirect_dma source(%arg8 : memref<128x128xf32, #tpu.memory_space<vmem>>) target(%dma_start3A_107 : memref<10240x128xf32, #tpu.memory_space<vmem_shared>>) offsets(%dma_start3A_104 : memref<128xi32, #tpu.memory_space<vmem>>) semaphore(%run_scoped3A : memref<!tpu.dma_semaphore, #tpu.memory_space<semaphore_mem>>) {add = true}
        %dma_wait3A_108 = arith.constant 0 : i32
        %dma_wait3A_109 = tpu.memref_slice %arg7[%add3A_67, %dma_wait3A_108] : memref<80x128xi32, #tpu.memory_space<vmem>> -> memref<1x128xi32, #tpu.memory_space<vmem>>
        %dma_wait3A_110 = tpu.memref_squeeze %dma_wait3A_109 : memref<1x128xi32, #tpu.memory_space<vmem>> -> memref<128xi32, #tpu.memory_space<vmem>>
        %dma_wait3A_111 = arith.constant 0 : i32
        %dma_wait3A_112 = arith.constant 0 : i32
        %dma_wait3A_113 = tpu.memref_slice %arg10[%dma_wait3A_111, %dma_wait3A_112] : memref<10240x128xf32, #tpu.memory_space<vmem_shared>> -> memref<10240x128xf32, #tpu.memory_space<vmem_shared>>
        tpu.wait_indirect_dma semaphore(%run_scoped3A : memref<!tpu.dma_semaphore, #tpu.memory_space<semaphore_mem>>) src(%arg8 : memref<128x128xf32, #tpu.memory_space<vmem>>) dst(%dma_wait3A_113 : memref<10240x128xf32, #tpu.memory_space<vmem_shared>>)
        tpu.yield
      }) : () -> ()
      %mul3A_85 = arith.constant 2 : i32
      %mul3A_86 = arith.muli %mul3A_85, %scan3A_62 : i32
      %add3A_87 = arith.constant 1 : i32
      %add3A_88 = arith.addi %mul3A_86, %add3A_87 : i32
      %dma_wait3A_89 = arith.constant 0 : i32
      %dma_wait3A_90 = tpu.memref_slice %arg6[%add3A_88, %dma_wait3A_89] : memref<40x128xi32, #tpu.memory_space<vmem>> -> memref<1x128xi32, #tpu.memory_space<vmem>>
      %dma_wait3A_91 = tpu.memref_squeeze %dma_wait3A_90 : memref<1x128xi32, #tpu.memory_space<vmem>> -> memref<128xi32, #tpu.memory_space<vmem>>
      %dma_wait3A_92 = arith.constant 0 : i32
      %dma_wait3A_93 = arith.constant 0 : i32
      %dma_wait3A_94 = tpu.memref_slice %arg2[%dma_wait3A_92, %dma_wait3A_93] : memref<10000x128xf32, #tpu.memory_space<hbm>> -> memref<10000x128xf32, #tpu.memory_space<hbm>>
      tpu.wait_indirect_dma semaphore(%arg12 : memref<!tpu.dma_semaphore, #tpu.memory_space<semaphore_mem>>) src(%dma_wait3A_94 : memref<10000x128xf32, #tpu.memory_space<hbm>>) dst(%arg9 : memref<128x128xf32, #tpu.memory_space<vmem>>)
      %lt3A = arith.constant 19 : i32
      %lt3A_95 = arith.cmpi slt, %scan3A_62, %lt3A : i32
      %convert_element_type3A_96 = arith.extui %lt3A_95 : i1 to i32
      %cond3A_97 = arith.constant 0 : i32
      %cond3A_98 = arith.cmpi ne, %convert_element_type3A_96, %cond3A_97 : i32
      scf.if %cond3A_98 {
        %mul3A_102 = arith.constant 2 : i32
        %mul3A_103 = arith.muli %mul3A_102, %scan3A_62 : i32
        %add3A_104 = arith.constant 2 : i32
        %add3A_105 = arith.addi %mul3A_103, %add3A_104 : i32
        %dma_start3A_106 = arith.constant 0 : i32
        %dma_start3A_107 = tpu.memref_slice %arg6[%add3A_105, %dma_start3A_106] : memref<40x128xi32, #tpu.memory_space<vmem>> -> memref<1x128xi32, #tpu.memory_space<vmem>>
        %dma_start3A_108 = tpu.memref_squeeze %dma_start3A_107 : memref<1x128xi32, #tpu.memory_space<vmem>> -> memref<128xi32, #tpu.memory_space<vmem>>
        %dma_start3A_109 = arith.constant 0 : i32
        %dma_start3A_110 = arith.constant 0 : i32
        %dma_start3A_111 = tpu.memref_slice %arg2[%dma_start3A_109, %dma_start3A_110] : memref<10000x128xf32, #tpu.memory_space<hbm>> -> memref<10000x128xf32, #tpu.memory_space<hbm>>
        tpu.enqueue_indirect_dma source(%dma_start3A_111 : memref<10000x128xf32, #tpu.memory_space<hbm>>) target(%arg8 : memref<128x128xf32, #tpu.memory_space<vmem>>) offsets(%dma_start3A_108 : memref<128xi32, #tpu.memory_space<vmem>>) semaphore(%arg11 : memref<!tpu.dma_semaphore, #tpu.memory_space<semaphore_mem>>)
      } else {
      }
      %add3A_99 = arith.constant 1 : i32
      %add3A_100 = arith.addi %add3A_67, %add3A_99 : i32
      "tpu.region"() ({
        %run_scoped3A = tpu.sem_alloc : memref<!tpu.dma_semaphore, #tpu.memory_space<semaphore_mem>>
        %dma_start3A_102 = arith.constant 0 : i32
        %dma_start3A_103 = tpu.memref_slice %arg7[%add3A_100, %dma_start3A_102] : memref<80x128xi32, #tpu.memory_space<vmem>> -> memref<1x128xi32, #tpu.memory_space<vmem>>
        %dma_start3A_104 = tpu.memref_squeeze %dma_start3A_103 : memref<1x128xi32, #tpu.memory_space<vmem>> -> memref<128xi32, #tpu.memory_space<vmem>>
        %dma_start3A_105 = arith.constant 0 : i32
        %dma_start3A_106 = arith.constant 0 : i32
        %dma_start3A_107 = tpu.memref_slice %arg10[%dma_start3A_105, %dma_start3A_106] : memref<10240x128xf32, #tpu.memory_space<vmem_shared>> -> memref<10240x128xf32, #tpu.memory_space<vmem_shared>>
        tpu.enqueue_indirect_dma source(%arg9 : memref<128x128xf32, #tpu.memory_space<vmem>>) target(%dma_start3A_107 : memref<10240x128xf32, #tpu.memory_space<vmem_shared>>) offsets(%dma_start3A_104 : memref<128xi32, #tpu.memory_space<vmem>>) semaphore(%run_scoped3A : memref<!tpu.dma_semaphore, #tpu.memory_space<semaphore_mem>>) {add = true}
        %dma_wait3A_108 = arith.constant 0 : i32
        %dma_wait3A_109 = tpu.memref_slice %arg7[%add3A_100, %dma_wait3A_108] : memref<80x128xi32, #tpu.memory_space<vmem>> -> memref<1x128xi32, #tpu.memory_space<vmem>>
        %dma_wait3A_110 = tpu.memref_squeeze %dma_wait3A_109 : memref<1x128xi32, #tpu.memory_space<vmem>> -> memref<128xi32, #tpu.memory_space<vmem>>
        %dma_wait3A_111 = arith.constant 0 : i32
        %dma_wait3A_112 = arith.constant 0 : i32
        %dma_wait3A_113 = tpu.memref_slice %arg10[%dma_wait3A_111, %dma_wait3A_112] : memref<10240x128xf32, #tpu.memory_space<vmem_shared>> -> memref<10240x128xf32, #tpu.memory_space<vmem_shared>>
        tpu.wait_indirect_dma semaphore(%run_scoped3A : memref<!tpu.dma_semaphore, #tpu.memory_space<semaphore_mem>>) src(%arg9 : memref<128x128xf32, #tpu.memory_space<vmem>>) dst(%dma_wait3A_113 : memref<10240x128xf32, #tpu.memory_space<vmem_shared>>)
        tpu.yield
      }) : () -> ()
      %scan3A_101 = arith.constant 0 : i32
      scf.yield %scan3A_101 : i32
    }
    %scan3A_40 = arith.constant 20 : i32
    "tpu.region"() ({
      %run_scoped3A = tpu.sem_alloc : memref<!tpu.dma_semaphore, #tpu.memory_space<semaphore_mem>>
      %dma_start3A_62 = arith.constant 40 : i32
      %dma_start3A_63 = arith.constant 0 : i32
      %dma_start3A_64 = tpu.memref_slice %arg3[%add3A, %dma_start3A_62, %dma_start3A_63] : memref<32x80x128xi32, #tpu.memory_space<hbm>> -> memref<1x40x128xi32, #tpu.memory_space<hbm>>
      %dma_start3A_65 = tpu.memref_squeeze %dma_start3A_64 : memref<1x40x128xi32, #tpu.memory_space<hbm>> -> memref<40x128xi32, #tpu.memory_space<hbm>>
      %dma_start3A_66 = arith.constant 40 : i32
      %dma_start3A_67 = arith.constant 0 : i32
      %dma_start3A_68 = tpu.memref_slice %arg3[%add3A, %dma_start3A_66, %dma_start3A_67] : memref<32x80x128xi32, #tpu.memory_space<hbm>> -> memref<1x40x128xi32, #tpu.memory_space<hbm>>
      %dma_start3A_69 = tpu.memref_squeeze %dma_start3A_68 : memref<1x40x128xi32, #tpu.memory_space<hbm>> -> memref<40x128xi32, #tpu.memory_space<hbm>>
      tpu.enqueue_dma source(%dma_start3A_69 : memref<40x128xi32, #tpu.memory_space<hbm>>) target(%arg6 : memref<40x128xi32, #tpu.memory_space<vmem>>) target_semaphore(%run_scoped3A : memref<!tpu.dma_semaphore, #tpu.memory_space<semaphore_mem>>)
      %dma_wait3A = arith.constant 40 : i32
      %dma_wait3A_70 = arith.constant 0 : i32
      %dma_wait3A_71 = tpu.memref_slice %arg3[%add3A, %dma_wait3A, %dma_wait3A_70] : memref<32x80x128xi32, #tpu.memory_space<hbm>> -> memref<1x40x128xi32, #tpu.memory_space<hbm>>
      %dma_wait3A_72 = tpu.memref_squeeze %dma_wait3A_71 : memref<1x40x128xi32, #tpu.memory_space<hbm>> -> memref<40x128xi32, #tpu.memory_space<hbm>>
      %dma_wait3A_73 = arith.constant 40 : i32
      %dma_wait3A_74 = arith.constant 0 : i32
      %dma_wait3A_75 = tpu.memref_slice %arg3[%add3A, %dma_wait3A_73, %dma_wait3A_74] : memref<32x80x128xi32, #tpu.memory_space<hbm>> -> memref<1x40x128xi32, #tpu.memory_space<hbm>>
      %dma_wait3A_76 = tpu.memref_squeeze %dma_wait3A_75 : memref<1x40x128xi32, #tpu.memory_space<hbm>> -> memref<40x128xi32, #tpu.memory_space<hbm>>
      tpu.wait_dma2 semaphore(%run_scoped3A : memref<!tpu.dma_semaphore, #tpu.memory_space<semaphore_mem>>) src(%dma_wait3A_76 : memref<40x128xi32, #tpu.memory_space<hbm>>) dst(%arg6 : memref<40x128xi32, #tpu.memory_space<vmem>>)
      tpu.yield
    }) : () -> ()
    %dma_start3A_41 = arith.constant 0 : i32
    %dma_start3A_42 = arith.constant 0 : i32
    %dma_start3A_43 = tpu.memref_slice %arg6[%dma_start3A_41, %dma_start3A_42] : memref<40x128xi32, #tpu.memory_space<vmem>> -> memref<1x128xi32, #tpu.memory_space<vmem>>
    %dma_start3A_44 = tpu.memref_squeeze %dma_start3A_43 : memref<1x128xi32, #tpu.memory_space<vmem>> -> memref<128xi32, #tpu.memory_space<vmem>>
    %dma_start3A_45 = arith.constant 0 : i32
    %dma_start3A_46 = arith.constant 0 : i32
    %dma_start3A_47 = tpu.memref_slice %arg2[%dma_start3A_45, %dma_start3A_46] : memref<10000x128xf32, #tpu.memory_space<hbm>> -> memref<10000x128xf32, #tpu.memory_space<hbm>>
    tpu.enqueue_indirect_dma source(%dma_start3A_47 : memref<10000x128xf32, #tpu.memory_space<hbm>>) target(%arg8 : memref<128x128xf32, #tpu.memory_space<vmem>>) offsets(%dma_start3A_44 : memref<128xi32, #tpu.memory_space<vmem>>) semaphore(%arg11 : memref<!tpu.dma_semaphore, #tpu.memory_space<semaphore_mem>>)
    %scan3A_48 = arith.constant 0 : i32
    %scan3A_49 = arith.constant 0 : i32
    %scan3A_50 = arith.constant 20 : i32
    %scan3A_51 = arith.addi %scan3A_49, %scan3A_50 : i32
    %scan3A_52 = arith.constant 1 : i32
    %scan3A_53 = scf.for %scan3A_62 = %scan3A_49 to %scan3A_51 step %scan3A_52 iter_args(%scan3A_63 = %scan3A_48) -> (i32)  : i32 {
      %mul3A_64 = arith.constant 2 : i32
      %mul3A_65 = arith.muli %mul3A_64, %scan3A_62 : i32
      %add3A_66 = arith.constant 40 : i32
      %add3A_67 = arith.addi %add3A_66, %mul3A_65 : i32
      %mul3A_68 = arith.constant 2 : i32
      %mul3A_69 = arith.muli %mul3A_68, %scan3A_62 : i32
      %dma_wait3A = arith.constant 0 : i32
      %dma_wait3A_70 = tpu.memref_slice %arg6[%mul3A_69, %dma_wait3A] : memref<40x128xi32, #tpu.memory_space<vmem>> -> memref<1x128xi32, #tpu.memory_space<vmem>>
      %dma_wait3A_71 = tpu.memref_squeeze %dma_wait3A_70 : memref<1x128xi32, #tpu.memory_space<vmem>> -> memref<128xi32, #tpu.memory_space<vmem>>
      %dma_wait3A_72 = arith.constant 0 : i32
      %dma_wait3A_73 = arith.constant 0 : i32
      %dma_wait3A_74 = tpu.memref_slice %arg2[%dma_wait3A_72, %dma_wait3A_73] : memref<10000x128xf32, #tpu.memory_space<hbm>> -> memref<10000x128xf32, #tpu.memory_space<hbm>>
      tpu.wait_indirect_dma semaphore(%arg11 : memref<!tpu.dma_semaphore, #tpu.memory_space<semaphore_mem>>) src(%dma_wait3A_74 : memref<10000x128xf32, #tpu.memory_space<hbm>>) dst(%arg8 : memref<128x128xf32, #tpu.memory_space<vmem>>)
      %mul3A_75 = arith.constant 2 : i32
      %mul3A_76 = arith.muli %mul3A_75, %scan3A_62 : i32
      %add3A_77 = arith.constant 1 : i32
      %add3A_78 = arith.addi %mul3A_76, %add3A_77 : i32
      %dma_start3A_79 = arith.constant 0 : i32
      %dma_start3A_80 = tpu.memref_slice %arg6[%add3A_78, %dma_start3A_79] : memref<40x128xi32, #tpu.memory_space<vmem>> -> memref<1x128xi32, #tpu.memory_space<vmem>>
      %dma_start3A_81 = tpu.memref_squeeze %dma_start3A_80 : memref<1x128xi32, #tpu.memory_space<vmem>> -> memref<128xi32, #tpu.memory_space<vmem>>
      %dma_start3A_82 = arith.constant 0 : i32
      %dma_start3A_83 = arith.constant 0 : i32
      %dma_start3A_84 = tpu.memref_slice %arg2[%dma_start3A_82, %dma_start3A_83] : memref<10000x128xf32, #tpu.memory_space<hbm>> -> memref<10000x128xf32, #tpu.memory_space<hbm>>
      tpu.enqueue_indirect_dma source(%dma_start3A_84 : memref<10000x128xf32, #tpu.memory_space<hbm>>) target(%arg9 : memref<128x128xf32, #tpu.memory_space<vmem>>) offsets(%dma_start3A_81 : memref<128xi32, #tpu.memory_space<vmem>>) semaphore(%arg12 : memref<!tpu.dma_semaphore, #tpu.memory_space<semaphore_mem>>)
      "tpu.region"() ({
        %run_scoped3A = tpu.sem_alloc : memref<!tpu.dma_semaphore, #tpu.memory_space<semaphore_mem>>
        %dma_start3A_102 = arith.constant 0 : i32
        %dma_start3A_103 = tpu.memref_slice %arg7[%add3A_67, %dma_start3A_102] : memref<80x128xi32, #tpu.memory_space<vmem>> -> memref<1x128xi32, #tpu.memory_space<vmem>>
        %dma_start3A_104 = tpu.memref_squeeze %dma_start3A_103 : memref<1x128xi32, #tpu.memory_space<vmem>> -> memref<128xi32, #tpu.memory_space<vmem>>
        %dma_start3A_105 = arith.constant 0 : i32
        %dma_start3A_106 = arith.constant 0 : i32
        %dma_start3A_107 = tpu.memref_slice %arg10[%dma_start3A_105, %dma_start3A_106] : memref<10240x128xf32, #tpu.memory_space<vmem_shared>> -> memref<10240x128xf32, #tpu.memory_space<vmem_shared>>
        tpu.enqueue_indirect_dma source(%arg8 : memref<128x128xf32, #tpu.memory_space<vmem>>) target(%dma_start3A_107 : memref<10240x128xf32, #tpu.memory_space<vmem_shared>>) offsets(%dma_start3A_104 : memref<128xi32, #tpu.memory_space<vmem>>) semaphore(%run_scoped3A : memref<!tpu.dma_semaphore, #tpu.memory_space<semaphore_mem>>) {add = true}
        %dma_wait3A_108 = arith.constant 0 : i32
        %dma_wait3A_109 = tpu.memref_slice %arg7[%add3A_67, %dma_wait3A_108] : memref<80x128xi32, #tpu.memory_space<vmem>> -> memref<1x128xi32, #tpu.memory_space<vmem>>
        %dma_wait3A_110 = tpu.memref_squeeze %dma_wait3A_109 : memref<1x128xi32, #tpu.memory_space<vmem>> -> memref<128xi32, #tpu.memory_space<vmem>>
        %dma_wait3A_111 = arith.constant 0 : i32
        %dma_wait3A_112 = arith.constant 0 : i32
        %dma_wait3A_113 = tpu.memref_slice %arg10[%dma_wait3A_111, %dma_wait3A_112] : memref<10240x128xf32, #tpu.memory_space<vmem_shared>> -> memref<10240x128xf32, #tpu.memory_space<vmem_shared>>
        tpu.wait_indirect_dma semaphore(%run_scoped3A : memref<!tpu.dma_semaphore, #tpu.memory_space<semaphore_mem>>) src(%arg8 : memref<128x128xf32, #tpu.memory_space<vmem>>) dst(%dma_wait3A_113 : memref<10240x128xf32, #tpu.memory_space<vmem_shared>>)
        tpu.yield
      }) : () -> ()
      %mul3A_85 = arith.constant 2 : i32
      %mul3A_86 = arith.muli %mul3A_85, %scan3A_62 : i32
      %add3A_87 = arith.constant 1 : i32
      %add3A_88 = arith.addi %mul3A_86, %add3A_87 : i32
      %dma_wait3A_89 = arith.constant 0 : i32
      %dma_wait3A_90 = tpu.memref_slice %arg6[%add3A_88, %dma_wait3A_89] : memref<40x128xi32, #tpu.memory_space<vmem>> -> memref<1x128xi32, #tpu.memory_space<vmem>>
      %dma_wait3A_91 = tpu.memref_squeeze %dma_wait3A_90 : memref<1x128xi32, #tpu.memory_space<vmem>> -> memref<128xi32, #tpu.memory_space<vmem>>
      %dma_wait3A_92 = arith.constant 0 : i32
      %dma_wait3A_93 = arith.constant 0 : i32
      %dma_wait3A_94 = tpu.memref_slice %arg2[%dma_wait3A_92, %dma_wait3A_93] : memref<10000x128xf32, #tpu.memory_space<hbm>> -> memref<10000x128xf32, #tpu.memory_space<hbm>>
      tpu.wait_indirect_dma semaphore(%arg12 : memref<!tpu.dma_semaphore, #tpu.memory_space<semaphore_mem>>) src(%dma_wait3A_94 : memref<10000x128xf32, #tpu.memory_space<hbm>>) dst(%arg9 : memref<128x128xf32, #tpu.memory_space<vmem>>)
      %lt3A = arith.constant 19 : i32
      %lt3A_95 = arith.cmpi slt, %scan3A_62, %lt3A : i32
      %convert_element_type3A_96 = arith.extui %lt3A_95 : i1 to i32
      %cond3A_97 = arith.constant 0 : i32
      %cond3A_98 = arith.cmpi ne, %convert_element_type3A_96, %cond3A_97 : i32
      scf.if %cond3A_98 {
        %mul3A_102 = arith.constant 2 : i32
        %mul3A_103 = arith.muli %mul3A_102, %scan3A_62 : i32
        %add3A_104 = arith.constant 2 : i32
        %add3A_105 = arith.addi %mul3A_103, %add3A_104 : i32
        %dma_start3A_106 = arith.constant 0 : i32
        %dma_start3A_107 = tpu.memref_slice %arg6[%add3A_105, %dma_start3A_106] : memref<40x128xi32, #tpu.memory_space<vmem>> -> memref<1x128xi32, #tpu.memory_space<vmem>>
        %dma_start3A_108 = tpu.memref_squeeze %dma_start3A_107 : memref<1x128xi32, #tpu.memory_space<vmem>> -> memref<128xi32, #tpu.memory_space<vmem>>
        %dma_start3A_109 = arith.constant 0 : i32
        %dma_start3A_110 = arith.constant 0 : i32
        %dma_start3A_111 = tpu.memref_slice %arg2[%dma_start3A_109, %dma_start3A_110] : memref<10000x128xf32, #tpu.memory_space<hbm>> -> memref<10000x128xf32, #tpu.memory_space<hbm>>
        tpu.enqueue_indirect_dma source(%dma_start3A_111 : memref<10000x128xf32, #tpu.memory_space<hbm>>) target(%arg8 : memref<128x128xf32, #tpu.memory_space<vmem>>) offsets(%dma_start3A_108 : memref<128xi32, #tpu.memory_space<vmem>>) semaphore(%arg11 : memref<!tpu.dma_semaphore, #tpu.memory_space<semaphore_mem>>)
      } else {
      }
      %add3A_99 = arith.constant 1 : i32
      %add3A_100 = arith.addi %add3A_67, %add3A_99 : i32
      "tpu.region"() ({
        %run_scoped3A = tpu.sem_alloc : memref<!tpu.dma_semaphore, #tpu.memory_space<semaphore_mem>>
        %dma_start3A_102 = arith.constant 0 : i32
        %dma_start3A_103 = tpu.memref_slice %arg7[%add3A_100, %dma_start3A_102] : memref<80x128xi32, #tpu.memory_space<vmem>> -> memref<1x128xi32, #tpu.memory_space<vmem>>
        %dma_start3A_104 = tpu.memref_squeeze %dma_start3A_103 : memref<1x128xi32, #tpu.memory_space<vmem>> -> memref<128xi32, #tpu.memory_space<vmem>>
        %dma_start3A_105 = arith.constant 0 : i32
        %dma_start3A_106 = arith.constant 0 : i32
        %dma_start3A_107 = tpu.memref_slice %arg10[%dma_start3A_105, %dma_start3A_106] : memref<10240x128xf32, #tpu.memory_space<vmem_shared>> -> memref<10240x128xf32, #tpu.memory_space<vmem_shared>>
        tpu.enqueue_indirect_dma source(%arg9 : memref<128x128xf32, #tpu.memory_space<vmem>>) target(%dma_start3A_107 : memref<10240x128xf32, #tpu.memory_space<vmem_shared>>) offsets(%dma_start3A_104 : memref<128xi32, #tpu.memory_space<vmem>>) semaphore(%run_scoped3A : memref<!tpu.dma_semaphore, #tpu.memory_space<semaphore_mem>>) {add = true}
        %dma_wait3A_108 = arith.constant 0 : i32
        %dma_wait3A_109 = tpu.memref_slice %arg7[%add3A_100, %dma_wait3A_108] : memref<80x128xi32, #tpu.memory_space<vmem>> -> memref<1x128xi32, #tpu.memory_space<vmem>>
        %dma_wait3A_110 = tpu.memref_squeeze %dma_wait3A_109 : memref<1x128xi32, #tpu.memory_space<vmem>> -> memref<128xi32, #tpu.memory_space<vmem>>
        %dma_wait3A_111 = arith.constant 0 : i32
        %dma_wait3A_112 = arith.constant 0 : i32
        %dma_wait3A_113 = tpu.memref_slice %arg10[%dma_wait3A_111, %dma_wait3A_112] : memref<10240x128xf32, #tpu.memory_space<vmem_shared>> -> memref<10240x128xf32, #tpu.memory_space<vmem_shared>>
        tpu.wait_indirect_dma semaphore(%run_scoped3A : memref<!tpu.dma_semaphore, #tpu.memory_space<semaphore_mem>>) src(%arg9 : memref<128x128xf32, #tpu.memory_space<vmem>>) dst(%dma_wait3A_113 : memref<10240x128xf32, #tpu.memory_space<vmem_shared>>)
        tpu.yield
      }) : () -> ()
      %scan3A_101 = arith.constant 0 : i32
      scf.yield %scan3A_101 : i32
    }
    %scan3A_54 = arith.constant 20 : i32
    %barrier3A_55 = arith.constant 0 : index
    tpu.barrier barrier_id(%barrier3A_55)
    %mul3A_56 = arith.constant 624 : i32
    %mul3A_57 = arith.muli %arg1, %mul3A_56 : i32
    %mul3A_58 = arith.constant 624 : i32
    %mul3A_59 = arith.muli %arg1, %mul3A_58 : i32
    "tpu.region"() ({
      %run_scoped3A = tpu.sem_alloc : memref<!tpu.dma_semaphore, #tpu.memory_space<semaphore_mem>>
      %dma_start3A_62 = arith.constant 0 : i32
      %dma_start3A_63 = tpu.memref_slice %arg5[%arg0, %mul3A_59, %dma_start3A_62] : memref<2x10000x128xf32, #tpu.memory_space<hbm>> -> memref<1x624x128xf32, #tpu.memory_space<hbm>>
      %dma_start3A_64 = tpu.memref_squeeze %dma_start3A_63 : memref<1x624x128xf32, #tpu.memory_space<hbm>> -> memref<624x128xf32, #tpu.memory_space<hbm>>
      %dma_start3A_65 = arith.constant 0 : i32
      %dma_start3A_66 = tpu.memref_slice %arg10[%mul3A_57, %dma_start3A_65] : memref<10240x128xf32, #tpu.memory_space<vmem_shared>> -> memref<624x128xf32, #tpu.memory_space<vmem_shared>>
      tpu.enqueue_dma source(%dma_start3A_66 : memref<624x128xf32, #tpu.memory_space<vmem_shared>>) target(%dma_start3A_64 : memref<624x128xf32, #tpu.memory_space<hbm>>) target_semaphore(%run_scoped3A : memref<!tpu.dma_semaphore, #tpu.memory_space<semaphore_mem>>)
      %dma_wait3A = arith.constant 0 : i32
      %dma_wait3A_67 = tpu.memref_slice %arg5[%arg0, %mul3A_59, %dma_wait3A] : memref<2x10000x128xf32, #tpu.memory_space<hbm>> -> memref<1x624x128xf32, #tpu.memory_space<hbm>>
      %dma_wait3A_68 = tpu.memref_squeeze %dma_wait3A_67 : memref<1x624x128xf32, #tpu.memory_space<hbm>> -> memref<624x128xf32, #tpu.memory_space<hbm>>
      %dma_wait3A_69 = arith.constant 0 : i32
      %dma_wait3A_70 = tpu.memref_slice %arg10[%mul3A_57, %dma_wait3A_69] : memref<10240x128xf32, #tpu.memory_space<vmem_shared>> -> memref<624x128xf32, #tpu.memory_space<vmem_shared>>
      tpu.wait_dma2 semaphore(%run_scoped3A : memref<!tpu.dma_semaphore, #tpu.memory_space<semaphore_mem>>) src(%dma_wait3A_70 : memref<624x128xf32, #tpu.memory_space<vmem_shared>>) dst(%dma_wait3A_68 : memref<624x128xf32, #tpu.memory_space<hbm>>)
      tpu.yield
    }) : () -> ()
    %eq3A = arith.constant 15 : i32
    %eq3A_60 = arith.cmpi eq, %arg1, %eq3A : i32
    %convert_element_type3A = arith.extui %eq3A_60 : i1 to i32
    %cond3A = arith.constant 0 : i32
    %cond3A_61 = arith.cmpi ne, %convert_element_type3A, %cond3A : i32
    scf.if %cond3A_61 {
      "tpu.region"() ({
        %run_scoped3A = tpu.sem_alloc : memref<!tpu.dma_semaphore, #tpu.memory_space<semaphore_mem>>
        %dma_start3A_62 = arith.constant 9984 : i32
        %dma_start3A_63 = arith.constant 0 : i32
        %dma_start3A_64 = tpu.memref_slice %arg5[%arg0, %dma_start3A_62, %dma_start3A_63] : memref<2x10000x128xf32, #tpu.memory_space<hbm>> -> memref<1x16x128xf32, #tpu.memory_space<hbm>>
        %dma_start3A_65 = tpu.memref_squeeze %dma_start3A_64 : memref<1x16x128xf32, #tpu.memory_space<hbm>> -> memref<16x128xf32, #tpu.memory_space<hbm>>
        %dma_start3A_66 = arith.constant 9984 : i32
        %dma_start3A_67 = arith.constant 0 : i32
        %dma_start3A_68 = tpu.memref_slice %arg10[%dma_start3A_66, %dma_start3A_67] : memref<10240x128xf32, #tpu.memory_space<vmem_shared>> -> memref<16x128xf32, #tpu.memory_space<vmem_shared>>
        tpu.enqueue_dma source(%dma_start3A_68 : memref<16x128xf32, #tpu.memory_space<vmem_shared>>) target(%dma_start3A_65 : memref<16x128xf32, #tpu.memory_space<hbm>>) target_semaphore(%run_scoped3A : memref<!tpu.dma_semaphore, #tpu.memory_space<semaphore_mem>>)
        %dma_wait3A = arith.constant 9984 : i32
        %dma_wait3A_69 = arith.constant 0 : i32
        %dma_wait3A_70 = tpu.memref_slice %arg5[%arg0, %dma_wait3A, %dma_wait3A_69] : memref<2x10000x128xf32, #tpu.memory_space<hbm>> -> memref<1x16x128xf32, #tpu.memory_space<hbm>>
        %dma_wait3A_71 = tpu.memref_squeeze %dma_wait3A_70 : memref<1x16x128xf32, #tpu.memory_space<hbm>> -> memref<16x128xf32, #tpu.memory_space<hbm>>
        %dma_wait3A_72 = arith.constant 9984 : i32
        %dma_wait3A_73 = arith.constant 0 : i32
        %dma_wait3A_74 = tpu.memref_slice %arg10[%dma_wait3A_72, %dma_wait3A_73] : memref<10240x128xf32, #tpu.memory_space<vmem_shared>> -> memref<16x128xf32, #tpu.memory_space<vmem_shared>>
        tpu.wait_dma2 semaphore(%run_scoped3A : memref<!tpu.dma_semaphore, #tpu.memory_space<semaphore_mem>>) src(%dma_wait3A_74 : memref<16x128xf32, #tpu.memory_space<vmem_shared>>) dst(%dma_wait3A_71 : memref<16x128xf32, #tpu.memory_space<hbm>>)
        tpu.yield
      }) : () -> ()
    } else {
    }
    return
  }
}

module attributes {stable_mosaic.version = 14 : i64} {
  func.func @_pre_body(%arg0: i32, %arg1: memref<2000x128xf32, #tpu.memory_space<vmem>>, %arg2: memref<128x128xf32, #tpu.memory_space<vmem>>, %arg3: memref<1x128xf32, #tpu.memory_space<vmem>>, %arg4: memref<1x128xf32, #tpu.memory_space<vmem>>, %arg5: memref<1x128xf32, #tpu.memory_space<vmem>>, %arg6: memref<2000x128xf32, #tpu.memory_space<vmem>>) attributes {dimension_semantics = [#tpu.dimension_semantics<arbitrary>], iteration_bounds = array<i64: 5>, scalar_prefetch = 0 : i64, scratch_operands = 0 : i64, tpu.core_type = #tpu.core_type<tc>, window_params = [{transform_indices = @transform_0, window_bounds = array<i64: 2000, 128>}, {pipeline_mode = #tpu.pipeline_mode<synchronous>, transform_indices = @transform_1, window_bounds = array<i64: 128, 128>}, {pipeline_mode = #tpu.pipeline_mode<synchronous>, transform_indices = @transform_2, window_bounds = array<i64: 1, 128>}, {pipeline_mode = #tpu.pipeline_mode<synchronous>, transform_indices = @transform_3, window_bounds = array<i64: 1, 128>}, {pipeline_mode = #tpu.pipeline_mode<synchronous>, transform_indices = @transform_4, window_bounds = array<i64: 1, 128>}, {transform_indices = @transform_5, window_bounds = array<i64: 2000, 128>}]} {
    %get3A = arith.constant 0 : index
    %get3A_0 = arith.constant 0 : index
    %get3A_1 = vector.load %arg1[%get3A, %get3A_0] : memref<2000x128xf32, #tpu.memory_space<vmem>>, vector<2000x128xf32>
    %get3A_2 = arith.constant 0 : index
    %get3A_3 = arith.constant 0 : index
    %get3A_4 = vector.load %arg2[%get3A_2, %get3A_3] : memref<128x128xf32, #tpu.memory_space<vmem>>, vector<128x128xf32>
    %dot_general3A = arith.constant dense<0.000000e+00> : vector<2000x128xf32>
    %dot_general3A_5 = tpu.matmul %get3A_1, %get3A_4, %dot_general3A {dimension_numbers = #tpu.dot_dimension_numbers<[1], [0], [0], [1], [0, 0, 1, 1], [], []>, transpose_lhs_hint = false} : vector<2000x128xf32>, vector<128x128xf32>, vector<2000x128xf32> -> vector<2000x128xf32>
    %get3A_6 = arith.constant 0 : index
    %get3A_7 = arith.constant 0 : index
    %get3A_8 = vector.load %arg3[%get3A_6, %get3A_7] : memref<1x128xf32, #tpu.memory_space<vmem>>, vector<1x128xf32>
    %add3A = vector.broadcast %get3A_8 : vector<1x128xf32> to vector<2000x128xf32>
    %add3A_9 = arith.addf %dot_general3A_5, %add3A : vector<2000x128xf32>
    %get3A_10 = arith.constant 0 : index
    %get3A_11 = arith.constant 0 : index
    %get3A_12 = vector.load %arg4[%get3A_10, %get3A_11] : memref<1x128xf32, #tpu.memory_space<vmem>>, vector<1x128xf32>
    %get3A_13 = arith.constant 0 : index
    %get3A_14 = arith.constant 0 : index
    %get3A_15 = vector.load %arg5[%get3A_13, %get3A_14] : memref<1x128xf32, #tpu.memory_space<vmem>>, vector<1x128xf32>
    %reduce_sum3A = arith.constant dense<0.000000e+00> : vector<2000xf32>
    %reduce_sum3A_16 = vector.multi_reduction <add>, %add3A_9, %reduce_sum3A [1] : vector<2000x128xf32> to vector<2000xf32>
    %broadcast_in_dim3A = vector.shape_cast %reduce_sum3A_16 : vector<2000xf32> to vector<2000x1xf32>
    %div3A = arith.constant 1.280000e+02 : f32
    %div3A_17 = vector.broadcast %div3A : f32 to vector<2000x1xf32>
    %div3A_18 = arith.divf %broadcast_in_dim3A, %div3A_17 : vector<2000x1xf32>
    %sub3A = vector.broadcast %div3A_18 : vector<2000x1xf32> to vector<2000x128xf32>
    %sub3A_19 = arith.subf %add3A_9, %sub3A : vector<2000x128xf32>
    %mul3A = arith.mulf %sub3A_19, %sub3A_19 : vector<2000x128xf32>
    %reduce_sum3A_20 = arith.constant dense<0.000000e+00> : vector<2000xf32>
    %reduce_sum3A_21 = vector.multi_reduction <add>, %mul3A, %reduce_sum3A_20 [1] : vector<2000x128xf32> to vector<2000xf32>
    %broadcast_in_dim3A_22 = vector.shape_cast %reduce_sum3A_21 : vector<2000xf32> to vector<2000x1xf32>
    %div3A_23 = arith.constant 1.280000e+02 : f32
    %div3A_24 = vector.broadcast %div3A_23 : f32 to vector<2000x1xf32>
    %div3A_25 = arith.divf %broadcast_in_dim3A_22, %div3A_24 : vector<2000x1xf32>
    %add3A_26 = arith.constant 9.99999974E-6 : f32
    %add3A_27 = vector.broadcast %add3A_26 : f32 to vector<2000x1xf32>
    %add3A_28 = arith.addf %div3A_25, %add3A_27 : vector<2000x1xf32>
    %rsqrt3A = math.rsqrt %add3A_28 : vector<2000x1xf32>
    %mul3A_29 = vector.broadcast %rsqrt3A : vector<2000x1xf32> to vector<2000x128xf32>
    %mul3A_30 = arith.mulf %sub3A_19, %mul3A_29 : vector<2000x128xf32>
    %mul3A_31 = vector.broadcast %get3A_12 : vector<1x128xf32> to vector<2000x128xf32>
    %mul3A_32 = arith.mulf %mul3A_30, %mul3A_31 : vector<2000x128xf32>
    %add3A_33 = vector.broadcast %get3A_15 : vector<1x128xf32> to vector<2000x128xf32>
    %add3A_34 = arith.addf %mul3A_32, %add3A_33 : vector<2000x128xf32>
    %max3A = arith.constant 0.000000e+00 : f32
    %max3A_35 = vector.broadcast %max3A : f32 to vector<2000x128xf32>
    %max3A_36 = arith.maximumf %add3A_34, %max3A_35 : vector<2000x128xf32>
    %swap3A = arith.constant 0 : index
    %swap3A_37 = arith.constant 0 : index
    %swap3A_38 = vector.load %arg6[%swap3A, %swap3A_37] : memref<2000x128xf32, #tpu.memory_space<vmem>>, vector<2000x128xf32>
    tpu.vector_store %arg6[%swap3A, %swap3A_37], %max3A_36 {strides = array<i32>} : memref<2000x128xf32, #tpu.memory_space<vmem>>, vector<2000x128xf32>,
    return
  }
  func.func @transform_0(%arg0: i32) -> (i32, i32) {
    %c0_i32 = arith.constant 0 : i32
    %c0_i32_0 = arith.constant 0 : i32
    return %arg0, %c0_i32 : i32, i32
  }
  func.func @transform_1(%arg0: i32) -> (i32, i32) {
    %c0_i32 = arith.constant 0 : i32
    %c0_i32_0 = arith.constant 0 : i32
    %c0_i32_1 = arith.constant 0 : i32
    return %c0_i32, %c0_i32_0 : i32, i32
  }
  func.func @transform_2(%arg0: i32) -> (i32, i32) {
    %c0_i32 = arith.constant 0 : i32
    %c0_i32_0 = arith.constant 0 : i32
    %c0_i32_1 = arith.constant 0 : i32
    return %c0_i32, %c0_i32_0 : i32, i32
  }
  func.func @transform_3(%arg0: i32) -> (i32, i32) {
    %c0_i32 = arith.constant 0 : i32
    %c0_i32_0 = arith.constant 0 : i32
    %c0_i32_1 = arith.constant 0 : i32
    return %c0_i32, %c0_i32_0 : i32, i32
  }
  func.func @transform_4(%arg0: i32) -> (i32, i32) {
    %c0_i32 = arith.constant 0 : i32
    %c0_i32_0 = arith.constant 0 : i32
    %c0_i32_1 = arith.constant 0 : i32
    return %c0_i32, %c0_i32_0 : i32, i32
  }
  func.func @transform_5(%arg0: i32) -> (i32, i32) {
    %c0_i32 = arith.constant 0 : i32
    %c0_i32_0 = arith.constant 0 : i32
    return %arg0, %c0_i32 : i32, i32
  }
}

module attributes {stable_mosaic.version = 14 : i64} {
  func.func @_ts_body(%arg0: i32, %arg1: memref<2000x128xf32, #tpu.memory_space<vmem>>, %arg2: memref<2x2000x128xf32, #tpu.memory_space<vmem>>, %arg3: memref<128x128xf32, #tpu.memory_space<vmem>>, %arg4: memref<2000x128xf32, #tpu.memory_space<vmem>>) attributes {dimension_semantics = [#tpu.dimension_semantics<arbitrary>], iteration_bounds = array<i64: 5>, scalar_prefetch = 0 : i64, scratch_operands = 0 : i64, tpu.core_type = #tpu.core_type<tc>, window_params = [{transform_indices = @transform_0, window_bounds = array<i64: 2000, 128>}, {transform_indices = @transform_1, window_bounds = array<i64: 2, 2000, 128>}, {pipeline_mode = #tpu.pipeline_mode<synchronous>, transform_indices = @transform_2, window_bounds = array<i64: 128, 128>}, {transform_indices = @transform_3, window_bounds = array<i64: 2000, 128>}]} {
    %get3A = arith.constant 0 : index
    %get3A_0 = arith.constant 0 : index
    %get3A_1 = arith.constant 0 : index
    %get3A_2 = vector.load %arg2[%get3A, %get3A_0, %get3A_1] : memref<2x2000x128xf32, #tpu.memory_space<vmem>>, vector<2x2000x128xf32>
    %slice3A = vector.extract_strided_slice %get3A_2 {offsets = [0, 0, 0], sizes = [1, 2000, 1], strides = [1, 1, 1]} : vector<2x2000x128xf32> to vector<1x2000x1xf32>
    %squeeze3A = vector.shape_cast %slice3A : vector<1x2000x1xf32> to vector<2000x1xf32>
    %slice3A_3 = vector.extract_strided_slice %get3A_2 {offsets = [1, 0, 0], sizes = [1, 2000, 1], strides = [1, 1, 1]} : vector<2x2000x128xf32> to vector<1x2000x1xf32>
    %squeeze3A_4 = vector.shape_cast %slice3A_3 : vector<1x2000x1xf32> to vector<2000x1xf32>
    %add3A = arith.addf %squeeze3A, %squeeze3A_4 : vector<2000x1xf32>
    %add3A_5 = arith.constant 1.000000e+00 : f32
    %add3A_6 = vector.broadcast %add3A_5 : f32 to vector<2000x1xf32>
    %add3A_7 = arith.addf %add3A, %add3A_6 : vector<2000x1xf32>
    %rsqrt3A = math.rsqrt %add3A_7 : vector<2000x1xf32>
    %get3A_8 = arith.constant 0 : index
    %get3A_9 = arith.constant 0 : index
    %get3A_10 = vector.load %arg1[%get3A_8, %get3A_9] : memref<2000x128xf32, #tpu.memory_space<vmem>>, vector<2000x128xf32>
    %get3A_11 = arith.constant 0 : index
    %get3A_12 = arith.constant 0 : index
    %get3A_13 = vector.load %arg3[%get3A_11, %get3A_12] : memref<128x128xf32, #tpu.memory_space<vmem>>, vector<128x128xf32>
    %dot_general3A = arith.constant dense<0.000000e+00> : vector<2000x128xf32>
    %dot_general3A_14 = tpu.matmul %get3A_10, %get3A_13, %dot_general3A {dimension_numbers = #tpu.dot_dimension_numbers<[1], [0], [0], [1], [0, 0, 1, 1], [], []>, transpose_lhs_hint = false} : vector<2000x128xf32>, vector<128x128xf32>, vector<2000x128xf32> -> vector<2000x128xf32>
    %mul3A = vector.broadcast %rsqrt3A : vector<2000x1xf32> to vector<2000x128xf32>
    %mul3A_15 = arith.mulf %dot_general3A_14, %mul3A : vector<2000x128xf32>
    %swap3A = arith.constant 0 : index
    %swap3A_16 = arith.constant 0 : index
    %swap3A_17 = vector.load %arg4[%swap3A, %swap3A_16] : memref<2000x128xf32, #tpu.memory_space<vmem>>, vector<2000x128xf32>
    tpu.vector_store %arg4[%swap3A, %swap3A_16], %mul3A_15 {strides = array<i32>} : memref<2000x128xf32, #tpu.memory_space<vmem>>, vector<2000x128xf32>,
    return
  }
  func.func @transform_0(%arg0: i32) -> (i32, i32) {
    %c0_i32 = arith.constant 0 : i32
    %c0_i32_0 = arith.constant 0 : i32
    return %arg0, %c0_i32 : i32, i32
  }
  func.func @transform_1(%arg0: i32) -> (i32, i32, i32) {
    %c0_i32 = arith.constant 0 : i32
    %c0_i32_0 = arith.constant 0 : i32
    %c0_i32_1 = arith.constant 0 : i32
    return %c0_i32, %arg0, %c0_i32_0 : i32, i32, i32
  }
  func.func @transform_2(%arg0: i32) -> (i32, i32) {
    %c0_i32 = arith.constant 0 : i32
    %c0_i32_0 = arith.constant 0 : i32
    %c0_i32_1 = arith.constant 0 : i32
    return %c0_i32, %c0_i32_0 : i32, i32
  }
  func.func @transform_3(%arg0: i32) -> (i32, i32) {
    %c0_i32 = arith.constant 0 : i32
    %c0_i32_0 = arith.constant 0 : i32
    return %arg0, %c0_i32 : i32, i32
  }
}

module attributes {stable_mosaic.version = 14 : i64} {
  func.func @_mid_body(%arg0: i32, %arg1: memref<2x2000x128xf32, #tpu.memory_space<vmem>>, %arg2: memref<2000x128xf32, #tpu.memory_space<vmem>>, %arg3: memref<2x2000x128xf32, #tpu.memory_space<vmem>>, %arg4: memref<1x128xf32, #tpu.memory_space<vmem>>, %arg5: memref<1x128xf32, #tpu.memory_space<vmem>>, %arg6: memref<1x128xf32, #tpu.memory_space<vmem>>, %arg7: memref<128x128xf32, #tpu.memory_space<vmem>>, %arg8: memref<2000x128xf32, #tpu.memory_space<vmem>>) attributes {dimension_semantics = [#tpu.dimension_semantics<arbitrary>], iteration_bounds = array<i64: 5>, scalar_prefetch = 0 : i64, scratch_operands = 0 : i64, tpu.core_type = #tpu.core_type<tc>, window_params = [{transform_indices = @transform_0, window_bounds = array<i64: 2, 2000, 128>}, {transform_indices = @transform_1, window_bounds = array<i64: 2000, 128>}, {transform_indices = @transform_2, window_bounds = array<i64: 2, 2000, 128>}, {pipeline_mode = #tpu.pipeline_mode<synchronous>, transform_indices = @transform_3, window_bounds = array<i64: 1, 128>}, {pipeline_mode = #tpu.pipeline_mode<synchronous>, transform_indices = @transform_4, window_bounds = array<i64: 1, 128>}, {pipeline_mode = #tpu.pipeline_mode<synchronous>, transform_indices = @transform_5, window_bounds = array<i64: 1, 128>}, {pipeline_mode = #tpu.pipeline_mode<synchronous>, transform_indices = @transform_6, window_bounds = array<i64: 128, 128>}, {transform_indices = @transform_7, window_bounds = array<i64: 2000, 128>}]} {
    %get3A = arith.constant 0 : index
    %get3A_0 = arith.constant 0 : index
    %get3A_1 = arith.constant 0 : index
    %get3A_2 = vector.load %arg3[%get3A, %get3A_0, %get3A_1] : memref<2x2000x128xf32, #tpu.memory_space<vmem>>, vector<2x2000x128xf32>
    %slice3A = vector.extract_strided_slice %get3A_2 {offsets = [0, 0, 0], sizes = [1, 2000, 1], strides = [1, 1, 1]} : vector<2x2000x128xf32> to vector<1x2000x1xf32>
    %squeeze3A = vector.shape_cast %slice3A : vector<1x2000x1xf32> to vector<2000x1xf32>
    %slice3A_3 = vector.extract_strided_slice %get3A_2 {offsets = [1, 0, 0], sizes = [1, 2000, 1], strides = [1, 1, 1]} : vector<2x2000x128xf32> to vector<1x2000x1xf32>
    %squeeze3A_4 = vector.shape_cast %slice3A_3 : vector<1x2000x1xf32> to vector<2000x1xf32>
    %add3A = arith.addf %squeeze3A, %squeeze3A_4 : vector<2000x1xf32>
    %add3A_5 = arith.constant 1.000000e+00 : f32
    %add3A_6 = vector.broadcast %add3A_5 : f32 to vector<2000x1xf32>
    %add3A_7 = arith.addf %add3A, %add3A_6 : vector<2000x1xf32>
    %rsqrt3A = math.rsqrt %add3A_7 : vector<2000x1xf32>
    %get3A_8 = arith.constant 0 : index
    %get3A_9 = arith.constant 0 : index
    %get3A_10 = arith.constant 0 : index
    %get3A_11 = vector.load %arg1[%get3A_8, %get3A_9, %get3A_10] : memref<2x2000x128xf32, #tpu.memory_space<vmem>>, vector<1x2000x128xf32>
    %get3A_12 = vector.shape_cast %get3A_11 : vector<1x2000x128xf32> to vector<2000x128xf32>
    %get3A_13 = arith.constant 1 : index
    %get3A_14 = arith.constant 0 : index
    %get3A_15 = arith.constant 0 : index
    %get3A_16 = vector.load %arg1[%get3A_13, %get3A_14, %get3A_15] : memref<2x2000x128xf32, #tpu.memory_space<vmem>>, vector<1x2000x128xf32>
    %get3A_17 = vector.shape_cast %get3A_16 : vector<1x2000x128xf32> to vector<2000x128xf32>
    %add3A_18 = arith.addf %get3A_12, %get3A_17 : vector<2000x128xf32>
    %get3A_19 = arith.constant 0 : index
    %get3A_20 = arith.constant 0 : index
    %get3A_21 = vector.load %arg2[%get3A_19, %get3A_20] : memref<2000x128xf32, #tpu.memory_space<vmem>>, vector<2000x128xf32>
    %add3A_22 = arith.addf %add3A_18, %get3A_21 : vector<2000x128xf32>
    %mul3A = vector.broadcast %rsqrt3A : vector<2000x1xf32> to vector<2000x128xf32>
    %mul3A_23 = arith.mulf %add3A_22, %mul3A : vector<2000x128xf32>
    %get3A_24 = arith.constant 0 : index
    %get3A_25 = arith.constant 0 : index
    %get3A_26 = vector.load %arg4[%get3A_24, %get3A_25] : memref<1x128xf32, #tpu.memory_space<vmem>>, vector<1x128xf32>
    %add3A_27 = vector.broadcast %get3A_26 : vector<1x128xf32> to vector<2000x128xf32>
    %add3A_28 = arith.addf %mul3A_23, %add3A_27 : vector<2000x128xf32>
    %get3A_29 = arith.constant 0 : index
    %get3A_30 = arith.constant 0 : index
    %get3A_31 = vector.load %arg5[%get3A_29, %get3A_30] : memref<1x128xf32, #tpu.memory_space<vmem>>, vector<1x128xf32>
    %get3A_32 = arith.constant 0 : index
    %get3A_33 = arith.constant 0 : index
    %get3A_34 = vector.load %arg6[%get3A_32, %get3A_33] : memref<1x128xf32, #tpu.memory_space<vmem>>, vector<1x128xf32>
    %reduce_sum3A = arith.constant dense<0.000000e+00> : vector<2000xf32>
    %reduce_sum3A_35 = vector.multi_reduction <add>, %add3A_28, %reduce_sum3A [1] : vector<2000x128xf32> to vector<2000xf32>
    %broadcast_in_dim3A = vector.shape_cast %reduce_sum3A_35 : vector<2000xf32> to vector<2000x1xf32>
    %div3A = arith.constant 1.280000e+02 : f32
    %div3A_36 = vector.broadcast %div3A : f32 to vector<2000x1xf32>
    %div3A_37 = arith.divf %broadcast_in_dim3A, %div3A_36 : vector<2000x1xf32>
    %sub3A = vector.broadcast %div3A_37 : vector<2000x1xf32> to vector<2000x128xf32>
    %sub3A_38 = arith.subf %add3A_28, %sub3A : vector<2000x128xf32>
    %mul3A_39 = arith.mulf %sub3A_38, %sub3A_38 : vector<2000x128xf32>
    %reduce_sum3A_40 = arith.constant dense<0.000000e+00> : vector<2000xf32>
    %reduce_sum3A_41 = vector.multi_reduction <add>, %mul3A_39, %reduce_sum3A_40 [1] : vector<2000x128xf32> to vector<2000xf32>
    %broadcast_in_dim3A_42 = vector.shape_cast %reduce_sum3A_41 : vector<2000xf32> to vector<2000x1xf32>
    %div3A_43 = arith.constant 1.280000e+02 : f32
    %div3A_44 = vector.broadcast %div3A_43 : f32 to vector<2000x1xf32>
    %div3A_45 = arith.divf %broadcast_in_dim3A_42, %div3A_44 : vector<2000x1xf32>
    %add3A_46 = arith.constant 9.99999974E-6 : f32
    %add3A_47 = vector.broadcast %add3A_46 : f32 to vector<2000x1xf32>
    %add3A_48 = arith.addf %div3A_45, %add3A_47 : vector<2000x1xf32>
    %rsqrt3A_49 = math.rsqrt %add3A_48 : vector<2000x1xf32>
    %mul3A_50 = vector.broadcast %rsqrt3A_49 : vector<2000x1xf32> to vector<2000x128xf32>
    %mul3A_51 = arith.mulf %sub3A_38, %mul3A_50 : vector<2000x128xf32>
    %mul3A_52 = vector.broadcast %get3A_31 : vector<1x128xf32> to vector<2000x128xf32>
    %mul3A_53 = arith.mulf %mul3A_51, %mul3A_52 : vector<2000x128xf32>
    %add3A_54 = vector.broadcast %get3A_34 : vector<1x128xf32> to vector<2000x128xf32>
    %add3A_55 = arith.addf %mul3A_53, %add3A_54 : vector<2000x128xf32>
    %max3A = arith.constant 0.000000e+00 : f32
    %max3A_56 = vector.broadcast %max3A : f32 to vector<2000x128xf32>
    %max3A_57 = arith.maximumf %add3A_55, %max3A_56 : vector<2000x128xf32>
    %get3A_58 = arith.constant 0 : index
    %get3A_59 = arith.constant 0 : index
    %get3A_60 = vector.load %arg7[%get3A_58, %get3A_59] : memref<128x128xf32, #tpu.memory_space<vmem>>, vector<128x128xf32>
    %dot_general3A = arith.constant dense<0.000000e+00> : vector<2000x128xf32>
    %dot_general3A_61 = tpu.matmul %max3A_57, %get3A_60, %dot_general3A {dimension_numbers = #tpu.dot_dimension_numbers<[1], [0], [0], [1], [0, 0, 1, 1], [], []>, transpose_lhs_hint = false} : vector<2000x128xf32>, vector<128x128xf32>, vector<2000x128xf32> -> vector<2000x128xf32>
    %mul3A_62 = vector.broadcast %rsqrt3A : vector<2000x1xf32> to vector<2000x128xf32>
    %mul3A_63 = arith.mulf %dot_general3A_61, %mul3A_62 : vector<2000x128xf32>
    %swap3A = arith.constant 0 : index
    %swap3A_64 = arith.constant 0 : index
    %swap3A_65 = vector.load %arg8[%swap3A, %swap3A_64] : memref<2000x128xf32, #tpu.memory_space<vmem>>, vector<2000x128xf32>
    tpu.vector_store %arg8[%swap3A, %swap3A_64], %mul3A_63 {strides = array<i32>} : memref<2000x128xf32, #tpu.memory_space<vmem>>, vector<2000x128xf32>,
    return
  }
  func.func @transform_0(%arg0: i32) -> (i32, i32, i32) {
    %c0_i32 = arith.constant 0 : i32
    %c0_i32_0 = arith.constant 0 : i32
    %c0_i32_1 = arith.constant 0 : i32
    return %c0_i32, %arg0, %c0_i32_0 : i32, i32, i32
  }
  func.func @transform_1(%arg0: i32) -> (i32, i32) {
    %c0_i32 = arith.constant 0 : i32
    %c0_i32_0 = arith.constant 0 : i32
    return %arg0, %c0_i32 : i32, i32
  }
  func.func @transform_2(%arg0: i32) -> (i32, i32, i32) {
    %c0_i32 = arith.constant 0 : i32
    %c0_i32_0 = arith.constant 0 : i32
    %c0_i32_1 = arith.constant 0 : i32
    return %c0_i32, %arg0, %c0_i32_0 : i32, i32, i32
  }
  func.func @transform_3(%arg0: i32) -> (i32, i32) {
    %c0_i32 = arith.constant 0 : i32
    %c0_i32_0 = arith.constant 0 : i32
    %c0_i32_1 = arith.constant 0 : i32
    return %c0_i32, %c0_i32_0 : i32, i32
  }
  func.func @transform_4(%arg0: i32) -> (i32, i32) {
    %c0_i32 = arith.constant 0 : i32
    %c0_i32_0 = arith.constant 0 : i32
    %c0_i32_1 = arith.constant 0 : i32
    return %c0_i32, %c0_i32_0 : i32, i32
  }
  func.func @transform_5(%arg0: i32) -> (i32, i32) {
    %c0_i32 = arith.constant 0 : i32
    %c0_i32_0 = arith.constant 0 : i32
    %c0_i32_1 = arith.constant 0 : i32
    return %c0_i32, %c0_i32_0 : i32, i32
  }
  func.func @transform_6(%arg0: i32) -> (i32, i32) {
    %c0_i32 = arith.constant 0 : i32
    %c0_i32_0 = arith.constant 0 : i32
    %c0_i32_1 = arith.constant 0 : i32
    return %c0_i32, %c0_i32_0 : i32, i32
  }
  func.func @transform_7(%arg0: i32) -> (i32, i32) {
    %c0_i32 = arith.constant 0 : i32
    %c0_i32_0 = arith.constant 0 : i32
    return %arg0, %c0_i32 : i32, i32
  }
}

module attributes {stable_mosaic.version = 14 : i64} {
  func.func @_read_body(%arg0: i32, %arg1: memref<2x2000x128xf32, #tpu.memory_space<vmem>>, %arg2: memref<2000x128xf32, #tpu.memory_space<vmem>>, %arg3: memref<2x2000x128xf32, #tpu.memory_space<vmem>>, %arg4: memref<1x128xf32, #tpu.memory_space<vmem>>, %arg5: memref<1x128xf32, #tpu.memory_space<vmem>>, %arg6: memref<1x128xf32, #tpu.memory_space<vmem>>, %arg7: memref<1x1x2000xi32, #tpu.memory_space<vmem>>, %arg8: memref<128x128xf32, #tpu.memory_space<vmem>>, %arg9: memref<64x128xf32, #tpu.memory_space<vmem>>, %arg10: memref<64x128xf32, #tpu.memory_space<vmem>>, %arg11: memref<64x128xf32, #tpu.memory_space<vmem>>) attributes {dimension_semantics = [#tpu.dimension_semantics<arbitrary>], iteration_bounds = array<i64: 5>, scalar_prefetch = 0 : i64, scratch_operands = 2 : i64, tpu.core_type = #tpu.core_type<tc>, window_params = [{transform_indices = @transform_0, window_bounds = array<i64: 2, 2000, 128>}, {transform_indices = @transform_1, window_bounds = array<i64: 2000, 128>}, {transform_indices = @transform_2, window_bounds = array<i64: 2, 2000, 128>}, {pipeline_mode = #tpu.pipeline_mode<synchronous>, transform_indices = @transform_3, window_bounds = array<i64: 1, 128>}, {pipeline_mode = #tpu.pipeline_mode<synchronous>, transform_indices = @transform_4, window_bounds = array<i64: 1, 128>}, {pipeline_mode = #tpu.pipeline_mode<synchronous>, transform_indices = @transform_5, window_bounds = array<i64: 1, 128>}, {transform_indices = @transform_6, window_bounds = array<i64: 1, 1, 2000>}, {pipeline_mode = #tpu.pipeline_mode<synchronous>, transform_indices = @transform_7, window_bounds = array<i64: 128, 128>}, {pipeline_mode = #tpu.pipeline_mode<synchronous>, transform_indices = @transform_8, window_bounds = array<i64: 64, 128>}]} {
    %eq3A = arith.constant 0 : i32
    %eq3A_0 = arith.cmpi eq, %arg0, %eq3A : i32
    %convert_element_type3A = arith.extui %eq3A_0 : i1 to i32
    %cond3A = arith.constant 0 : i32
    %cond3A_1 = arith.cmpi ne, %convert_element_type3A, %cond3A : i32
    scf.if %cond3A_1 {
      %broadcast_in_dim3A_93 = arith.constant 0.000000e+00 : f32
      %broadcast_in_dim3A_94 = vector.broadcast %broadcast_in_dim3A_93 : f32 to vector<64x128xf32>
      %swap3A_95 = arith.constant 0 : index
      %swap3A_96 = arith.constant 0 : index
      %swap3A_97 = vector.load %arg10[%swap3A_95, %swap3A_96] : memref<64x128xf32, #tpu.memory_space<vmem>>, vector<64x128xf32>
      tpu.vector_store %arg10[%swap3A_95, %swap3A_96], %broadcast_in_dim3A_94 {strides = array<i32>} : memref<64x128xf32, #tpu.memory_space<vmem>>, vector<64x128xf32>,
      %broadcast_in_dim3A_98 = arith.constant 0.000000e+00 : f32
      %broadcast_in_dim3A_99 = vector.broadcast %broadcast_in_dim3A_98 : f32 to vector<64x128xf32>
      %swap3A_100 = arith.constant 0 : index
      %swap3A_101 = arith.constant 0 : index
      %swap3A_102 = vector.load %arg11[%swap3A_100, %swap3A_101] : memref<64x128xf32, #tpu.memory_space<vmem>>, vector<64x128xf32>
      tpu.vector_store %arg11[%swap3A_100, %swap3A_101], %broadcast_in_dim3A_99 {strides = array<i32>} : memref<64x128xf32, #tpu.memory_space<vmem>>, vector<64x128xf32>,
    } else {
    }
    %get3A = arith.constant 0 : index
    %get3A_2 = arith.constant 0 : index
    %get3A_3 = arith.constant 0 : index
    %get3A_4 = vector.load %arg3[%get3A, %get3A_2, %get3A_3] : memref<2x2000x128xf32, #tpu.memory_space<vmem>>, vector<2x2000x128xf32>
    %slice3A = vector.extract_strided_slice %get3A_4 {offsets = [0, 0, 0], sizes = [1, 2000, 1], strides = [1, 1, 1]} : vector<2x2000x128xf32> to vector<1x2000x1xf32>
    %squeeze3A = vector.shape_cast %slice3A : vector<1x2000x1xf32> to vector<2000x1xf32>
    %slice3A_5 = vector.extract_strided_slice %get3A_4 {offsets = [1, 0, 0], sizes = [1, 2000, 1], strides = [1, 1, 1]} : vector<2x2000x128xf32> to vector<1x2000x1xf32>
    %squeeze3A_6 = vector.shape_cast %slice3A_5 : vector<1x2000x1xf32> to vector<2000x1xf32>
    %add3A = arith.addf %squeeze3A, %squeeze3A_6 : vector<2000x1xf32>
    %add3A_7 = arith.constant 1.000000e+00 : f32
    %add3A_8 = vector.broadcast %add3A_7 : f32 to vector<2000x1xf32>
    %add3A_9 = arith.addf %add3A, %add3A_8 : vector<2000x1xf32>
    %rsqrt3A = math.rsqrt %add3A_9 : vector<2000x1xf32>
    %get3A_10 = arith.constant 0 : index
    %get3A_11 = arith.constant 0 : index
    %get3A_12 = arith.constant 0 : index
    %get3A_13 = vector.load %arg1[%get3A_10, %get3A_11, %get3A_12] : memref<2x2000x128xf32, #tpu.memory_space<vmem>>, vector<1x2000x128xf32>
    %get3A_14 = vector.shape_cast %get3A_13 : vector<1x2000x128xf32> to vector<2000x128xf32>
    %get3A_15 = arith.constant 1 : index
    %get3A_16 = arith.constant 0 : index
    %get3A_17 = arith.constant 0 : index
    %get3A_18 = vector.load %arg1[%get3A_15, %get3A_16, %get3A_17] : memref<2x2000x128xf32, #tpu.memory_space<vmem>>, vector<1x2000x128xf32>
    %get3A_19 = vector.shape_cast %get3A_18 : vector<1x2000x128xf32> to vector<2000x128xf32>
    %add3A_20 = arith.addf %get3A_14, %get3A_19 : vector<2000x128xf32>
    %get3A_21 = arith.constant 0 : index
    %get3A_22 = arith.constant 0 : index
    %get3A_23 = vector.load %arg2[%get3A_21, %get3A_22] : memref<2000x128xf32, #tpu.memory_space<vmem>>, vector<2000x128xf32>
    %add3A_24 = arith.addf %add3A_20, %get3A_23 : vector<2000x128xf32>
    %mul3A = vector.broadcast %rsqrt3A : vector<2000x1xf32> to vector<2000x128xf32>
    %mul3A_25 = arith.mulf %add3A_24, %mul3A : vector<2000x128xf32>
    %get3A_26 = arith.constant 0 : index
    %get3A_27 = arith.constant 0 : index
    %get3A_28 = vector.load %arg4[%get3A_26, %get3A_27] : memref<1x128xf32, #tpu.memory_space<vmem>>, vector<1x128xf32>
    %add3A_29 = vector.broadcast %get3A_28 : vector<1x128xf32> to vector<2000x128xf32>
    %add3A_30 = arith.addf %mul3A_25, %add3A_29 : vector<2000x128xf32>
    %get3A_31 = arith.constant 0 : index
    %get3A_32 = arith.constant 0 : index
    %get3A_33 = vector.load %arg5[%get3A_31, %get3A_32] : memref<1x128xf32, #tpu.memory_space<vmem>>, vector<1x128xf32>
    %get3A_34 = arith.constant 0 : index
    %get3A_35 = arith.constant 0 : index
    %get3A_36 = vector.load %arg6[%get3A_34, %get3A_35] : memref<1x128xf32, #tpu.memory_space<vmem>>, vector<1x128xf32>
    %reduce_sum3A = arith.constant dense<0.000000e+00> : vector<2000xf32>
    %reduce_sum3A_37 = vector.multi_reduction <add>, %add3A_30, %reduce_sum3A [1] : vector<2000x128xf32> to vector<2000xf32>
    %broadcast_in_dim3A = vector.shape_cast %reduce_sum3A_37 : vector<2000xf32> to vector<2000x1xf32>
    %div3A = arith.constant 1.280000e+02 : f32
    %div3A_38 = vector.broadcast %div3A : f32 to vector<2000x1xf32>
    %div3A_39 = arith.divf %broadcast_in_dim3A, %div3A_38 : vector<2000x1xf32>
    %sub3A = vector.broadcast %div3A_39 : vector<2000x1xf32> to vector<2000x128xf32>
    %sub3A_40 = arith.subf %add3A_30, %sub3A : vector<2000x128xf32>
    %mul3A_41 = arith.mulf %sub3A_40, %sub3A_40 : vector<2000x128xf32>
    %reduce_sum3A_42 = arith.constant dense<0.000000e+00> : vector<2000xf32>
    %reduce_sum3A_43 = vector.multi_reduction <add>, %mul3A_41, %reduce_sum3A_42 [1] : vector<2000x128xf32> to vector<2000xf32>
    %broadcast_in_dim3A_44 = vector.shape_cast %reduce_sum3A_43 : vector<2000xf32> to vector<2000x1xf32>
    %div3A_45 = arith.constant 1.280000e+02 : f32
    %div3A_46 = vector.broadcast %div3A_45 : f32 to vector<2000x1xf32>
    %div3A_47 = arith.divf %broadcast_in_dim3A_44, %div3A_46 : vector<2000x1xf32>
    %add3A_48 = arith.constant 9.99999974E-6 : f32
    %add3A_49 = vector.broadcast %add3A_48 : f32 to vector<2000x1xf32>
    %add3A_50 = arith.addf %div3A_47, %add3A_49 : vector<2000x1xf32>
    %rsqrt3A_51 = math.rsqrt %add3A_50 : vector<2000x1xf32>
    %mul3A_52 = vector.broadcast %rsqrt3A_51 : vector<2000x1xf32> to vector<2000x128xf32>
    %mul3A_53 = arith.mulf %sub3A_40, %mul3A_52 : vector<2000x128xf32>
    %mul3A_54 = vector.broadcast %get3A_33 : vector<1x128xf32> to vector<2000x128xf32>
    %mul3A_55 = arith.mulf %mul3A_53, %mul3A_54 : vector<2000x128xf32>
    %add3A_56 = vector.broadcast %get3A_36 : vector<1x128xf32> to vector<2000x128xf32>
    %add3A_57 = arith.addf %mul3A_55, %add3A_56 : vector<2000x128xf32>
    %max3A = arith.constant 0.000000e+00 : f32
    %max3A_58 = vector.broadcast %max3A : f32 to vector<2000x128xf32>
    %max3A_59 = arith.maximumf %add3A_57, %max3A_58 : vector<2000x128xf32>
    %get3A_60 = arith.constant 0 : index
    %get3A_61 = arith.constant 0 : index
    %get3A_62 = arith.constant 0 : index
    %get3A_63 = vector.load %arg7[%get3A_60, %get3A_61, %get3A_62] : memref<1x1x2000xi32, #tpu.memory_space<vmem>>, vector<1x1x2000xi32>
    %get3A_64 = vector.shape_cast %get3A_63 : vector<1x1x2000xi32> to vector<2000xi32>
    %iota3A = tpu.iota {dimensions = array<i32: 0>} : vector<64x2000xi32>
    %broadcast_in_dim3A_65 = vector.shape_cast %get3A_64 : vector<2000xi32> to vector<1x2000xi32>
    %eq3A_66 = vector.broadcast %broadcast_in_dim3A_65 : vector<1x2000xi32> to vector<64x2000xi32>
    %eq3A_67 = arith.cmpi eq, %iota3A, %eq3A_66 : vector<64x2000xi32>
    %convert_element_type3A_68 = arith.extui %eq3A_67 : vector<64x2000xi1> to vector<64x2000xi32>
    %convert_element_type3A_69 = arith.sitofp %convert_element_type3A_68 : vector<64x2000xi32> to vector<64x2000xf32>
    %get3A_70 = arith.constant 0 : index
    %get3A_71 = arith.constant 0 : index
    %get3A_72 = vector.load %arg10[%get3A_70, %get3A_71] : memref<64x128xf32, #tpu.memory_space<vmem>>, vector<64x128xf32>
    %dot_general3A = arith.constant dense<0.000000e+00> : vector<64x128xf32>
    %dot_general3A_73 = tpu.matmul %convert_element_type3A_69, %max3A_59, %dot_general3A {dimension_numbers = #tpu.dot_dimension_numbers<[1], [0], [0], [1], [0, 0, 1, 1], [], []>, transpose_lhs_hint = false} : vector<64x2000xf32>, vector<2000x128xf32>, vector<64x128xf32> -> vector<64x128xf32>
    %add3A_74 = arith.addf %get3A_72, %dot_general3A_73 : vector<64x128xf32>
    %swap3A = arith.constant 0 : index
    %swap3A_75 = arith.constant 0 : index
    %swap3A_76 = vector.load %arg10[%swap3A, %swap3A_75] : memref<64x128xf32, #tpu.memory_space<vmem>>, vector<64x128xf32>
    tpu.vector_store %arg10[%swap3A, %swap3A_75], %add3A_74 {strides = array<i32>} : memref<64x128xf32, #tpu.memory_space<vmem>>, vector<64x128xf32>,
    %get3A_77 = arith.constant 0 : index
    %get3A_78 = arith.constant 0 : index
    %get3A_79 = vector.load %arg11[%get3A_77, %get3A_78] : memref<64x128xf32, #tpu.memory_space<vmem>>, vector<64x128xf32>
    %reduce_sum3A_80 = arith.constant dense<0.000000e+00> : vector<64xf32>
    %reduce_sum3A_81 = vector.multi_reduction <add>, %convert_element_type3A_69, %reduce_sum3A_80 [1] : vector<64x2000xf32> to vector<64xf32>
    %broadcast_in_dim3A_82 = vector.shape_cast %reduce_sum3A_81 : vector<64xf32> to vector<64x1xf32>
    %add3A_83 = vector.broadcast %broadcast_in_dim3A_82 : vector<64x1xf32> to vector<64x128xf32>
    %add3A_84 = arith.addf %get3A_79, %add3A_83 : vector<64x128xf32>
    %swap3A_85 = arith.constant 0 : index
    %swap3A_86 = arith.constant 0 : index
    %swap3A_87 = vector.load %arg11[%swap3A_85, %swap3A_86] : memref<64x128xf32, #tpu.memory_space<vmem>>, vector<64x128xf32>
    tpu.vector_store %arg11[%swap3A_85, %swap3A_86], %add3A_84 {strides = array<i32>} : memref<64x128xf32, #tpu.memory_space<vmem>>, vector<64x128xf32>,
    %eq3A_88 = arith.constant 4 : i32
    %eq3A_89 = arith.cmpi eq, %arg0, %eq3A_88 : i32
    %convert_element_type3A_90 = arith.extui %eq3A_89 : i1 to i32
    %cond3A_91 = arith.constant 0 : i32
    %cond3A_92 = arith.cmpi ne, %convert_element_type3A_90, %cond3A_91 : i32
    scf.if %cond3A_92 {
      %get3A_93 = arith.constant 0 : index
      %get3A_94 = arith.constant 0 : index
      %get3A_95 = vector.load %arg10[%get3A_93, %get3A_94] : memref<64x128xf32, #tpu.memory_space<vmem>>, vector<64x128xf32>
      %get3A_96 = arith.constant 0 : index
      %get3A_97 = arith.constant 0 : index
      %get3A_98 = vector.load %arg11[%get3A_96, %get3A_97] : memref<64x128xf32, #tpu.memory_space<vmem>>, vector<64x128xf32>
      %max3A_99 = arith.constant 1.000000e+00 : f32
      %max3A_100 = vector.broadcast %max3A_99 : f32 to vector<64x128xf32>
      %max3A_101 = arith.maximumf %get3A_98, %max3A_100 : vector<64x128xf32>
      %div3A_102 = arith.divf %get3A_95, %max3A_101 : vector<64x128xf32>
      %get3A_103 = arith.constant 0 : index
      %get3A_104 = arith.constant 0 : index
      %get3A_105 = vector.load %arg8[%get3A_103, %get3A_104] : memref<128x128xf32, #tpu.memory_space<vmem>>, vector<128x128xf32>
      %dot_general3A_106 = arith.constant dense<0.000000e+00> : vector<64x128xf32>
      %dot_general3A_107 = tpu.matmul %div3A_102, %get3A_105, %dot_general3A_106 {dimension_numbers = #tpu.dot_dimension_numbers<[1], [0], [0], [1], [0, 0, 1, 1], [], []>, transpose_lhs_hint = false} : vector<64x128xf32>, vector<128x128xf32>, vector<64x128xf32> -> vector<64x128xf32>
      %iota3A_108 = tpu.iota {dimensions = array<i32: 1>} : vector<64x128xi32>
      %lt3A = arith.constant 10 : i32
      %lt3A_109 = vector.broadcast %lt3A : i32 to vector<64x128xi32>
      %lt3A_110 = arith.cmpi slt, %iota3A_108, %lt3A_109 : vector<64x128xi32>
      %jit3A = arith.constant -1.000000e+30 : f32
      %broadcast_in_dim3A_111 = vector.broadcast %jit3A : f32 to vector<64x128xf32>
      %select_n3A = arith.select %lt3A_110, %dot_general3A_107, %broadcast_in_dim3A_111 : vector<64x128xi1>, vector<64x128xf32>
      %reduce_max3A = arith.constant dense<0xFF800000> : vector<64xf32>
      %reduce_max3A_112 = vector.multi_reduction <maximumf>, %select_n3A, %reduce_max3A [1] : vector<64x128xf32> to vector<64xf32>
      %broadcast_in_dim3A_113 = vector.shape_cast %reduce_max3A_112 : vector<64xf32> to vector<64x1xf32>
      %sub3A_114 = vector.broadcast %broadcast_in_dim3A_113 : vector<64x1xf32> to vector<64x128xf32>
      %sub3A_115 = arith.subf %select_n3A, %sub3A_114 : vector<64x128xf32>
      %exp3A = math.exp %sub3A_115 : vector<64x128xf32>
      %reduce_sum3A_116 = arith.constant dense<0.000000e+00> : vector<64xf32>
      %reduce_sum3A_117 = vector.multi_reduction <add>, %exp3A, %reduce_sum3A_116 [1] : vector<64x128xf32> to vector<64xf32>
      %broadcast_in_dim3A_118 = vector.shape_cast %reduce_sum3A_117 : vector<64xf32> to vector<64x1xf32>
      %log3A = math.log %broadcast_in_dim3A_118 : vector<64x1xf32>
      %sub3A_119 = vector.broadcast %log3A : vector<64x1xf32> to vector<64x128xf32>
      %sub3A_120 = arith.subf %sub3A_115, %sub3A_119 : vector<64x128xf32>
      %swap3A_121 = arith.constant 0 : index
      %swap3A_122 = arith.constant 0 : index
      %swap3A_123 = vector.load %arg9[%swap3A_121, %swap3A_122] : memref<64x128xf32, #tpu.memory_space<vmem>>, vector<64x128xf32>
      tpu.vector_store %arg9[%swap3A_121, %swap3A_122], %sub3A_120 {strides = array<i32>} : memref<64x128xf32, #tpu.memory_space<vmem>>, vector<64x128xf32>,
    } else {
    }
    return
  }
  func.func @transform_0(%arg0: i32) -> (i32, i32, i32) {
    %c0_i32 = arith.constant 0 : i32
    %c0_i32_0 = arith.constant 0 : i32
    %c0_i32_1 = arith.constant 0 : i32
    return %c0_i32, %arg0, %c0_i32_0 : i32, i32, i32
  }
  func.func @transform_1(%arg0: i32) -> (i32, i32) {
    %c0_i32 = arith.constant 0 : i32
    %c0_i32_0 = arith.constant 0 : i32
    return %arg0, %c0_i32 : i32, i32
  }
  func.func @transform_2(%arg0: i32) -> (i32, i32, i32) {
    %c0_i32 = arith.constant 0 : i32
    %c0_i32_0 = arith.constant 0 : i32
    %c0_i32_1 = arith.constant 0 : i32
    return %c0_i32, %arg0, %c0_i32_0 : i32, i32, i32
  }
  func.func @transform_3(%arg0: i32) -> (i32, i32) {
    %c0_i32 = arith.constant 0 : i32
    %c0_i32_0 = arith.constant 0 : i32
    %c0_i32_1 = arith.constant 0 : i32
    return %c0_i32, %c0_i32_0 : i32, i32
  }
  func.func @transform_4(%arg0: i32) -> (i32, i32) {
    %c0_i32 = arith.constant 0 : i32
    %c0_i32_0 = arith.constant 0 : i32
    %c0_i32_1 = arith.constant 0 : i32
    return %c0_i32, %c0_i32_0 : i32, i32
  }
  func.func @transform_5(%arg0: i32) -> (i32, i32) {
    %c0_i32 = arith.constant 0 : i32
    %c0_i32_0 = arith.constant 0 : i32
    %c0_i32_1 = arith.constant 0 : i32
    return %c0_i32, %c0_i32_0 : i32, i32
  }
  func.func @transform_6(%arg0: i32) -> (i32, i32, i32) {
    %c0_i32 = arith.constant 0 : i32
    %c0_i32_0 = arith.constant 0 : i32
    %c0_i32_1 = arith.constant 0 : i32
    return %arg0, %c0_i32, %c0_i32_0 : i32, i32, i32
  }
  func.func @transform_7(%arg0: i32) -> (i32, i32) {
    %c0_i32 = arith.constant 0 : i32
    %c0_i32_0 = arith.constant 0 : i32
    %c0_i32_1 = arith.constant 0 : i32
    return %c0_i32, %c0_i32_0 : i32, i32
  }
  func.func @transform_8(%arg0: i32) -> (i32, i32) {
    %c0_i32 = arith.constant 0 : i32
    %c0_i32_0 = arith.constant 0 : i32
    %c0_i32_1 = arith.constant 0 : i32
    return %c0_i32, %c0_i32_0 : i32, i32
  }
}

</mosaic_0001>

<sc_bundles>
// kernel: kernel.12.cloned.1.call-start
scs
__scs_entry_jumppad:
0x0: {  	(pc) =	sbr.rel $0x88, $3  }
0x1: {  	(tag) =	ssettag $0x0;
	lr =	simm.s32 $0x1  }
0x2: {  	[smem:$0x3F91] =	sst lr;
	_ =	strace $0xD0000000  }
0x3: {  	_ = 	snop  }
0x4: {  	_ = 	snop  }
0x5: {  	_ = 	snop  }
0x6: {  	_ = 	snop  }
0x7: {  	_ = 	snop  }
__scs_overlays_trampoline_lowered:
0x8: {  	[smem:$0x3FA0] =	sst s0  }
0x9: {  	[smem:$0x3FA1] =	sst s1  }
0xa: {  	[smem:$0x3FA2] =	sst s2  }
0xb: {  	[smem:$0x3FA3] =	sst s3  }
0xc: {  	[smem:$0x3FA4] =	sst s4  }
0xd: {  	[smem:$0x3FA5] =	sst s5  }
0xe: {  	[smem:$0x3FA6] =	sst s6  }
0xf: {  	[smem:$0x3FA7] =	sst s7  }
0x10: {  	[smem:$0x3FA8] =	sst s8  }
0x11: {  	[smem:$0x3FA9] =	sst s9;
	s0 =	simm.s32 @!p0 $0x0  }
0x12: {  	s1 =	sld [smem:$0x3F8F];
	s0 =	simm.s32 @p0 $0x1  }
0x13: {  	[smem:$0x3FAA] =	sst s0;
	s0 =	simm.s32 @!p1 $0x0  }
0x14: {  	s2 =	sld [smem:$0x3F8E];
	s0 =	simm.s32 @p1 $0x1  }
0x15: {  	[smem:$0x3FAB] =	sst s0;
	s0 =	simm.s32 @!p2 $0x0  }
0x16: {  	s3 =	sld [smem:$0x3FDB];
	s0 =	simm.s32 @p2 $0x1  }
0x17: {  	s4 =	simm.s32 $0x1BF5;
	[smem:$0x3FAD] =	sst s0  }
0x18: {  	s0 =	sld [smem:$0x3F90];
	_ =	swait.ge [sflag:s4], $0x0  }
0x19: {  	s7 =	sld [smem:$0x3F91]  }
0x1a: {  	s8 =	sadd.s32 $0xFFFFE003, lr  }
0x1b: {  	s9 =	sadd.s32 $0xFFFFFEF7, lr;
	s5 =	simm.s32 $0xFFFFFFFF;
	p2 =	slt.u32 s8, $0xFFFFF086  }
0x1c: {  	p1 =	slt.u32 s9, $0xF7A;
	s5 =	simm.s32 @!p2 $0x0  }
0x1d: {  	s5 =	simm.s32 @p1 $0x1;
	p0 =	seq.s32 s7, s2  }
0x1e: {  	s7 =	smul.u32 @!p0 $0xF7A, s2;
	p2 =	seq.s32 @!p0 s5, $0x0  }
0x1f: {  	s9 =	smul.u32 $0xF7A, s1;
	s8 =	simm.s32 @!p0 $0x1BF5;
	p2 =	por !p2, p0  }
0x20: {  	[sflag:s8] =	ssyncset.s32 @!p0 $0xFFFFF086;
	s6 =	sadd.s32 @!p0 s3, s7;
	s7 =	simm.s32 @!p0 $0x108  }
0x21: {  	s3 =	sadd.s32 s3, s9;
	s6 =	sadd.s32 @!p0 $0x88, s6;
	s7 =	simm.s32 @p2 $0x1082  }
0x22: {  	[simem:s7], [sflag:s8] =	dma.local @!p0 [hbm:s6], $0xF7A  }
0x23: {  	s9 =	sor.u32 $0xD0000000, s2;
	s6 =	simm.s32 $0x108;
	_ =	swait.ge @!p0 [sflag:s8], $0x0  }
0x24: {  	s3 =	sadd.s32 $0x88, s3;
	s6 =	simm.s32 @!p1 $0x1082;
	[sflag:s4] =	ssyncset.s32 $0xFFFFF086  }
0x25: {  	[simem:s6], [sflag:s4] =	dma.local [hbm:s3], $0xF7A  }
0x26: {  	[smem:$0x3F91] =	sst s1;
	(tag) =	ssettag s2;
	_ =	strace s9  }
0x27: {  	s1 =	sld [smem:$0x3FA1]  }
0x28: {  	s2 =	sld [smem:$0x3FA2]  }
0x29: {  	s4 =	sld [smem:$0x3FA4]  }
0x2a: {  	p0 =	seq.s32 s5, $0x0;
	s5 =	sld [smem:$0x3FA5]  }
0x2b: {  	s6 =	sld [smem:$0x3FA6]  }
0x2c: {  	s7 =	sld [smem:$0x3FA7]  }
0x2d: {  	s3 =	simm.s32 $0x108;
	s8 =	sld [smem:$0x3FA8]  }
0x2e: {  	s3 =	simm.s32 @!p0 $0x1082;
	s9 =	sld [smem:$0x3FA9]  }
0x2f: {  	lr =	sadd.s32 s0, s3;
	s0 =	sld [smem:$0x3FA0]  }
0x30: {  	s3 =	sld [smem:$0x3FA3]  }
0x31: {  	[smem:$0x3FAC] =	sst s10  }
0x32: {  	s10 =	sld [smem:$0x3FAA];
	_ =	sdelay $0x3  }
0x33: {  	p0 =	seq.s32 s10, $0x1;
	s10 =	sld [smem:$0x3FAC];
	_ =	sdelay $0x3  }
0x34: {  	[smem:$0x3FAC] =	sst s10  }
0x35: {  	s10 =	sld [smem:$0x3FAB];
	_ =	sdelay $0x3  }
0x36: {  	p1 =	seq.s32 s10, $0x1;
	s10 =	sld [smem:$0x3FAC];
	_ =	sdelay $0x3  }
0x37: {  	[smem:$0x3FAC] =	sst s10  }
0x38: {  	s10 =	sld [smem:$0x3FAD]  }
0x39: {  	_ = 	snop;
	(pc) =	sbr.ind lr, $3  }
0x3a: {  	_ = 	snop  }
0x3b: {  	_ = 	snop  }
0x3c: {  	p2 =	seq.s32 s10, $0x1;
	s10 =	sld [smem:$0x3FAC]  }
0x3d: {  	_ =	shalt  }
0x3e: {  	_ =	shalt  }
0x3f: {  	_ =	shalt  }
0x40: {  	_ =	shalt  }
0x41: {  	_ =	shalt  }
0x42: {  	_ =	shalt  }
0x43: {  	_ =	shalt  }
0x44: {  	_ =	shalt  }
0x45: {  	_ =	shalt  }
0x46: {  	_ =	shalt  }
0x47: {  	_ =	shalt  }
0x48: {  	_ =	shalt  }
0x49: {  	_ =	shalt  }
0x4a: {  	_ =	shalt  }
0x4b: {  	_ =	shalt  }
0x4c: {  	_ =	shalt  }
0x4d: {  	_ =	shalt  }
0x4e: {  	_ =	shalt  }
0x4f: {  	_ =	shalt  }
0x50: {  	_ =	shalt  }
0x51: {  	_ =	shalt  }
0x52: {  	_ =	shalt  }
0x53: {  	_ =	shalt  }
0x54: {  	_ =	shalt  }
0x55: {  	_ =	shalt  }
0x56: {  	_ =	shalt  }
0x57: {  	_ =	shalt  }
0x58: {  	_ =	shalt  }
0x59: {  	_ =	shalt  }
0x5a: {  	_ =	shalt  }
0x5b: {  	_ =	shalt  }
0x5c: {  	_ =	shalt  }
0x5d: {  	_ =	shalt  }
0x5e: {  	_ =	shalt  }
0x5f: {  	_ =	shalt  }
0x60: {  	_ =	shalt  }
0x61: {  	_ =	shalt  }
0x62: {  	_ =	shalt  }
0x63: {  	_ =	shalt  }
0x64: {  	_ =	shalt  }
0x65: {  	_ =	shalt  }
0x66: {  	_ =	shalt  }
0x67: {  	_ =	shalt  }
0x68: {  	_ =	shalt  }
0x69: {  	_ =	shalt  }
0x6a: {  	_ =	shalt  }
0x6b: {  	_ =	shalt  }
0x6c: {  	_ =	shalt  }
0x6d: {  	_ =	shalt  }
0x6e: {  	_ =	shalt  }
0x6f: {  	_ =	shalt  }
0x70: {  	_ =	shalt  }
0x71: {  	_ =	shalt  }
0x72: {  	_ =	shalt  }
0x73: {  	_ =	shalt  }
0x74: {  	_ =	shalt  }
0x75: {  	_ =	shalt  }
0x76: {  	_ =	shalt  }
0x77: {  	_ =	shalt  }
0x78: {  	_ =	shalt  }
0x79: {  	_ =	shalt  }
0x7a: {  	_ =	shalt  }
0x7b: {  	_ =	shalt  }
0x7c: {  	_ =	shalt  }
0x7d: {  	_ =	shalt  }
0x7e: {  	_ =	shalt  }
0x7f: {  	_ =	shalt  }
0x80: {  	_ =	shalt  }
0x81: {  	_ =	shalt  }
0x82: {  	_ =	shalt  }
0x83: {  	_ =	shalt  }
0x84: {  	_ =	shalt  }
0x85: {  	_ =	shalt  }
0x86: {  	_ =	shalt  }
0x87: {  	_ =	shalt  }
.Lfunc_end0:
.L_simem_size_0:
called_computation.1_lowered:
.L_overlay_start_0:
0x88: {  	s2 =	sld [smem:$0x3FD9]  }
0x89: {  	s3 =	sld [smem:$0x3FFE];
	_ =	sdelay $0x1  }
0x8a: {  	s1 =	srdreg.scid  }
0x8b: {  	s0 =	sand.u32 $0x1, s1  }
0x8c: {  	s16 =	sshll.u32 s0, $0xA;
	s2 =	sadd.s32 s3, s2  }
0x8d: {  	s2 =	sadd.s32 s2, s16  }
0x8e: {  	[smem:$0x3FB8] =	sst s2  }
0x8f: {  	_ = 	snop  }
0x90: {  	(tm) =	ssettm $0x1  }
0x91: {  	s17 =	sld [smem:$0x3FFB];
	_ =	sdelay $0x3  }
0x92: {  	_ =	strace s17  }
0x93: {  	s2 =	sld [smem:$0x3FFC];
	_ =	sdelay $0x3  }
0x94: {  	_ =	strace s2  }
0x95: {  	s2 =	sld [smem:$0x3FFD];
	_ =	sdelay $0x3  }
0x96: {  	_ =	strace s2  }
0x97: {  	_ =	strace $0x8FFFFFFF  }
0x98: {  	s18 =	sld [smem:$0x3FDB];
	_ =	sdelay $0x1  }
0x99: {  	s19 =	simm.s32 $_scs_section_size  }
0x9a: {  	s4 =	simm.s32 $_size__tile_overlayer_lowered;
	s5 =	simm.s32 $_tile_overlayer_lowered  }
0x9b: {  	s22 =	simm.s32 $0x1BFF;
	s21 =	sshll.u32 s5, $0x1;
	s2 =	sadd.s32 s19, s18  }
0x9c: {  	s6 =	simm.s32 $0x0;
	s20 =	sshll.u32 s4, $0x1;
	s4 =	sadd.s32 s21, s2  }
0x9d: {  	[timem:s6], [sflag:s22] =	dma.local [hbm:s4], s20  }
0x9e: {  	_ =	swait.ge [sflag:s22], s20  }
0x9f: {  	s3 =	ssub.s32 $0x0, s20;
	[sflag:s22] =	ssyncset.done $0x0  }
0xa0: {  	[sflag:s22] =	ssyncadd.s32 s3;
	_ =	sdelay $0x1  }
0xa1: {  	s23 =	simm.s32 $0x1B8B  }
0xa2: {  	_ =	swait.ge [sflag:s23], $0x1  }
0xa3: {  	[sflag:s23] =	ssyncset.done $0x0  }
0xa4: {  	s25 =	simm.s32 $0x1B8E;
	s24 =	sld [smem:$0x3FFE];
	[sflag:s23] =	ssyncadd.s32 $0xFFFFFFFF  }
0xa5: {  	s26 =	simm.s32 $execute0_lowered;
	[smem:$0x3FD2] =	sst s25  }
0xa6: {  	s4 =	sshll.u32 s26, $0x1;
	_ =	strace $0x80000049;
	[dreg:$0x1] =	wrdreg $0xFFFFFFFF  }
0xa7: {  	s28 =	simm.s32 $_size_execute0_lowered;
	s2 =	sadd.s32 s2, s4;
	[dreg:$0x0] =	wrdreg $0x0  }
0xa8: {  	s4 =	sshll.u32 s28, $0x1;
	[dreg:$0x2] =	wrdreg s2  }
0xa9: {  	[dreg:$0x3] =	wrdreg s4  }
0xaa: {  	[dreg:$0x4] =	wrdreg $0xC0  }
0xab: {  	_ =	task [dreg:s6], $0x5FFFF  }
0xac: {  	[dreg:$0x1] =	wrdreg $0xFFFFFFFF  }
0xad: {  	[dreg:$0x0] =	wrdreg $0x60  }
0xae: {  	[dreg:$0x2] =	wrdreg s24  }
0xaf: {  	[dreg:$0x3] =	wrdreg $0xBC000  }
0xb0: {  	[dreg:$0x4] =	wrdreg $0x9  }
0xb1: {  	_ =	task.clear_ibuf [dreg:s6], $0x5FFFF;
	_ =	strace $0x90000049  }
0xb2: {  	s29 =	simm.s32 $0x9;
	_ =	strace $0x8000004B  }
0xb3: {  	_ =	swait.ge [sflag:s29], $0x1  }
0xb4: {  	[sflag:s29] =	ssyncadd.s32 $0xFFFFFFFF  }
0xb5: {  	_ =	strace $0x9000004B  }
0xb6: {  	_ =	sfence  }
0xb7: {  	s30 =	sld [smem:$0x0];
	_ =	sdelay $0x2  }
0xb8: {  	s31 =	sshll.u32 s1, $0xD;
	s1 =	sshrl.u32 s1, $0x2  }
0xb9: {  	s3 =	sand.u32 $0x4000, s31;
	s1 =	sadd.s32 s1, s30  }
0xba: {  	s0 =	sor.u32 s3, s0;
	s1 =	sshll.u32 s1, $0x11  }
0xbb: {  	s0 =	sor.u32 s1, s0  }
0xbc: {  	s0 =	sadd.s32 $0x8F2B, s0  }
0xbd: {  	[sflag:s0] =	ssyncadd.remote.s32 $0x1  }
0xbe: {  	_ =	sfence.sel $0xFFFF  }
0xbf: {  	[dreg:$0x0] =	wrdreg $0xFFFFFFFF;
	(pc) =	sbr.abs _section_cstart, $3  }
0xc0: {  	[dreg:$0x1] =	wrdreg $0xFFFFFFFF  }
0xc1: {  	_ =	task.clear_ibuf [dreg:s6], $0x2FFFF;
	_ =	strace $0x9FFFFFFF  }
0xc2: {  	(tm) =	ssettm $0x7FFFFFFF  }
0xc3: {  	_ =	shalt  }
tec
execute0_lowered:
.L_overlay_start_1:
0x0: {  	(tag) =	ssettag $0x1  }
0x1: {  	s1 =	rddreg [dreg:$0x0];
	s3 =	srdreg.scid  }
0x2: {  	s0 =	stileid.u32;
	s2 =	rddreg [dreg:$0x1];
	s19 =	simm.s32 $0x80  }
0x3: {  	s20 =	simm.s32 $0x1;
	s21 =	simm.s32 $0x7C00;
	s22 =	simm.s32 $0x2  }
0x4: {  	s23 =	simm.s32 $0x1380;
	s26 =	stileid.u32;
	s28 =	simm.s32 $0x2780  }
0x5: {  	s29 =	simm.s32 $0x3B00;
	s30 =	simm.s32 $0x3B80;
	s6 =	smul.u32 $0x50000, s0  }
0x6: {  	s31 =	simm.s32 $0x0;
	s8 =	sand.u32 $0x1, s3;
	s14 =	smul.u32 $0x13800, s0  }
0x7: {  	s4 =	sshll.u32 s0, $0x1;
	s3 =	simm.s32 $0x0;
	s16 =	smul.u32 $0x4E000, s0  }
0x8: {  	s18 =	sadd.s32 $0x138000, s2;
	p0 =	sne.s32 s0, $0xF;
	s4 =	sor.u32 s8, s4  }
0x9: {  	[smem:$0x7FF] =	sst s3;
	s7 =	ssub.s32 $0x2, s8;
	s13 =	smul.u32 $0x138800, s8  }
0xa: {  	s5 =	smul.u32 $0x2800, s4;
	_ =	strace $0x8000004A;
	s4 =	sadd.s32 $0x66800, s1  }
0xb: {  	s24 =	sshrl.u32 s7, $0x1;
	s6 =	sshrl.u32 s6, $0x2;
	s16 =	sshrl.u32 s16, $0x2  }
0xc: {  	s15 =	ssub.s32 s7, s24;
	s14 =	sadd.s32 s14, s13;
	s13 =	sshrl.u32 s13, $0x3  }
0xd: {  	s25 =	sadd.s32 s16, s2;
	s16 =	simm.s32 $0x3C00;
	s5 =	sshrl.u32 s5, $0x3  }
0xe: {  	s14 =	sshrl.u32 s14, $0x3;
	s15 =	smax.u32 s15, $0x1;
	s24 =	sshrl.u32 s25, $0x3  }
0xf: {  	s25 =	sshrl.u32 @!p0 s18, $0x3;
	s12 =	sadd.s32 s5, s1;
	s5 =	sadd.s32 s6, s2  }
0x10: {  	s1 =	sadd.s32 $0x8DA00, s1;
	s6 =	sadd.s32 $0x4000, s5;
	s7 =	sadd.s32 $0x8000, s5  }
0x11: {  	s8 =	sadd.s32 $0xC000, s5;
	s9 =	sadd.s32 $0x10000, s5;
	s10 =	sadd.s32 $0xE600, s12  }
0x12: {  	s11 =	sadd.s32 $0x4600, s12;
	s12 =	sadd.s32 $0x4880, s12;
	s17 =	sadd.s32 s1, s13  }
0x13: {  	v0 =	vimm.f32 $0.0e+00;
	s13 =	sadd.s32 s1, s14;
	s14 =	sadd.s32 $0x27000, s17;
	s17 =	simm.s32 $0x3  }
.LBB2_1:
0x14: {  	s1 =	simm.s32 $0x0;
	s18 =	simm.s32 $0x200  }
.LBB2_2:
0x15: {  	p1 =	sne.s32 s18, $0xFE00;
	[tilespmem:s1+$0x3C70] =	vst v0  }
0x16: {  	[tilespmem:s1+$0x3C00] =	vst v0  }
0x17: {  	[tilespmem:s1+$0x3C10] =	vst v0  }
.Ltmp0:
0x18: {  	[tilespmem:s1+$0x3C20] =	vst v0;
	(pc) =	sbr.rel @p1 .LBB2_2-.Ltmp0, $4  }
0x19: {  	[tilespmem:s1+$0x3C30] =	vst v0  }
0x1a: {  	[tilespmem:s1+$0x3C40] =	vst v0  }
0x1b: {  	[tilespmem:s1+$0x3C50] =	vst v0  }
0x1c: {  	[tilespmem:s1+$0x3C60] =	vst v0;
	s1 =	sshra.s32 s18, $0x2;
	s18 =	sadd.s32 $0x200, s18  }
0x1d: {  	[tilespmem:s1+$0x3C70] =	vst v0  }
0x1e: {  	[tilespmem:s1+$0x3C00] =	vst v0  }
0x1f: {  	[tilespmem:s1+$0x3C10] =	vst v0  }
0x20: {  	[tilespmem:s1+$0x3C20] =	vst v0  }
0x21: {  	[tilespmem:s1+$0x3C30] =	vst v0  }
0x22: {  	[tilespmem:s1+$0x3C40] =	vst v0  }
0x23: {  	[tilespmem:s1+$0x3C50] =	vst v0  }
0x24: {  	[tilespmem:s1+$0x3C60] =	vst v0  }
0x25: {  	[spmem:s5] =	stream.linear.scatter [tilespmem:s16], [sflag:$0x3], $0x4000, $0x38;
	[tilespmem:$0x1FC00] =	vst v63  }
0x26: {  	_ =	swait.ge [sflag:s17], $0x4000  }
0x27: {  	[sflag:s17] =	ssyncset.done $0x0  }
0x28: {  	[sflag:s17] =	ssyncadd.s32 $0xFFFFC000  }
0x29: {  	[spmem:s6] =	stream.linear.scatter [tilespmem:s16], [sflag:$0x3], $0x4000, $0x38;
	[tilespmem:$0x1FC00] =	vst v63  }
0x2a: {  	_ =	swait.ge [sflag:s17], $0x4000  }
0x2b: {  	[sflag:s17] =	ssyncset.done $0x0  }
0x2c: {  	[sflag:s17] =	ssyncadd.s32 $0xFFFFC000  }
0x2d: {  	[spmem:s7] =	stream.linear.scatter [tilespmem:s16], [sflag:$0x3], $0x4000, $0x38;
	[tilespmem:$0x1FC00] =	vst v63  }
0x2e: {  	_ =	swait.ge [sflag:s17], $0x4000  }
0x2f: {  	[sflag:s17] =	ssyncset.done $0x0  }
0x30: {  	[sflag:s17] =	ssyncadd.s32 $0xFFFFC000  }
0x31: {  	[spmem:s8] =	stream.linear.scatter [tilespmem:s16], [sflag:$0x3], $0x4000, $0x38;
	[tilespmem:$0x1FC00] =	vst v63  }
0x32: {  	_ =	swait.ge [sflag:s17], $0x4000  }
0x33: {  	[sflag:s17] =	ssyncset.done $0x0  }
0x34: {  	[sflag:s17] =	ssyncadd.s32 $0xFFFFC000  }
0x35: {  	[spmem:s9] =	stream.linear.scatter [tilespmem:s16], [sflag:$0x3], $0x4000, $0x38;
	[tilespmem:$0x1FC00] =	vst v63  }
0x36: {  	_ =	swait.ge [sflag:s17], $0x4000  }
0x37: {  	[sflag:s17] =	ssyncset.done $0x0  }
0x38: {  	s18 =	simm.s32 $0x0;
	s0 =	simm.s32 $0x1400;
	[sflag:s17] =	ssyncadd.s32 $0xFFFFC000  }
0x39: {  	[tilespmem:s0], [sflag:$0x3] =	stream.linear.gather [hbm4b:s10+s18], $0x2800, $0x38;
	[tilespmem:$0x1FC00] =	vst v63  }
0x3a: {  	_ =	swait.ge [sflag:s17], $0x2800  }
0x3b: {  	[sflag:s17] =	ssyncset.done $0x0  }
0x3c: {  	[sflag:s17] =	ssyncadd.s32 $0xFFFFD800  }
0x3d: {  	[tilespmem:s18], [sflag:$0x3] =	stream.linear.gather [hbm4b:s11+s18], $0x1400, $0x38;
	[tilespmem:$0x1FC00] =	vst v63  }
0x3e: {  	_ =	swait.ge [sflag:s17], $0x1400  }
0x3f: {  	[sflag:s17] =	ssyncset.done $0x0  }
0x40: {  	[sflag:s17] =	ssyncadd.s32 $0xFFFFEC00  }
0x41: {  	[bflag:$0x0] =	sbarrier.arrive $0xFFFF  }
0x42: {  	[tilespmem:s16], [sflag:$0x1] =	stream.indirect.gather [hbm4b:s4+s19], $0x80, s18, s19, $0xb8;
	[tilespmem:$0x1FC00] =	vst v63  }
0x43: {  	_ =	swait.ge [sflag:s20], $0x4000  }
0x44: {  	[sflag:s20] =	ssyncset.done $0x0  }
0x45: {  	s0 =	simm.s32 $0x80;
	[sflag:s20] =	ssyncadd.s32 $0xFFFFC000  }
0x46: {  	[tilespmem:s21], [sflag:$0x2] =	stream.indirect.gather [hbm4b:s4+s19], $0x80, s0, s19, $0xb8;
	[tilespmem:$0x1FC00] =	vst v63  }
0x47: {  	s18 =	simm.s32 $0x1400  }
0x48: {  	[spmem:s2] =	stream.indirect.scatter.add.f32 [tilespmem:s16], [sflag:$0x3], $0x80, s18, s19, $0xb8;
	[tilespmem:$0x1FC00] =	vst v63  }
0x49: {  	_ =	swait.ge [sflag:s17], $0x4000  }
0x4a: {  	[sflag:s17] =	ssyncset.done $0x0  }
0x4b: {  	[sflag:s17] =	ssyncadd.s32 $0xFFFFC000  }
0x4c: {  	_ =	swait.ge [sflag:s22], $0x4000  }
0x4d: {  	[sflag:s22] =	ssyncset.done $0x0  }
0x4e: {  	s0 =	simm.s32 $0x100;
	[sflag:s22] =	ssyncadd.s32 $0xFFFFC000  }
0x4f: {  	[tilespmem:s16], [sflag:$0x1] =	stream.indirect.gather [hbm4b:s4+s19], $0x80, s0, s19, $0xb8;
	[tilespmem:$0x1FC00] =	vst v63  }
0x50: {  	s18 =	simm.s32 $0x1480  }
0x51: {  	[spmem:s2] =	stream.indirect.scatter.add.f32 [tilespmem:s21], [sflag:$0x3], $0x80, s18, s19, $0xb8;
	[tilespmem:$0x1FC00] =	vst v63  }
0x52: {  	_ =	swait.ge [sflag:s17], $0x4000  }
0x53: {  	s1 =	simm.s32 $0x400;
	[sflag:s17] =	ssyncset.done $0x0  }
.LBB2_4:
0x54: {  	p1 =	sne.s32 s1, $0x4800  }
0x55: {  	[sflag:s17] =	ssyncadd.s32 $0xFFFFC000;
	s18 =	smov.u32 s1;
	s1 =	sadd.s32 $0x400, s1  }
0x56: {  	_ = 	snop  }
0x57: {  	_ =	swait.ge [sflag:s20], $0x4000  }
0x58: {  	s18 =	sshra.s32 s18, $0x2;
	[sflag:s20] =	ssyncset.done $0x0  }
0x59: {  	s0 =	sadd.s32 $0x80, s18;
	[sflag:s20] =	ssyncadd.s32 $0xFFFFC000  }
0x5a: {  	[tilespmem:s21], [sflag:$0x2] =	stream.indirect.gather [hbm4b:s4+s19], $0x80, s0, s19, $0xb8;
	[tilespmem:$0x1FC00] =	vst v63  }
0x5b: {  	s0 =	sadd.s32 $0x1400, s18  }
0x5c: {  	[spmem:s2] =	stream.indirect.scatter.add.f32 [tilespmem:s16], [sflag:$0x3], $0x80, s0, s19, $0xb8;
	[tilespmem:$0x1FC00] =	vst v63  }
0x5d: {  	_ =	swait.ge [sflag:s17], $0x4000  }
0x5e: {  	[sflag:s17] =	ssyncset.done $0x0  }
0x5f: {  	[sflag:s17] =	ssyncadd.s32 $0xFFFFC000  }
0x60: {  	_ =	swait.ge [sflag:s22], $0x4000  }
0x61: {  	[sflag:s22] =	ssyncset.done $0x0  }
0x62: {  	s0 =	sadd.s32 $0x100, s18;
	[sflag:s22] =	ssyncadd.s32 $0xFFFFC000  }
0x63: {  	[tilespmem:s16], [sflag:$0x1] =	stream.indirect.gather [hbm4b:s4+s19], $0x80, s0, s19, $0xb8;
	[tilespmem:$0x1FC00] =	vst v63  }
.Ltmp1:
0x64: {  	_ = 	snop;
	(pc) =	sbr.rel @p1 .LBB2_4-.Ltmp1, $4  }
0x65: {  	s0 =	sadd.s32 $0x1480, s18  }
0x66: {  	[spmem:s2] =	stream.indirect.scatter.add.f32 [tilespmem:s21], [sflag:$0x3], $0x80, s0, s19, $0xb8;
	[tilespmem:$0x1FC00] =	vst v63  }
0x67: {  	_ =	swait.ge [sflag:s17], $0x4000  }
0x68: {  	[sflag:s17] =	ssyncset.done $0x0  }
0x69: {  	[sflag:s17] =	ssyncadd.s32 $0xFFFFC000  }
0x6a: {  	_ =	swait.ge [sflag:s20], $0x4000  }
0x6b: {  	[sflag:s20] =	ssyncset.done $0x0  }
0x6c: {  	[sflag:s20] =	ssyncadd.s32 $0xFFFFC000  }
0x6d: {  	[tilespmem:s21], [sflag:$0x2] =	stream.indirect.gather [hbm4b:s4+s19], $0x80, s23, s19, $0xb8;
	[tilespmem:$0x1FC00] =	vst v63  }
0x6e: {  	s0 =	simm.s32 $0x2700  }
0x6f: {  	[spmem:s2] =	stream.indirect.scatter.add.f32 [tilespmem:s16], [sflag:$0x3], $0x80, s0, s19, $0xb8;
	[tilespmem:$0x1FC00] =	vst v63  }
0x70: {  	_ =	swait.ge [sflag:s17], $0x4000  }
0x71: {  	[sflag:s17] =	ssyncset.done $0x0  }
0x72: {  	[sflag:s17] =	ssyncadd.s32 $0xFFFFC000  }
0x73: {  	_ =	swait.ge [sflag:s22], $0x4000  }
0x74: {  	[sflag:s22] =	ssyncset.done $0x0  }
0x75: {  	[sflag:s22] =	ssyncadd.s32 $0xFFFFC000  }
0x76: {  	[spmem:s2] =	stream.indirect.scatter.add.f32 [tilespmem:s21], [sflag:$0x3], $0x80, s28, s19, $0xb8;
	[tilespmem:$0x1FC00] =	vst v63  }
0x77: {  	_ =	swait.ge [sflag:s17], $0x4000  }
0x78: {  	[sflag:s17] =	ssyncset.done $0x0  }
0x79: {  	[sflag:s17] =	ssyncadd.s32 $0xFFFFC000  }
0x7a: {  	[tilespmem:s3], [sflag:$0x3] =	stream.linear.gather [hbm4b:s12+s3], $0x1400, $0x38;
	[tilespmem:$0x1FC00] =	vst v63  }
0x7b: {  	_ =	swait.ge [sflag:s17], $0x1400  }
0x7c: {  	[sflag:s17] =	ssyncset.done $0x0  }
0x7d: {  	[sflag:s17] =	ssyncadd.s32 $0xFFFFEC00  }
0x7e: {  	[tilespmem:s16], [sflag:$0x1] =	stream.indirect.gather [hbm4b:s4+s19], $0x80, s3, s19, $0xb8;
	[tilespmem:$0x1FC00] =	vst v63  }
0x7f: {  	_ =	swait.ge [sflag:s20], $0x4000  }
0x80: {  	[sflag:s20] =	ssyncset.done $0x0  }
0x81: {  	s1 =	simm.s32 $0x80;
	[sflag:s20] =	ssyncadd.s32 $0xFFFFC000  }
0x82: {  	[tilespmem:s21], [sflag:$0x2] =	stream.indirect.gather [hbm4b:s4+s19], $0x80, s1, s19, $0xb8;
	[tilespmem:$0x1FC00] =	vst v63  }
0x83: {  	s18 =	simm.s32 $0x2800  }
0x84: {  	[spmem:s2] =	stream.indirect.scatter.add.f32 [tilespmem:s16], [sflag:$0x3], $0x80, s18, s19, $0xb8;
	[tilespmem:$0x1FC00] =	vst v63  }
0x85: {  	_ =	swait.ge [sflag:s17], $0x4000  }
0x86: {  	[sflag:s17] =	ssyncset.done $0x0  }
0x87: {  	[sflag:s17] =	ssyncadd.s32 $0xFFFFC000  }
0x88: {  	_ =	swait.ge [sflag:s22], $0x4000  }
0x89: {  	[sflag:s22] =	ssyncset.done $0x0  }
0x8a: {  	s1 =	simm.s32 $0x100;
	[sflag:s22] =	ssyncadd.s32 $0xFFFFC000  }
0x8b: {  	[tilespmem:s16], [sflag:$0x1] =	stream.indirect.gather [hbm4b:s4+s19], $0x80, s1, s19, $0xb8;
	[tilespmem:$0x1FC00] =	vst v63  }
0x8c: {  	s18 =	simm.s32 $0x2880  }
0x8d: {  	[spmem:s2] =	stream.indirect.scatter.add.f32 [tilespmem:s21], [sflag:$0x3], $0x80, s18, s19, $0xb8;
	[tilespmem:$0x1FC00] =	vst v63  }
0x8e: {  	_ =	swait.ge [sflag:s17], $0x4000  }
0x8f: {  	s1 =	simm.s32 $0xFFFFB800;
	[sflag:s17] =	ssyncset.done $0x0  }
.LBB2_6:
0x90: {  	p1 =	sne.s32 s1, $0xFFFFFC00  }
0x91: {  	[sflag:s17] =	ssyncadd.s32 $0xFFFFC000;
	s0 =	smov.u32 s1;
	s1 =	sadd.s32 $0x400, s1  }
0x92: {  	_ = 	snop  }
0x93: {  	_ =	swait.ge [sflag:s20], $0x4000  }
0x94: {  	s0 =	sshra.s32 s0, $0x2;
	[sflag:s20] =	ssyncset.done $0x0  }
0x95: {  	s18 =	sadd.s32 $0x1380, s0;
	[sflag:s20] =	ssyncadd.s32 $0xFFFFC000  }
0x96: {  	[tilespmem:s21], [sflag:$0x2] =	stream.indirect.gather [hbm4b:s4+s19], $0x80, s18, s19, $0xb8;
	[tilespmem:$0x1FC00] =	vst v63  }
0x97: {  	s18 =	sadd.s32 $0x3B00, s0  }
0x98: {  	[spmem:s2] =	stream.indirect.scatter.add.f32 [tilespmem:s16], [sflag:$0x3], $0x80, s18, s19, $0xb8;
	[tilespmem:$0x1FC00] =	vst v63  }
0x99: {  	_ =	swait.ge [sflag:s17], $0x4000  }
0x9a: {  	[sflag:s17] =	ssyncset.done $0x0  }
0x9b: {  	[sflag:s17] =	ssyncadd.s32 $0xFFFFC000  }
0x9c: {  	_ =	swait.ge [sflag:s22], $0x4000  }
0x9d: {  	[sflag:s22] =	ssyncset.done $0x0  }
0x9e: {  	s18 =	sadd.s32 $0x1400, s0;
	[sflag:s22] =	ssyncadd.s32 $0xFFFFC000  }
0x9f: {  	[tilespmem:s16], [sflag:$0x1] =	stream.indirect.gather [hbm4b:s4+s19], $0x80, s18, s19, $0xb8;
	[tilespmem:$0x1FC00] =	vst v63  }
.Ltmp2:
0xa0: {  	_ = 	snop;
	(pc) =	sbr.rel @p1 .LBB2_6-.Ltmp2, $4  }
0xa1: {  	s0 =	sadd.s32 $0x3B80, s0  }
0xa2: {  	[spmem:s2] =	stream.indirect.scatter.add.f32 [tilespmem:s21], [sflag:$0x3], $0x80, s0, s19, $0xb8;
	[tilespmem:$0x1FC00] =	vst v63  }
0xa3: {  	_ =	swait.ge [sflag:s17], $0x4000  }
0xa4: {  	[sflag:s17] =	ssyncset.done $0x0  }
0xa5: {  	[sflag:s17] =	ssyncadd.s32 $0xFFFFC000  }
0xa6: {  	_ =	swait.ge [sflag:s20], $0x4000  }
0xa7: {  	[sflag:s20] =	ssyncset.done $0x0  }
0xa8: {  	[sflag:s20] =	ssyncadd.s32 $0xFFFFC000  }
0xa9: {  	[tilespmem:s21], [sflag:$0x2] =	stream.indirect.gather [hbm4b:s4+s19], $0x80, s23, s19, $0xb8;
	[tilespmem:$0x1FC00] =	vst v63  }
0xaa: {  	_ = 	snop  }
0xab: {  	[spmem:s2] =	stream.indirect.scatter.add.f32 [tilespmem:s16], [sflag:$0x3], $0x80, s29, s19, $0xb8;
	[tilespmem:$0x1FC00] =	vst v63  }
0xac: {  	_ =	swait.ge [sflag:s17], $0x4000  }
0xad: {  	[sflag:s17] =	ssyncset.done $0x0  }
0xae: {  	[sflag:s17] =	ssyncadd.s32 $0xFFFFC000  }
0xaf: {  	_ =	swait.ge [sflag:s22], $0x4000  }
0xb0: {  	[sflag:s22] =	ssyncset.done $0x0  }
0xb1: {  	[sflag:s22] =	ssyncadd.s32 $0xFFFFC000  }
0xb2: {  	[spmem:s2] =	stream.indirect.scatter.add.f32 [tilespmem:s21], [sflag:$0x3], $0x80, s30, s19, $0xb8;
	[tilespmem:$0x1FC00] =	vst v63  }
0xb3: {  	_ =	swait.ge [sflag:s17], $0x4000  }
0xb4: {  	[sflag:s17] =	ssyncset.done $0x0  }
0xb5: {  	s0 =	sshll.u32 s26, $0x6;
	[sflag:s17] =	ssyncadd.s32 $0xFFFFC000  }
0xb6: {  	s0 =	sor.u32 $0x1C03, s0;
	[bflag:$0x0] =	sbarrier.arrive $0xFFFF  }
0xb7: {  	[hbm:s13], [sflag:s0] =	dma.local [spmem:s24], $0x2700  }
0xb8: {  	_ =	swait.ge [sflag:s17], $0x2700  }
0xb9: {  	s31 =	sadd.s32 $0x1, s31;
	[sflag:s17] =	ssyncset.done $0x0  }
0xba: {  	p1 =	sne.s32 s31, s15;
	[sflag:s17] =	ssyncadd.s32 $0xFFFFD900  }
0xbb: {  	[hbm:s14], [sflag:s0] =	dma.local @!p0 [spmem:s25], $0x100  }
.Ltmp3:
0xbc: {  	_ = 	snop;
	(pc) =	sbr.rel @p1 .LBB2_1-.Ltmp3, $4  }
0xbd: {  	s0 =	simm.s32 @!p0 $0x3  }
0xbe: {  	_ =	swait.ge @!p0 [sflag:s0], $0x100  }
0xbf: {  	[sflag:s0] =	ssyncset.done @!p0 $0x0  }
0xc0: {  	[sflag:s0] =	ssyncadd.s32 @!p0 $0xFFFFFF00  }
0xc1: {  	_ =	sfence.sel $0x180000  }
0xc2: {  	[bflag:$0x0] =	sbarrier.arrive $0xFFFF  }
0xc3: {  	_ =	strace $0x9000004A  }
0xc4: {  	[bflag:$0x2] =	sbarrier.arrive $0xFFFF  }
0xc5: {  	p0 =	sne.s32 s26, $0x0;
	s0 =	rddreg [dreg:$0x2]  }
0xc6: {  	s0 =	sadd.s32 @!p0 $0x100000, s0  }
0xc7: {  	[sflag:s0] =	ssyncadd.tile.s32 @!p0 $0x1;
	_ =	shalt  }
.Lfunc_end2:
_tile_overlayer_lowered:
.L_overlay_start_2:
0xc8: {  	(tag) =	ssettag $0x2  }
0xc9: {  	s0 =	rddreg [dreg:$0x0];
	s2 =	stileid.u32  }
0xca: {  	s1 =	rddreg [dreg:$0x1];
	p0 =	sne.s32 s2, $0x0  }
0xcb: {  	s3 =	rddreg [dreg:$0x2];
	[bflag:$0x3] =	sbarrier.arrive $0xFFFF;
	s2 =	simm.s32 @!p0 $0x1C03  }
0xcc: {  	[timem:s3], [sflag:s2] =	dma.local @!p0 [hbm:s0], s1  }
0xcd: {  	s0 =	simm.s32 @!p0 $0x3  }
0xce: {  	_ =	swait.ge @!p0 [sflag:s0], s1  }
0xcf: {  	s1 =	ssub.s32 @!p0 $0x0, s1;
	[sflag:s0] =	ssyncset.done @!p0 $0x0  }
0xd0: {  	[sflag:s0] =	ssyncadd.s32 @!p0 s1  }
0xd1: {  	[bflag:$0x3] =	sbarrier.arrive $0xFFFF  }
0xd2: {  	_ =	shalt  }

// kernel: kernel.15.cloned.1.call-start
scs
__scs_entry_jumppad:
0x0: {  	(pc) =	sbr.rel $0x88, $3  }
0x1: {  	(tag) =	ssettag $0x0;
	lr =	simm.s32 $0x1  }
0x2: {  	[smem:$0x3F91] =	sst lr;
	_ =	strace $0xD0000000  }
0x3: {  	_ = 	snop  }
0x4: {  	_ = 	snop  }
0x5: {  	_ = 	snop  }
0x6: {  	_ = 	snop  }
0x7: {  	_ = 	snop  }
__scs_overlays_trampoline_lowered:
0x8: {  	[smem:$0x3FA0] =	sst s0  }
0x9: {  	[smem:$0x3FA1] =	sst s1  }
0xa: {  	[smem:$0x3FA2] =	sst s2  }
0xb: {  	[smem:$0x3FA3] =	sst s3  }
0xc: {  	[smem:$0x3FA4] =	sst s4  }
0xd: {  	[smem:$0x3FA5] =	sst s5  }
0xe: {  	[smem:$0x3FA6] =	sst s6  }
0xf: {  	[smem:$0x3FA7] =	sst s7  }
0x10: {  	[smem:$0x3FA8] =	sst s8  }
0x11: {  	[smem:$0x3FA9] =	sst s9;
	s0 =	simm.s32 @!p0 $0x0  }
0x12: {  	s1 =	sld [smem:$0x3F8F];
	s0 =	simm.s32 @p0 $0x1  }
0x13: {  	[smem:$0x3FAA] =	sst s0;
	s0 =	simm.s32 @!p1 $0x0  }
0x14: {  	s2 =	sld [smem:$0x3F8E];
	s0 =	simm.s32 @p1 $0x1  }
0x15: {  	[smem:$0x3FAB] =	sst s0;
	s0 =	simm.s32 @!p2 $0x0  }
0x16: {  	s3 =	sld [smem:$0x3FDB];
	s0 =	simm.s32 @p2 $0x1  }
0x17: {  	s4 =	simm.s32 $0x1BF5;
	[smem:$0x3FAD] =	sst s0  }
0x18: {  	s0 =	sld [smem:$0x3F90];
	_ =	swait.ge [sflag:s4], $0x0  }
0x19: {  	s7 =	sld [smem:$0x3F91]  }
0x1a: {  	s8 =	sadd.s32 $0xFFFFE003, lr  }
0x1b: {  	s9 =	sadd.s32 $0xFFFFFEF7, lr;
	s5 =	simm.s32 $0xFFFFFFFF;
	p2 =	slt.u32 s8, $0xFFFFF086  }
0x1c: {  	p1 =	slt.u32 s9, $0xF7A;
	s5 =	simm.s32 @!p2 $0x0  }
0x1d: {  	s5 =	simm.s32 @p1 $0x1;
	p0 =	seq.s32 s7, s2  }
0x1e: {  	s7 =	smul.u32 @!p0 $0xF7A, s2;
	p2 =	seq.s32 @!p0 s5, $0x0  }
0x1f: {  	s9 =	smul.u32 $0xF7A, s1;
	s8 =	simm.s32 @!p0 $0x1BF5;
	p2 =	por !p2, p0  }
0x20: {  	[sflag:s8] =	ssyncset.s32 @!p0 $0xFFFFF086;
	s6 =	sadd.s32 @!p0 s3, s7;
	s7 =	simm.s32 @!p0 $0x108  }
0x21: {  	s3 =	sadd.s32 s3, s9;
	s6 =	sadd.s32 @!p0 $0x88, s6;
	s7 =	simm.s32 @p2 $0x1082  }
0x22: {  	[simem:s7], [sflag:s8] =	dma.local @!p0 [hbm:s6], $0xF7A  }
0x23: {  	s9 =	sor.u32 $0xD0000000, s2;
	s6 =	simm.s32 $0x108;
	_ =	swait.ge @!p0 [sflag:s8], $0x0  }
0x24: {  	s3 =	sadd.s32 $0x88, s3;
	s6 =	simm.s32 @!p1 $0x1082;
	[sflag:s4] =	ssyncset.s32 $0xFFFFF086  }
0x25: {  	[simem:s6], [sflag:s4] =	dma.local [hbm:s3], $0xF7A  }
0x26: {  	[smem:$0x3F91] =	sst s1;
	(tag) =	ssettag s2;
	_ =	strace s9  }
0x27: {  	s1 =	sld [smem:$0x3FA1]  }
0x28: {  	s2 =	sld [smem:$0x3FA2]  }
0x29: {  	s4 =	sld [smem:$0x3FA4]  }
0x2a: {  	p0 =	seq.s32 s5, $0x0;
	s5 =	sld [smem:$0x3FA5]  }
0x2b: {  	s6 =	sld [smem:$0x3FA6]  }
0x2c: {  	s7 =	sld [smem:$0x3FA7]  }
0x2d: {  	s3 =	simm.s32 $0x108;
	s8 =	sld [smem:$0x3FA8]  }
0x2e: {  	s3 =	simm.s32 @!p0 $0x1082;
	s9 =	sld [smem:$0x3FA9]  }
0x2f: {  	lr =	sadd.s32 s0, s3;
	s0 =	sld [smem:$0x3FA0]  }
0x30: {  	s3 =	sld [smem:$0x3FA3]  }
0x31: {  	[smem:$0x3FAC] =	sst s10  }
0x32: {  	s10 =	sld [smem:$0x3FAA];
	_ =	sdelay $0x3  }
0x33: {  	p0 =	seq.s32 s10, $0x1;
	s10 =	sld [smem:$0x3FAC];
	_ =	sdelay $0x3  }
0x34: {  	[smem:$0x3FAC] =	sst s10  }
0x35: {  	s10 =	sld [smem:$0x3FAB];
	_ =	sdelay $0x3  }
0x36: {  	p1 =	seq.s32 s10, $0x1;
	s10 =	sld [smem:$0x3FAC];
	_ =	sdelay $0x3  }
0x37: {  	[smem:$0x3FAC] =	sst s10  }
0x38: {  	s10 =	sld [smem:$0x3FAD]  }
0x39: {  	_ = 	snop;
	(pc) =	sbr.ind lr, $3  }
0x3a: {  	_ = 	snop  }
0x3b: {  	_ = 	snop  }
0x3c: {  	p2 =	seq.s32 s10, $0x1;
	s10 =	sld [smem:$0x3FAC]  }
0x3d: {  	_ =	shalt  }
0x3e: {  	_ =	shalt  }
0x3f: {  	_ =	shalt  }
0x40: {  	_ =	shalt  }
0x41: {  	_ =	shalt  }
0x42: {  	_ =	shalt  }
0x43: {  	_ =	shalt  }
0x44: {  	_ =	shalt  }
0x45: {  	_ =	shalt  }
0x46: {  	_ =	shalt  }
0x47: {  	_ =	shalt  }
0x48: {  	_ =	shalt  }
0x49: {  	_ =	shalt  }
0x4a: {  	_ =	shalt  }
0x4b: {  	_ =	shalt  }
0x4c: {  	_ =	shalt  }
0x4d: {  	_ =	shalt  }
0x4e: {  	_ =	shalt  }
0x4f: {  	_ =	shalt  }
0x50: {  	_ =	shalt  }
0x51: {  	_ =	shalt  }
0x52: {  	_ =	shalt  }
0x53: {  	_ =	shalt  }
0x54: {  	_ =	shalt  }
0x55: {  	_ =	shalt  }
0x56: {  	_ =	shalt  }
0x57: {  	_ =	shalt  }
0x58: {  	_ =	shalt  }
0x59: {  	_ =	shalt  }
0x5a: {  	_ =	shalt  }
0x5b: {  	_ =	shalt  }
0x5c: {  	_ =	shalt  }
0x5d: {  	_ =	shalt  }
0x5e: {  	_ =	shalt  }
0x5f: {  	_ =	shalt  }
0x60: {  	_ =	shalt  }
0x61: {  	_ =	shalt  }
0x62: {  	_ =	shalt  }
0x63: {  	_ =	shalt  }
0x64: {  	_ =	shalt  }
0x65: {  	_ =	shalt  }
0x66: {  	_ =	shalt  }
0x67: {  	_ =	shalt  }
0x68: {  	_ =	shalt  }
0x69: {  	_ =	shalt  }
0x6a: {  	_ =	shalt  }
0x6b: {  	_ =	shalt  }
0x6c: {  	_ =	shalt  }
0x6d: {  	_ =	shalt  }
0x6e: {  	_ =	shalt  }
0x6f: {  	_ =	shalt  }
0x70: {  	_ =	shalt  }
0x71: {  	_ =	shalt  }
0x72: {  	_ =	shalt  }
0x73: {  	_ =	shalt  }
0x74: {  	_ =	shalt  }
0x75: {  	_ =	shalt  }
0x76: {  	_ =	shalt  }
0x77: {  	_ =	shalt  }
0x78: {  	_ =	shalt  }
0x79: {  	_ =	shalt  }
0x7a: {  	_ =	shalt  }
0x7b: {  	_ =	shalt  }
0x7c: {  	_ =	shalt  }
0x7d: {  	_ =	shalt  }
0x7e: {  	_ =	shalt  }
0x7f: {  	_ =	shalt  }
0x80: {  	_ =	shalt  }
0x81: {  	_ =	shalt  }
0x82: {  	_ =	shalt  }
0x83: {  	_ =	shalt  }
0x84: {  	_ =	shalt  }
0x85: {  	_ =	shalt  }
0x86: {  	_ =	shalt  }
0x87: {  	_ =	shalt  }
.Lfunc_end0:
.L_simem_size_0:
called_computation.2_lowered:
.L_overlay_start_0:
0x88: {  	s2 =	sld [smem:$0x3FD9]  }
0x89: {  	s3 =	sld [smem:$0x3FFE];
	_ =	sdelay $0x1  }
0x8a: {  	s1 =	srdreg.scid  }
0x8b: {  	s0 =	sand.u32 $0x1, s1  }
0x8c: {  	s16 =	sshll.u32 s0, $0xA;
	s2 =	sadd.s32 s3, s2  }
0x8d: {  	s2 =	sadd.s32 s2, s16  }
0x8e: {  	[smem:$0x3FB8] =	sst s2  }
0x8f: {  	_ = 	snop  }
0x90: {  	(tm) =	ssettm $0x1  }
0x91: {  	s17 =	sld [smem:$0x3FFB];
	_ =	sdelay $0x3  }
0x92: {  	_ =	strace s17  }
0x93: {  	s2 =	sld [smem:$0x3FFC];
	_ =	sdelay $0x3  }
0x94: {  	_ =	strace s2  }
0x95: {  	s2 =	sld [smem:$0x3FFD];
	_ =	sdelay $0x3  }
0x96: {  	_ =	strace s2  }
0x97: {  	_ =	strace $0x8FFFFFFF  }
0x98: {  	s18 =	sld [smem:$0x3FDB];
	_ =	sdelay $0x1  }
0x99: {  	s19 =	simm.s32 $_scs_section_size  }
0x9a: {  	s4 =	simm.s32 $_size__tile_overlayer_lowered;
	s5 =	simm.s32 $_tile_overlayer_lowered  }
0x9b: {  	s22 =	simm.s32 $0x1BFF;
	s21 =	sshll.u32 s5, $0x1;
	s2 =	sadd.s32 s19, s18  }
0x9c: {  	s6 =	simm.s32 $0x0;
	s20 =	sshll.u32 s4, $0x1;
	s4 =	sadd.s32 s21, s2  }
0x9d: {  	[timem:s6], [sflag:s22] =	dma.local [hbm:s4], s20  }
0x9e: {  	_ =	swait.ge [sflag:s22], s20  }
0x9f: {  	s3 =	ssub.s32 $0x0, s20;
	[sflag:s22] =	ssyncset.done $0x0  }
0xa0: {  	[sflag:s22] =	ssyncadd.s32 s3;
	_ =	sdelay $0x1  }
0xa1: {  	s23 =	simm.s32 $0x1B8B  }
0xa2: {  	_ =	swait.ge [sflag:s23], $0x1  }
0xa3: {  	[sflag:s23] =	ssyncset.done $0x0  }
0xa4: {  	s25 =	simm.s32 $0x1B8E;
	s24 =	sld [smem:$0x3FFE];
	[sflag:s23] =	ssyncadd.s32 $0xFFFFFFFF  }
0xa5: {  	s26 =	simm.s32 $execute0_lowered;
	[smem:$0x3FD2] =	sst s25  }
0xa6: {  	s4 =	sshll.u32 s26, $0x1;
	_ =	strace $0x8000004C;
	[dreg:$0x1] =	wrdreg $0xFFFFFFFF  }
0xa7: {  	s28 =	simm.s32 $_size_execute0_lowered;
	s2 =	sadd.s32 s2, s4;
	[dreg:$0x0] =	wrdreg $0x0  }
0xa8: {  	s4 =	sshll.u32 s28, $0x1;
	[dreg:$0x2] =	wrdreg s2  }
0xa9: {  	[dreg:$0x3] =	wrdreg s4  }
0xaa: {  	[dreg:$0x4] =	wrdreg $0xC0  }
0xab: {  	_ =	task [dreg:s6], $0x5FFFF  }
0xac: {  	[dreg:$0x1] =	wrdreg $0xFFFFFFFF  }
0xad: {  	[dreg:$0x0] =	wrdreg $0x60  }
0xae: {  	[dreg:$0x2] =	wrdreg s24  }
0xaf: {  	[dreg:$0x3] =	wrdreg $0xBC000  }
0xb0: {  	[dreg:$0x4] =	wrdreg $0x9  }
0xb1: {  	_ =	task.clear_ibuf [dreg:s6], $0x5FFFF;
	_ =	strace $0x9000004C  }
0xb2: {  	s29 =	simm.s32 $0x9;
	_ =	strace $0x8000004E  }
0xb3: {  	_ =	swait.ge [sflag:s29], $0x1  }
0xb4: {  	[sflag:s29] =	ssyncadd.s32 $0xFFFFFFFF  }
0xb5: {  	_ =	strace $0x9000004E  }
0xb6: {  	_ =	sfence  }
0xb7: {  	s30 =	sld [smem:$0x0];
	_ =	sdelay $0x2  }
0xb8: {  	s31 =	sshll.u32 s1, $0xD;
	s1 =	sshrl.u32 s1, $0x2  }
0xb9: {  	s3 =	sand.u32 $0x4000, s31;
	s1 =	sadd.s32 s1, s30  }
0xba: {  	s0 =	sor.u32 s3, s0;
	s1 =	sshll.u32 s1, $0x11  }
0xbb: {  	s0 =	sor.u32 s1, s0  }
0xbc: {  	s0 =	sadd.s32 $0x8F2B, s0  }
0xbd: {  	[sflag:s0] =	ssyncadd.remote.s32 $0x1  }
0xbe: {  	_ =	sfence.sel $0xFFFF  }
0xbf: {  	[dreg:$0x0] =	wrdreg $0xFFFFFFFF;
	(pc) =	sbr.abs _section_cstart, $3  }
0xc0: {  	[dreg:$0x1] =	wrdreg $0xFFFFFFFF  }
0xc1: {  	_ =	task.clear_ibuf [dreg:s6], $0x2FFFF;
	_ =	strace $0x9FFFFFFF  }
0xc2: {  	(tm) =	ssettm $0x7FFFFFFF  }
0xc3: {  	_ =	shalt  }
tec
execute0_lowered:
.L_overlay_start_1:
0x0: {  	(tag) =	ssettag $0x1  }
0x1: {  	s1 =	rddreg [dreg:$0x0];
	s3 =	srdreg.scid  }
0x2: {  	s0 =	stileid.u32;
	s2 =	rddreg [dreg:$0x1];
	s19 =	simm.s32 $0x80  }
0x3: {  	s20 =	simm.s32 $0x1;
	s21 =	simm.s32 $0x7C00;
	s22 =	simm.s32 $0x2  }
0x4: {  	s23 =	simm.s32 $0x1380;
	s26 =	stileid.u32;
	s28 =	simm.s32 $0x2780  }
0x5: {  	s29 =	simm.s32 $0x3B00;
	s30 =	simm.s32 $0x3B80;
	s6 =	smul.u32 $0x50000, s0  }
0x6: {  	s31 =	simm.s32 $0x0;
	s8 =	sand.u32 $0x1, s3;
	s14 =	smul.u32 $0x13800, s0  }
0x7: {  	s4 =	sshll.u32 s0, $0x1;
	s3 =	simm.s32 $0x0;
	s16 =	smul.u32 $0x4E000, s0  }
0x8: {  	s18 =	sadd.s32 $0x138000, s2;
	p0 =	sne.s32 s0, $0xF;
	s4 =	sor.u32 s8, s4  }
0x9: {  	[smem:$0x7FF] =	sst s3;
	s7 =	ssub.s32 $0x2, s8;
	s13 =	smul.u32 $0x138800, s8  }
0xa: {  	s5 =	smul.u32 $0x2800, s4;
	_ =	strace $0x8000004D;
	s4 =	sadd.s32 $0x66800, s1  }
0xb: {  	s24 =	sshrl.u32 s7, $0x1;
	s6 =	sshrl.u32 s6, $0x2;
	s16 =	sshrl.u32 s16, $0x2  }
0xc: {  	s15 =	ssub.s32 s7, s24;
	s14 =	sadd.s32 s14, s13;
	s13 =	sshrl.u32 s13, $0x3  }
0xd: {  	s25 =	sadd.s32 s16, s2;
	s16 =	simm.s32 $0x3C00;
	s5 =	sshrl.u32 s5, $0x3  }
0xe: {  	s14 =	sshrl.u32 s14, $0x3;
	s15 =	smax.u32 s15, $0x1;
	s24 =	sshrl.u32 s25, $0x3  }
0xf: {  	s25 =	sshrl.u32 @!p0 s18, $0x3;
	s12 =	sadd.s32 s5, s1;
	s5 =	sadd.s32 s6, s2  }
0x10: {  	s1 =	sadd.s32 $0x8DA00, s1;
	s6 =	sadd.s32 $0x4000, s5;
	s7 =	sadd.s32 $0x8000, s5  }
0x11: {  	s8 =	sadd.s32 $0xC000, s5;
	s9 =	sadd.s32 $0x10000, s5;
	s10 =	sadd.s32 $0xE600, s12  }
0x12: {  	s11 =	sadd.s32 $0x4600, s12;
	s12 =	sadd.s32 $0x4880, s12;
	s17 =	sadd.s32 s1, s13  }
0x13: {  	v0 =	vimm.f32 $0.0e+00;
	s13 =	sadd.s32 s1, s14;
	s14 =	sadd.s32 $0x27000, s17;
	s17 =	simm.s32 $0x3  }
.LBB2_1:
0x14: {  	s1 =	simm.s32 $0x0;
	s18 =	simm.s32 $0x200  }
.LBB2_2:
0x15: {  	p1 =	sne.s32 s18, $0xFE00;
	[tilespmem:s1+$0x3C70] =	vst v0  }
0x16: {  	[tilespmem:s1+$0x3C00] =	vst v0  }
0x17: {  	[tilespmem:s1+$0x3C10] =	vst v0  }
.Ltmp0:
0x18: {  	[tilespmem:s1+$0x3C20] =	vst v0;
	(pc) =	sbr.rel @p1 .LBB2_2-.Ltmp0, $4  }
0x19: {  	[tilespmem:s1+$0x3C30] =	vst v0  }
0x1a: {  	[tilespmem:s1+$0x3C40] =	vst v0  }
0x1b: {  	[tilespmem:s1+$0x3C50] =	vst v0  }
0x1c: {  	[tilespmem:s1+$0x3C60] =	vst v0;
	s1 =	sshra.s32 s18, $0x2;
	s18 =	sadd.s32 $0x200, s18  }
0x1d: {  	[tilespmem:s1+$0x3C70] =	vst v0  }
0x1e: {  	[tilespmem:s1+$0x3C00] =	vst v0  }
0x1f: {  	[tilespmem:s1+$0x3C10] =	vst v0  }
0x20: {  	[tilespmem:s1+$0x3C20] =	vst v0  }
0x21: {  	[tilespmem:s1+$0x3C30] =	vst v0  }
0x22: {  	[tilespmem:s1+$0x3C40] =	vst v0  }
0x23: {  	[tilespmem:s1+$0x3C50] =	vst v0  }
0x24: {  	[tilespmem:s1+$0x3C60] =	vst v0  }
0x25: {  	[spmem:s5] =	stream.linear.scatter [tilespmem:s16], [sflag:$0x3], $0x4000, $0x38;
	[tilespmem:$0x1FC00] =	vst v63  }
0x26: {  	_ =	swait.ge [sflag:s17], $0x4000  }
0x27: {  	[sflag:s17] =	ssyncset.done $0x0  }
0x28: {  	[sflag:s17] =	ssyncadd.s32 $0xFFFFC000  }
0x29: {  	[spmem:s6] =	stream.linear.scatter [tilespmem:s16], [sflag:$0x3], $0x4000, $0x38;
	[tilespmem:$0x1FC00] =	vst v63  }
0x2a: {  	_ =	swait.ge [sflag:s17], $0x4000  }
0x2b: {  	[sflag:s17] =	ssyncset.done $0x0  }
0x2c: {  	[sflag:s17] =	ssyncadd.s32 $0xFFFFC000  }
0x2d: {  	[spmem:s7] =	stream.linear.scatter [tilespmem:s16], [sflag:$0x3], $0x4000, $0x38;
	[tilespmem:$0x1FC00] =	vst v63  }
0x2e: {  	_ =	swait.ge [sflag:s17], $0x4000  }
0x2f: {  	[sflag:s17] =	ssyncset.done $0x0  }
0x30: {  	[sflag:s17] =	ssyncadd.s32 $0xFFFFC000  }
0x31: {  	[spmem:s8] =	stream.linear.scatter [tilespmem:s16], [sflag:$0x3], $0x4000, $0x38;
	[tilespmem:$0x1FC00] =	vst v63  }
0x32: {  	_ =	swait.ge [sflag:s17], $0x4000  }
0x33: {  	[sflag:s17] =	ssyncset.done $0x0  }
0x34: {  	[sflag:s17] =	ssyncadd.s32 $0xFFFFC000  }
0x35: {  	[spmem:s9] =	stream.linear.scatter [tilespmem:s16], [sflag:$0x3], $0x4000, $0x38;
	[tilespmem:$0x1FC00] =	vst v63  }
0x36: {  	_ =	swait.ge [sflag:s17], $0x4000  }
0x37: {  	[sflag:s17] =	ssyncset.done $0x0  }
0x38: {  	s18 =	simm.s32 $0x0;
	s0 =	simm.s32 $0x1400;
	[sflag:s17] =	ssyncadd.s32 $0xFFFFC000  }
0x39: {  	[tilespmem:s0], [sflag:$0x3] =	stream.linear.gather [hbm4b:s10+s18], $0x2800, $0x38;
	[tilespmem:$0x1FC00] =	vst v63  }
0x3a: {  	_ =	swait.ge [sflag:s17], $0x2800  }
0x3b: {  	[sflag:s17] =	ssyncset.done $0x0  }
0x3c: {  	[sflag:s17] =	ssyncadd.s32 $0xFFFFD800  }
0x3d: {  	[tilespmem:s18], [sflag:$0x3] =	stream.linear.gather [hbm4b:s11+s18], $0x1400, $0x38;
	[tilespmem:$0x1FC00] =	vst v63  }
0x3e: {  	_ =	swait.ge [sflag:s17], $0x1400  }
0x3f: {  	[sflag:s17] =	ssyncset.done $0x0  }
0x40: {  	[sflag:s17] =	ssyncadd.s32 $0xFFFFEC00  }
0x41: {  	[bflag:$0x0] =	sbarrier.arrive $0xFFFF  }
0x42: {  	[tilespmem:s16], [sflag:$0x1] =	stream.indirect.gather [hbm4b:s4+s19], $0x80, s18, s19, $0xb8;
	[tilespmem:$0x1FC00] =	vst v63  }
0x43: {  	_ =	swait.ge [sflag:s20], $0x4000  }
0x44: {  	[sflag:s20] =	ssyncset.done $0x0  }
0x45: {  	s0 =	simm.s32 $0x80;
	[sflag:s20] =	ssyncadd.s32 $0xFFFFC000  }
0x46: {  	[tilespmem:s21], [sflag:$0x2] =	stream.indirect.gather [hbm4b:s4+s19], $0x80, s0, s19, $0xb8;
	[tilespmem:$0x1FC00] =	vst v63  }
0x47: {  	s18 =	simm.s32 $0x1400  }
0x48: {  	[spmem:s2] =	stream.indirect.scatter.add.f32 [tilespmem:s16], [sflag:$0x3], $0x80, s18, s19, $0xb8;
	[tilespmem:$0x1FC00] =	vst v63  }
0x49: {  	_ =	swait.ge [sflag:s17], $0x4000  }
0x4a: {  	[sflag:s17] =	ssyncset.done $0x0  }
0x4b: {  	[sflag:s17] =	ssyncadd.s32 $0xFFFFC000  }
0x4c: {  	_ =	swait.ge [sflag:s22], $0x4000  }
0x4d: {  	[sflag:s22] =	ssyncset.done $0x0  }
0x4e: {  	s0 =	simm.s32 $0x100;
	[sflag:s22] =	ssyncadd.s32 $0xFFFFC000  }
0x4f: {  	[tilespmem:s16], [sflag:$0x1] =	stream.indirect.gather [hbm4b:s4+s19], $0x80, s0, s19, $0xb8;
	[tilespmem:$0x1FC00] =	vst v63  }
0x50: {  	s18 =	simm.s32 $0x1480  }
0x51: {  	[spmem:s2] =	stream.indirect.scatter.add.f32 [tilespmem:s21], [sflag:$0x3], $0x80, s18, s19, $0xb8;
	[tilespmem:$0x1FC00] =	vst v63  }
0x52: {  	_ =	swait.ge [sflag:s17], $0x4000  }
0x53: {  	s1 =	simm.s32 $0x400;
	[sflag:s17] =	ssyncset.done $0x0  }
.LBB2_4:
0x54: {  	p1 =	sne.s32 s1, $0x4800  }
0x55: {  	[sflag:s17] =	ssyncadd.s32 $0xFFFFC000;
	s18 =	smov.u32 s1;
	s1 =	sadd.s32 $0x400, s1  }
0x56: {  	_ = 	snop  }
0x57: {  	_ =	swait.ge [sflag:s20], $0x4000  }
0x58: {  	s18 =	sshra.s32 s18, $0x2;
	[sflag:s20] =	ssyncset.done $0x0  }
0x59: {  	s0 =	sadd.s32 $0x80, s18;
	[sflag:s20] =	ssyncadd.s32 $0xFFFFC000  }
0x5a: {  	[tilespmem:s21], [sflag:$0x2] =	stream.indirect.gather [hbm4b:s4+s19], $0x80, s0, s19, $0xb8;
	[tilespmem:$0x1FC00] =	vst v63  }
0x5b: {  	s0 =	sadd.s32 $0x1400, s18  }
0x5c: {  	[spmem:s2] =	stream.indirect.scatter.add.f32 [tilespmem:s16], [sflag:$0x3], $0x80, s0, s19, $0xb8;
	[tilespmem:$0x1FC00] =	vst v63  }
0x5d: {  	_ =	swait.ge [sflag:s17], $0x4000  }
0x5e: {  	[sflag:s17] =	ssyncset.done $0x0  }
0x5f: {  	[sflag:s17] =	ssyncadd.s32 $0xFFFFC000  }
0x60: {  	_ =	swait.ge [sflag:s22], $0x4000  }
0x61: {  	[sflag:s22] =	ssyncset.done $0x0  }
0x62: {  	s0 =	sadd.s32 $0x100, s18;
	[sflag:s22] =	ssyncadd.s32 $0xFFFFC000  }
0x63: {  	[tilespmem:s16], [sflag:$0x1] =	stream.indirect.gather [hbm4b:s4+s19], $0x80, s0, s19, $0xb8;
	[tilespmem:$0x1FC00] =	vst v63  }
.Ltmp1:
0x64: {  	_ = 	snop;
	(pc) =	sbr.rel @p1 .LBB2_4-.Ltmp1, $4  }
0x65: {  	s0 =	sadd.s32 $0x1480, s18  }
0x66: {  	[spmem:s2] =	stream.indirect.scatter.add.f32 [tilespmem:s21], [sflag:$0x3], $0x80, s0, s19, $0xb8;
	[tilespmem:$0x1FC00] =	vst v63  }
0x67: {  	_ =	swait.ge [sflag:s17], $0x4000  }
0x68: {  	[sflag:s17] =	ssyncset.done $0x0  }
0x69: {  	[sflag:s17] =	ssyncadd.s32 $0xFFFFC000  }
0x6a: {  	_ =	swait.ge [sflag:s20], $0x4000  }
0x6b: {  	[sflag:s20] =	ssyncset.done $0x0  }
0x6c: {  	[sflag:s20] =	ssyncadd.s32 $0xFFFFC000  }
0x6d: {  	[tilespmem:s21], [sflag:$0x2] =	stream.indirect.gather [hbm4b:s4+s19], $0x80, s23, s19, $0xb8;
	[tilespmem:$0x1FC00] =	vst v63  }
0x6e: {  	s0 =	simm.s32 $0x2700  }
0x6f: {  	[spmem:s2] =	stream.indirect.scatter.add.f32 [tilespmem:s16], [sflag:$0x3], $0x80, s0, s19, $0xb8;
	[tilespmem:$0x1FC00] =	vst v63  }
0x70: {  	_ =	swait.ge [sflag:s17], $0x4000  }
0x71: {  	[sflag:s17] =	ssyncset.done $0x0  }
0x72: {  	[sflag:s17] =	ssyncadd.s32 $0xFFFFC000  }
0x73: {  	_ =	swait.ge [sflag:s22], $0x4000  }
0x74: {  	[sflag:s22] =	ssyncset.done $0x0  }
0x75: {  	[sflag:s22] =	ssyncadd.s32 $0xFFFFC000  }
0x76: {  	[spmem:s2] =	stream.indirect.scatter.add.f32 [tilespmem:s21], [sflag:$0x3], $0x80, s28, s19, $0xb8;
	[tilespmem:$0x1FC00] =	vst v63  }
0x77: {  	_ =	swait.ge [sflag:s17], $0x4000  }
0x78: {  	[sflag:s17] =	ssyncset.done $0x0  }
0x79: {  	[sflag:s17] =	ssyncadd.s32 $0xFFFFC000  }
0x7a: {  	[tilespmem:s3], [sflag:$0x3] =	stream.linear.gather [hbm4b:s12+s3], $0x1400, $0x38;
	[tilespmem:$0x1FC00] =	vst v63  }
0x7b: {  	_ =	swait.ge [sflag:s17], $0x1400  }
0x7c: {  	[sflag:s17] =	ssyncset.done $0x0  }
0x7d: {  	[sflag:s17] =	ssyncadd.s32 $0xFFFFEC00  }
0x7e: {  	[tilespmem:s16], [sflag:$0x1] =	stream.indirect.gather [hbm4b:s4+s19], $0x80, s3, s19, $0xb8;
	[tilespmem:$0x1FC00] =	vst v63  }
0x7f: {  	_ =	swait.ge [sflag:s20], $0x4000  }
0x80: {  	[sflag:s20] =	ssyncset.done $0x0  }
0x81: {  	s1 =	simm.s32 $0x80;
	[sflag:s20] =	ssyncadd.s32 $0xFFFFC000  }
0x82: {  	[tilespmem:s21], [sflag:$0x2] =	stream.indirect.gather [hbm4b:s4+s19], $0x80, s1, s19, $0xb8;
	[tilespmem:$0x1FC00] =	vst v63  }
0x83: {  	s18 =	simm.s32 $0x2800  }
0x84: {  	[spmem:s2] =	stream.indirect.scatter.add.f32 [tilespmem:s16], [sflag:$0x3], $0x80, s18, s19, $0xb8;
	[tilespmem:$0x1FC00] =	vst v63  }
0x85: {  	_ =	swait.ge [sflag:s17], $0x4000  }
0x86: {  	[sflag:s17] =	ssyncset.done $0x0  }
0x87: {  	[sflag:s17] =	ssyncadd.s32 $0xFFFFC000  }
0x88: {  	_ =	swait.ge [sflag:s22], $0x4000  }
0x89: {  	[sflag:s22] =	ssyncset.done $0x0  }
0x8a: {  	s1 =	simm.s32 $0x100;
	[sflag:s22] =	ssyncadd.s32 $0xFFFFC000  }
0x8b: {  	[tilespmem:s16], [sflag:$0x1] =	stream.indirect.gather [hbm4b:s4+s19], $0x80, s1, s19, $0xb8;
	[tilespmem:$0x1FC00] =	vst v63  }
0x8c: {  	s18 =	simm.s32 $0x2880  }
0x8d: {  	[spmem:s2] =	stream.indirect.scatter.add.f32 [tilespmem:s21], [sflag:$0x3], $0x80, s18, s19, $0xb8;
	[tilespmem:$0x1FC00] =	vst v63  }
0x8e: {  	_ =	swait.ge [sflag:s17], $0x4000  }
0x8f: {  	s1 =	simm.s32 $0xFFFFB800;
	[sflag:s17] =	ssyncset.done $0x0  }
.LBB2_6:
0x90: {  	p1 =	sne.s32 s1, $0xFFFFFC00  }
0x91: {  	[sflag:s17] =	ssyncadd.s32 $0xFFFFC000;
	s0 =	smov.u32 s1;
	s1 =	sadd.s32 $0x400, s1  }
0x92: {  	_ = 	snop  }
0x93: {  	_ =	swait.ge [sflag:s20], $0x4000  }
0x94: {  	s0 =	sshra.s32 s0, $0x2;
	[sflag:s20] =	ssyncset.done $0x0  }
0x95: {  	s18 =	sadd.s32 $0x1380, s0;
	[sflag:s20] =	ssyncadd.s32 $0xFFFFC000  }
0x96: {  	[tilespmem:s21], [sflag:$0x2] =	stream.indirect.gather [hbm4b:s4+s19], $0x80, s18, s19, $0xb8;
	[tilespmem:$0x1FC00] =	vst v63  }
0x97: {  	s18 =	sadd.s32 $0x3B00, s0  }
0x98: {  	[spmem:s2] =	stream.indirect.scatter.add.f32 [tilespmem:s16], [sflag:$0x3], $0x80, s18, s19, $0xb8;
	[tilespmem:$0x1FC00] =	vst v63  }
0x99: {  	_ =	swait.ge [sflag:s17], $0x4000  }
0x9a: {  	[sflag:s17] =	ssyncset.done $0x0  }
0x9b: {  	[sflag:s17] =	ssyncadd.s32 $0xFFFFC000  }
0x9c: {  	_ =	swait.ge [sflag:s22], $0x4000  }
0x9d: {  	[sflag:s22] =	ssyncset.done $0x0  }
0x9e: {  	s18 =	sadd.s32 $0x1400, s0;
	[sflag:s22] =	ssyncadd.s32 $0xFFFFC000  }
0x9f: {  	[tilespmem:s16], [sflag:$0x1] =	stream.indirect.gather [hbm4b:s4+s19], $0x80, s18, s19, $0xb8;
	[tilespmem:$0x1FC00] =	vst v63  }
.Ltmp2:
0xa0: {  	_ = 	snop;
	(pc) =	sbr.rel @p1 .LBB2_6-.Ltmp2, $4  }
0xa1: {  	s0 =	sadd.s32 $0x3B80, s0  }
0xa2: {  	[spmem:s2] =	stream.indirect.scatter.add.f32 [tilespmem:s21], [sflag:$0x3], $0x80, s0, s19, $0xb8;
	[tilespmem:$0x1FC00] =	vst v63  }
0xa3: {  	_ =	swait.ge [sflag:s17], $0x4000  }
0xa4: {  	[sflag:s17] =	ssyncset.done $0x0  }
0xa5: {  	[sflag:s17] =	ssyncadd.s32 $0xFFFFC000  }
0xa6: {  	_ =	swait.ge [sflag:s20], $0x4000  }
0xa7: {  	[sflag:s20] =	ssyncset.done $0x0  }
0xa8: {  	[sflag:s20] =	ssyncadd.s32 $0xFFFFC000  }
0xa9: {  	[tilespmem:s21], [sflag:$0x2] =	stream.indirect.gather [hbm4b:s4+s19], $0x80, s23, s19, $0xb8;
	[tilespmem:$0x1FC00] =	vst v63  }
0xaa: {  	_ = 	snop  }
0xab: {  	[spmem:s2] =	stream.indirect.scatter.add.f32 [tilespmem:s16], [sflag:$0x3], $0x80, s29, s19, $0xb8;
	[tilespmem:$0x1FC00] =	vst v63  }
0xac: {  	_ =	swait.ge [sflag:s17], $0x4000  }
0xad: {  	[sflag:s17] =	ssyncset.done $0x0  }
0xae: {  	[sflag:s17] =	ssyncadd.s32 $0xFFFFC000  }
0xaf: {  	_ =	swait.ge [sflag:s22], $0x4000  }
0xb0: {  	[sflag:s22] =	ssyncset.done $0x0  }
0xb1: {  	[sflag:s22] =	ssyncadd.s32 $0xFFFFC000  }
0xb2: {  	[spmem:s2] =	stream.indirect.scatter.add.f32 [tilespmem:s21], [sflag:$0x3], $0x80, s30, s19, $0xb8;
	[tilespmem:$0x1FC00] =	vst v63  }
0xb3: {  	_ =	swait.ge [sflag:s17], $0x4000  }
0xb4: {  	[sflag:s17] =	ssyncset.done $0x0  }
0xb5: {  	s0 =	sshll.u32 s26, $0x6;
	[sflag:s17] =	ssyncadd.s32 $0xFFFFC000  }
0xb6: {  	s0 =	sor.u32 $0x1C03, s0;
	[bflag:$0x0] =	sbarrier.arrive $0xFFFF  }
0xb7: {  	[hbm:s13], [sflag:s0] =	dma.local [spmem:s24], $0x2700  }
0xb8: {  	_ =	swait.ge [sflag:s17], $0x2700  }
0xb9: {  	s31 =	sadd.s32 $0x1, s31;
	[sflag:s17] =	ssyncset.done $0x0  }
0xba: {  	p1 =	sne.s32 s31, s15;
	[sflag:s17] =	ssyncadd.s32 $0xFFFFD900  }
0xbb: {  	[hbm:s14], [sflag:s0] =	dma.local @!p0 [spmem:s25], $0x100  }
.Ltmp3:
0xbc: {  	_ = 	snop;
	(pc) =	sbr.rel @p1 .LBB2_1-.Ltmp3, $4  }
0xbd: {  	s0 =	simm.s32 @!p0 $0x3  }
0xbe: {  	_ =	swait.ge @!p0 [sflag:s0], $0x100  }
0xbf: {  	[sflag:s0] =	ssyncset.done @!p0 $0x0  }
0xc0: {  	[sflag:s0] =	ssyncadd.s32 @!p0 $0xFFFFFF00  }
0xc1: {  	_ =	sfence.sel $0x180000  }
0xc2: {  	[bflag:$0x0] =	sbarrier.arrive $0xFFFF  }
0xc3: {  	_ =	strace $0x9000004D  }
0xc4: {  	[bflag:$0x2] =	sbarrier.arrive $0xFFFF  }
0xc5: {  	p0 =	sne.s32 s26, $0x0;
	s0 =	rddreg [dreg:$0x2]  }
0xc6: {  	s0 =	sadd.s32 @!p0 $0x100000, s0  }
0xc7: {  	[sflag:s0] =	ssyncadd.tile.s32 @!p0 $0x1;
	_ =	shalt  }
.Lfunc_end2:
_tile_overlayer_lowered:
.L_overlay_start_2:
0xc8: {  	(tag) =	ssettag $0x2  }
0xc9: {  	s0 =	rddreg [dreg:$0x0];
	s2 =	stileid.u32  }
0xca: {  	s1 =	rddreg [dreg:$0x1];
	p0 =	sne.s32 s2, $0x0  }
0xcb: {  	s3 =	rddreg [dreg:$0x2];
	[bflag:$0x3] =	sbarrier.arrive $0xFFFF;
	s2 =	simm.s32 @!p0 $0x1C03  }
0xcc: {  	[timem:s3], [sflag:s2] =	dma.local @!p0 [hbm:s0], s1  }
0xcd: {  	s0 =	simm.s32 @!p0 $0x3  }
0xce: {  	_ =	swait.ge @!p0 [sflag:s0], s1  }
0xcf: {  	s1 =	ssub.s32 @!p0 $0x0, s1;
	[sflag:s0] =	ssyncset.done @!p0 $0x0  }
0xd0: {  	[sflag:s0] =	ssyncadd.s32 @!p0 s1  }
0xd1: {  	[bflag:$0x3] =	sbarrier.arrive $0xFFFF  }
0xd2: {  	_ =	shalt  }

// kernel: kernel.9.cloned.1.call-start
scs
__scs_entry_jumppad:
0x0: {  	(pc) =	sbr.rel $0x88, $3  }
0x1: {  	(tag) =	ssettag $0x0;
	lr =	simm.s32 $0x1  }
0x2: {  	[smem:$0x3F91] =	sst lr;
	_ =	strace $0xD0000000  }
0x3: {  	_ = 	snop  }
0x4: {  	_ = 	snop  }
0x5: {  	_ = 	snop  }
0x6: {  	_ = 	snop  }
0x7: {  	_ = 	snop  }
__scs_overlays_trampoline_lowered:
0x8: {  	[smem:$0x3FA0] =	sst s0  }
0x9: {  	[smem:$0x3FA1] =	sst s1  }
0xa: {  	[smem:$0x3FA2] =	sst s2  }
0xb: {  	[smem:$0x3FA3] =	sst s3  }
0xc: {  	[smem:$0x3FA4] =	sst s4  }
0xd: {  	[smem:$0x3FA5] =	sst s5  }
0xe: {  	[smem:$0x3FA6] =	sst s6  }
0xf: {  	[smem:$0x3FA7] =	sst s7  }
0x10: {  	[smem:$0x3FA8] =	sst s8  }
0x11: {  	[smem:$0x3FA9] =	sst s9;
	s0 =	simm.s32 @!p0 $0x0  }
0x12: {  	s1 =	sld [smem:$0x3F8F];
	s0 =	simm.s32 @p0 $0x1  }
0x13: {  	[smem:$0x3FAA] =	sst s0;
	s0 =	simm.s32 @!p1 $0x0  }
0x14: {  	s2 =	sld [smem:$0x3F8E];
	s0 =	simm.s32 @p1 $0x1  }
0x15: {  	[smem:$0x3FAB] =	sst s0;
	s0 =	simm.s32 @!p2 $0x0  }
0x16: {  	s3 =	sld [smem:$0x3FDB];
	s0 =	simm.s32 @p2 $0x1  }
0x17: {  	s4 =	simm.s32 $0x1BF5;
	[smem:$0x3FAD] =	sst s0  }
0x18: {  	s0 =	sld [smem:$0x3F90];
	_ =	swait.ge [sflag:s4], $0x0  }
0x19: {  	s7 =	sld [smem:$0x3F91]  }
0x1a: {  	s8 =	sadd.s32 $0xFFFFE003, lr  }
0x1b: {  	s9 =	sadd.s32 $0xFFFFFEF7, lr;
	s5 =	simm.s32 $0xFFFFFFFF;
	p2 =	slt.u32 s8, $0xFFFFF086  }
0x1c: {  	p1 =	slt.u32 s9, $0xF7A;
	s5 =	simm.s32 @!p2 $0x0  }
0x1d: {  	s5 =	simm.s32 @p1 $0x1;
	p0 =	seq.s32 s7, s2  }
0x1e: {  	s7 =	smul.u32 @!p0 $0xF7A, s2;
	p2 =	seq.s32 @!p0 s5, $0x0  }
0x1f: {  	s9 =	smul.u32 $0xF7A, s1;
	s8 =	simm.s32 @!p0 $0x1BF5;
	p2 =	por !p2, p0  }
0x20: {  	[sflag:s8] =	ssyncset.s32 @!p0 $0xFFFFF086;
	s6 =	sadd.s32 @!p0 s3, s7;
	s7 =	simm.s32 @!p0 $0x108  }
0x21: {  	s3 =	sadd.s32 s3, s9;
	s6 =	sadd.s32 @!p0 $0x88, s6;
	s7 =	simm.s32 @p2 $0x1082  }
0x22: {  	[simem:s7], [sflag:s8] =	dma.local @!p0 [hbm:s6], $0xF7A  }
0x23: {  	s9 =	sor.u32 $0xD0000000, s2;
	s6 =	simm.s32 $0x108;
	_ =	swait.ge @!p0 [sflag:s8], $0x0  }
0x24: {  	s3 =	sadd.s32 $0x88, s3;
	s6 =	simm.s32 @!p1 $0x1082;
	[sflag:s4] =	ssyncset.s32 $0xFFFFF086  }
0x25: {  	[simem:s6], [sflag:s4] =	dma.local [hbm:s3], $0xF7A  }
0x26: {  	[smem:$0x3F91] =	sst s1;
	(tag) =	ssettag s2;
	_ =	strace s9  }
0x27: {  	s1 =	sld [smem:$0x3FA1]  }
0x28: {  	s2 =	sld [smem:$0x3FA2]  }
0x29: {  	s4 =	sld [smem:$0x3FA4]  }
0x2a: {  	p0 =	seq.s32 s5, $0x0;
	s5 =	sld [smem:$0x3FA5]  }
0x2b: {  	s6 =	sld [smem:$0x3FA6]  }
0x2c: {  	s7 =	sld [smem:$0x3FA7]  }
0x2d: {  	s3 =	simm.s32 $0x108;
	s8 =	sld [smem:$0x3FA8]  }
0x2e: {  	s3 =	simm.s32 @!p0 $0x1082;
	s9 =	sld [smem:$0x3FA9]  }
0x2f: {  	lr =	sadd.s32 s0, s3;
	s0 =	sld [smem:$0x3FA0]  }
0x30: {  	s3 =	sld [smem:$0x3FA3]  }
0x31: {  	[smem:$0x3FAC] =	sst s10  }
0x32: {  	s10 =	sld [smem:$0x3FAA];
	_ =	sdelay $0x3  }
0x33: {  	p0 =	seq.s32 s10, $0x1;
	s10 =	sld [smem:$0x3FAC];
	_ =	sdelay $0x3  }
0x34: {  	[smem:$0x3FAC] =	sst s10  }
0x35: {  	s10 =	sld [smem:$0x3FAB];
	_ =	sdelay $0x3  }
0x36: {  	p1 =	seq.s32 s10, $0x1;
	s10 =	sld [smem:$0x3FAC];
	_ =	sdelay $0x3  }
0x37: {  	[smem:$0x3FAC] =	sst s10  }
0x38: {  	s10 =	sld [smem:$0x3FAD]  }
0x39: {  	_ = 	snop;
	(pc) =	sbr.ind lr, $3  }
0x3a: {  	_ = 	snop  }
0x3b: {  	_ = 	snop  }
0x3c: {  	p2 =	seq.s32 s10, $0x1;
	s10 =	sld [smem:$0x3FAC]  }
0x3d: {  	_ =	shalt  }
0x3e: {  	_ =	shalt  }
0x3f: {  	_ =	shalt  }
0x40: {  	_ =	shalt  }
0x41: {  	_ =	shalt  }
0x42: {  	_ =	shalt  }
0x43: {  	_ =	shalt  }
0x44: {  	_ =	shalt  }
0x45: {  	_ =	shalt  }
0x46: {  	_ =	shalt  }
0x47: {  	_ =	shalt  }
0x48: {  	_ =	shalt  }
0x49: {  	_ =	shalt  }
0x4a: {  	_ =	shalt  }
0x4b: {  	_ =	shalt  }
0x4c: {  	_ =	shalt  }
0x4d: {  	_ =	shalt  }
0x4e: {  	_ =	shalt  }
0x4f: {  	_ =	shalt  }
0x50: {  	_ =	shalt  }
0x51: {  	_ =	shalt  }
0x52: {  	_ =	shalt  }
0x53: {  	_ =	shalt  }
0x54: {  	_ =	shalt  }
0x55: {  	_ =	shalt  }
0x56: {  	_ =	shalt  }
0x57: {  	_ =	shalt  }
0x58: {  	_ =	shalt  }
0x59: {  	_ =	shalt  }
0x5a: {  	_ =	shalt  }
0x5b: {  	_ =	shalt  }
0x5c: {  	_ =	shalt  }
0x5d: {  	_ =	shalt  }
0x5e: {  	_ =	shalt  }
0x5f: {  	_ =	shalt  }
0x60: {  	_ =	shalt  }
0x61: {  	_ =	shalt  }
0x62: {  	_ =	shalt  }
0x63: {  	_ =	shalt  }
0x64: {  	_ =	shalt  }
0x65: {  	_ =	shalt  }
0x66: {  	_ =	shalt  }
0x67: {  	_ =	shalt  }
0x68: {  	_ =	shalt  }
0x69: {  	_ =	shalt  }
0x6a: {  	_ =	shalt  }
0x6b: {  	_ =	shalt  }
0x6c: {  	_ =	shalt  }
0x6d: {  	_ =	shalt  }
0x6e: {  	_ =	shalt  }
0x6f: {  	_ =	shalt  }
0x70: {  	_ =	shalt  }
0x71: {  	_ =	shalt  }
0x72: {  	_ =	shalt  }
0x73: {  	_ =	shalt  }
0x74: {  	_ =	shalt  }
0x75: {  	_ =	shalt  }
0x76: {  	_ =	shalt  }
0x77: {  	_ =	shalt  }
0x78: {  	_ =	shalt  }
0x79: {  	_ =	shalt  }
0x7a: {  	_ =	shalt  }
0x7b: {  	_ =	shalt  }
0x7c: {  	_ =	shalt  }
0x7d: {  	_ =	shalt  }
0x7e: {  	_ =	shalt  }
0x7f: {  	_ =	shalt  }
0x80: {  	_ =	shalt  }
0x81: {  	_ =	shalt  }
0x82: {  	_ =	shalt  }
0x83: {  	_ =	shalt  }
0x84: {  	_ =	shalt  }
0x85: {  	_ =	shalt  }
0x86: {  	_ =	shalt  }
0x87: {  	_ =	shalt  }
.Lfunc_end0:
.L_simem_size_0:
called_computation_lowered:
.L_overlay_start_0:
0x88: {  	s2 =	sld [smem:$0x3FD9]  }
0x89: {  	s3 =	sld [smem:$0x3FFE];
	_ =	sdelay $0x1  }
0x8a: {  	s1 =	srdreg.scid  }
0x8b: {  	s0 =	sand.u32 $0x1, s1  }
0x8c: {  	s16 =	sshll.u32 s0, $0xA;
	s2 =	sadd.s32 s3, s2  }
0x8d: {  	s2 =	sadd.s32 s2, s16  }
0x8e: {  	[smem:$0x3FB8] =	sst s2  }
0x8f: {  	_ = 	snop  }
0x90: {  	(tm) =	ssettm $0x1  }
0x91: {  	s17 =	sld [smem:$0x3FFB];
	_ =	sdelay $0x3  }
0x92: {  	_ =	strace s17  }
0x93: {  	s2 =	sld [smem:$0x3FFC];
	_ =	sdelay $0x3  }
0x94: {  	_ =	strace s2  }
0x95: {  	s2 =	sld [smem:$0x3FFD];
	_ =	sdelay $0x3  }
0x96: {  	_ =	strace s2  }
0x97: {  	_ =	strace $0x8FFFFFFF  }
0x98: {  	s18 =	sld [smem:$0x3FDB];
	_ =	sdelay $0x1  }
0x99: {  	s19 =	simm.s32 $_scs_section_size  }
0x9a: {  	s4 =	simm.s32 $_size__tile_overlayer_lowered;
	s5 =	simm.s32 $_tile_overlayer_lowered  }
0x9b: {  	s22 =	simm.s32 $0x1BFF;
	s21 =	sshll.u32 s5, $0x1;
	s2 =	sadd.s32 s19, s18  }
0x9c: {  	s6 =	simm.s32 $0x0;
	s20 =	sshll.u32 s4, $0x1;
	s4 =	sadd.s32 s21, s2  }
0x9d: {  	[timem:s6], [sflag:s22] =	dma.local [hbm:s4], s20  }
0x9e: {  	_ =	swait.ge [sflag:s22], s20  }
0x9f: {  	s3 =	ssub.s32 $0x0, s20;
	[sflag:s22] =	ssyncset.done $0x0  }
0xa0: {  	[sflag:s22] =	ssyncadd.s32 s3;
	_ =	sdelay $0x1  }
0xa1: {  	s23 =	simm.s32 $0x1B8B  }
0xa2: {  	_ =	swait.ge [sflag:s23], $0x1  }
0xa3: {  	[sflag:s23] =	ssyncset.done $0x0  }
0xa4: {  	s25 =	simm.s32 $0x1B8E;
	s24 =	sld [smem:$0x3FFE];
	[sflag:s23] =	ssyncadd.s32 $0xFFFFFFFF  }
0xa5: {  	s26 =	simm.s32 $execute0_lowered;
	[smem:$0x3FD2] =	sst s25  }
0xa6: {  	s4 =	sshll.u32 s26, $0x1;
	_ =	strace $0x80000046;
	[dreg:$0x1] =	wrdreg $0xFFFFFFFF  }
0xa7: {  	s28 =	simm.s32 $_size_execute0_lowered;
	s2 =	sadd.s32 s2, s4;
	[dreg:$0x0] =	wrdreg $0x0  }
0xa8: {  	s4 =	sshll.u32 s28, $0x1;
	[dreg:$0x2] =	wrdreg s2  }
0xa9: {  	[dreg:$0x3] =	wrdreg s4  }
0xaa: {  	[dreg:$0x4] =	wrdreg $0xC0  }
0xab: {  	_ =	task [dreg:s6], $0x5FFFF  }
0xac: {  	[dreg:$0x1] =	wrdreg $0xFFFFFFFF  }
0xad: {  	[dreg:$0x0] =	wrdreg $0x60  }
0xae: {  	[dreg:$0x2] =	wrdreg s24  }
0xaf: {  	[dreg:$0x3] =	wrdreg $0x68000  }
0xb0: {  	[dreg:$0x4] =	wrdreg $0x9  }
0xb1: {  	_ =	task.clear_ibuf [dreg:s6], $0x5FFFF;
	_ =	strace $0x90000046  }
0xb2: {  	s29 =	simm.s32 $0x9;
	_ =	strace $0x80000048  }
0xb3: {  	_ =	swait.ge [sflag:s29], $0x1  }
0xb4: {  	[sflag:s29] =	ssyncadd.s32 $0xFFFFFFFF  }
0xb5: {  	_ =	strace $0x90000048  }
0xb6: {  	_ =	sfence  }
0xb7: {  	s30 =	sld [smem:$0x0];
	_ =	sdelay $0x2  }
0xb8: {  	s31 =	sshll.u32 s1, $0xD;
	s1 =	sshrl.u32 s1, $0x2  }
0xb9: {  	s3 =	sand.u32 $0x4000, s31;
	s1 =	sadd.s32 s1, s30  }
0xba: {  	s0 =	sor.u32 s3, s0;
	s1 =	sshll.u32 s1, $0x11  }
0xbb: {  	s0 =	sor.u32 s1, s0  }
0xbc: {  	s0 =	sadd.s32 $0x8F2B, s0  }
0xbd: {  	[sflag:s0] =	ssyncadd.remote.s32 $0x1  }
0xbe: {  	_ =	sfence.sel $0xFFFF  }
0xbf: {  	[dreg:$0x0] =	wrdreg $0xFFFFFFFF;
	(pc) =	sbr.abs _section_cstart, $3  }
0xc0: {  	[dreg:$0x1] =	wrdreg $0xFFFFFFFF  }
0xc1: {  	_ =	task.clear_ibuf [dreg:s6], $0x2FFFF;
	_ =	strace $0x9FFFFFFF  }
0xc2: {  	(tm) =	ssettm $0x7FFFFFFF  }
0xc3: {  	_ =	shalt  }
tec
execute0_lowered:
.L_overlay_start_1:
0x0: {  	(tag) =	ssettag $0x1  }
0x1: {  	s4 =	rddreg [dreg:$0x0];
	s1 =	srdreg.scid  }
0x2: {  	s0 =	stileid.u32;
	s2 =	rddreg [dreg:$0x1]  }
0x3: {  	s3 =	simm.s32 $0x0;
	s5 =	sand.u32 $0x1, s1;
	s7 =	smul.u32 $0x50000, s0  }
0x4: {  	s6 =	sshll.u32 s0, $0x1;
	s1 =	rddreg [dreg:$0x2];
	s13 =	smul.u32 $0x13800, s0  }
0x5: {  	[smem:$0x7FF] =	sst s3;
	s11 =	sadd.s32 $0x18600, s4;
	s14 =	smul.u32 $0x4E000, s0  }
0x6: {  	s18 =	sadd.s32 $0x138000, s2;
	p0 =	sne.s32 s0, $0xF;
	s16 =	sshll.u32 s0, $0x6  }
0x7: {  	s6 =	sor.u32 s5, s6;
	_ =	strace $0x80000047;
	s29 =	ssub.s32 $0x2, s5  }
0x8: {  	s10 =	smul.u32 $0x138800, s5;
	s16 =	sor.u32 $0x1C01, s16;
	s18 =	sshrl.u32 @!p0 s18, $0x3  }
0x9: {  	s6 =	smul.u32 $0x500, s6;
	s30 =	sshrl.u32 s29, $0x1;
	s7 =	sshrl.u32 s7, $0x2  }
0xa: {  	s31 =	sshrl.u32 s14, $0x2;
	s14 =	simm.s32 $0x1;
	s12 =	ssub.s32 s29, s30  }
0xb: {  	s13 =	sadd.s32 s13, s10;
	s15 =	sshrl.u32 s10, $0x3;
	s17 =	sadd.s32 s31, s2  }
0xc: {  	s9 =	sadd.s32 s6, s4;
	s4 =	sadd.s32 s7, s2;
	s13 =	sshrl.u32 s13, $0x3  }
0xd: {  	s12 =	smax.u32 s12, $0x1;
	s17 =	sshrl.u32 s17, $0x3;
	s5 =	sadd.s32 $0x4000, s4  }
0xe: {  	s6 =	sadd.s32 $0x8000, s4;
	s7 =	sadd.s32 $0xC000, s4;
	s8 =	sadd.s32 $0x10000, s4  }
0xf: {  	s9 =	sadd.s32 $0xE600, s9;
	s10 =	sadd.s32 s11, s13;
	s11 =	sadd.s32 s11, s15  }
0x10: {  	v0 =	vimm.f32 $0.0e+00;
	v1 =	vimm.f32 $1.000000000e+00;
	s13 =	simm.s32 $0x2800;
	s15 =	simm.s32 $0x80;
	s11 =	sadd.s32 $0x27000, s11  }
.LBB2_1:
0x11: {  	s19 =	simm.s32 $0x0;
	s20 =	simm.s32 $0x200  }
.LBB2_2:
0x12: {  	p1 =	sne.s32 s20, $0xFE00;
	[tilespmem:s19+$0x2870] =	vst v0  }
0x13: {  	[tilespmem:s19+$0x2800] =	vst v0  }
0x14: {  	[tilespmem:s19+$0x2810] =	vst v0  }
.Ltmp0:
0x15: {  	[tilespmem:s19+$0x2820] =	vst v0;
	(pc) =	sbr.rel @p1 .LBB2_2-.Ltmp0, $4  }
0x16: {  	[tilespmem:s19+$0x2830] =	vst v0  }
0x17: {  	[tilespmem:s19+$0x2840] =	vst v0  }
0x18: {  	[tilespmem:s19+$0x2850] =	vst v0  }
0x19: {  	[tilespmem:s19+$0x2860] =	vst v0;
	s19 =	sshra.s32 s20, $0x2;
	s20 =	sadd.s32 $0x200, s20  }
0x1a: {  	[tilespmem:s19+$0x2870] =	vst v0  }
0x1b: {  	[tilespmem:s19+$0x2800] =	vst v0  }
0x1c: {  	[tilespmem:s19+$0x2810] =	vst v0  }
0x1d: {  	[tilespmem:s19+$0x2820] =	vst v0  }
0x1e: {  	[tilespmem:s19+$0x2830] =	vst v0  }
0x1f: {  	[tilespmem:s19+$0x2840] =	vst v0  }
0x20: {  	[tilespmem:s19+$0x2850] =	vst v0  }
0x21: {  	[tilespmem:s19+$0x2860] =	vst v0  }
0x22: {  	[spmem:s4] =	stream.linear.scatter [tilespmem:s13], [sflag:$0x1], $0x4000, $0x38;
	[tilespmem:$0x1A800] =	vst v63  }
0x23: {  	_ =	swait.ge [sflag:s14], $0x4000  }
0x24: {  	[sflag:s14] =	ssyncset.done $0x0  }
0x25: {  	[sflag:s14] =	ssyncadd.s32 $0xFFFFC000  }
0x26: {  	[spmem:s5] =	stream.linear.scatter [tilespmem:s13], [sflag:$0x1], $0x4000, $0x38;
	[tilespmem:$0x1A800] =	vst v63  }
0x27: {  	_ =	swait.ge [sflag:s14], $0x4000  }
0x28: {  	[sflag:s14] =	ssyncset.done $0x0  }
0x29: {  	[sflag:s14] =	ssyncadd.s32 $0xFFFFC000  }
0x2a: {  	[spmem:s6] =	stream.linear.scatter [tilespmem:s13], [sflag:$0x1], $0x4000, $0x38;
	[tilespmem:$0x1A800] =	vst v63  }
0x2b: {  	_ =	swait.ge [sflag:s14], $0x4000  }
0x2c: {  	[sflag:s14] =	ssyncset.done $0x0  }
0x2d: {  	[sflag:s14] =	ssyncadd.s32 $0xFFFFC000  }
0x2e: {  	[spmem:s7] =	stream.linear.scatter [tilespmem:s13], [sflag:$0x1], $0x4000, $0x38;
	[tilespmem:$0x1A800] =	vst v63  }
0x2f: {  	_ =	swait.ge [sflag:s14], $0x4000  }
0x30: {  	[sflag:s14] =	ssyncset.done $0x0  }
0x31: {  	[sflag:s14] =	ssyncadd.s32 $0xFFFFC000  }
0x32: {  	[spmem:s8] =	stream.linear.scatter [tilespmem:s13], [sflag:$0x1], $0x4000, $0x38;
	[tilespmem:$0x1A800] =	vst v63  }
0x33: {  	_ =	swait.ge [sflag:s14], $0x4000  }
0x34: {  	[sflag:s14] =	ssyncset.done $0x0  }
0x35: {  	s19 =	simm.s32 $0x0;
	s20 =	simm.s32 $0x200;
	[sflag:s14] =	ssyncadd.s32 $0xFFFFC000  }
.LBB2_4:
0x36: {  	p1 =	sne.s32 s20, $0xFE00;
	[tilespmem:s19+$0x2870] =	vst v1  }
0x37: {  	[tilespmem:s19+$0x2800] =	vst v1  }
0x38: {  	[tilespmem:s19+$0x2810] =	vst v1  }
.Ltmp1:
0x39: {  	[tilespmem:s19+$0x2820] =	vst v1;
	(pc) =	sbr.rel @p1 .LBB2_4-.Ltmp1, $4  }
0x3a: {  	[tilespmem:s19+$0x2830] =	vst v1  }
0x3b: {  	[tilespmem:s19+$0x2840] =	vst v1  }
0x3c: {  	[tilespmem:s19+$0x2850] =	vst v1  }
0x3d: {  	[tilespmem:s19+$0x2860] =	vst v1;
	s19 =	sshra.s32 s20, $0x2;
	s20 =	sadd.s32 $0x200, s20  }
0x3e: {  	[tilespmem:s19+$0x2870] =	vst v1  }
0x3f: {  	[tilespmem:s19+$0x2800] =	vst v1  }
0x40: {  	[tilespmem:s19+$0x2810] =	vst v1  }
0x41: {  	[tilespmem:s19+$0x2820] =	vst v1  }
0x42: {  	[tilespmem:s19+$0x2830] =	vst v1  }
0x43: {  	[tilespmem:s19+$0x2840] =	vst v1  }
0x44: {  	[tilespmem:s19+$0x2850] =	vst v1  }
0x45: {  	[tilespmem:s19+$0x2860] =	vst v1;
	s30 =	simm.s32 $0x0  }
0x46: {  	[tilespmem:s30], [sflag:$0x1] =	stream.linear.gather [hbm4b:s9+s30], $0x2800, $0x38;
	[tilespmem:$0x1A800] =	vst v63  }
0x47: {  	_ =	swait.ge [sflag:s14], $0x2800  }
0x48: {  	[sflag:s14] =	ssyncset.done $0x0  }
0x49: {  	[sflag:s14] =	ssyncadd.s32 $0xFFFFD800  }
0x4a: {  	s31 =	simm.s32 $0x0;
	[bflag:$0x0] =	sbarrier.arrive $0xFFFF  }
0x4b: {  	[spmem:s2] =	stream.indirect.scatter.add.f32 [tilespmem:s13], [sflag:$0x1], $0x80, s31, s15, $0xb8;
	[tilespmem:$0x1A800] =	vst v63  }
0x4c: {  	_ =	swait.ge [sflag:s14], $0x4000  }
0x4d: {  	s19 =	simm.s32 $0x200;
	[sflag:s14] =	ssyncset.done $0x0  }
.LBB2_6:
0x4e: {  	s20 =	sshra.s32 s19, $0x2;
	[sflag:s14] =	ssyncadd.s32 $0xFFFFC000;
	p1 =	sne.s32 s19, $0x9E00  }
0x4f: {  	[spmem:s2] =	stream.indirect.scatter.add.f32 [tilespmem:s13], [sflag:$0x1], $0x80, s20, s15, $0xb8;
	[tilespmem:$0x1A800] =	vst v63  }
.Ltmp2:
0x50: {  	_ = 	snop;
	(pc) =	sbr.rel @p1 .LBB2_6-.Ltmp2, $4  }
0x51: {  	_ = 	snop  }
0x52: {  	s19 =	sadd.s32 $0x200, s19  }
0x53: {  	_ =	swait.ge [sflag:s14], $0x4000  }
0x54: {  	[sflag:s14] =	ssyncset.done $0x0  }
0x55: {  	[sflag:s14] =	ssyncadd.s32 $0xFFFFC000  }
0x56: {  	[bflag:$0x0] =	sbarrier.arrive $0xFFFF  }
0x57: {  	[hbm:s10], [sflag:s16] =	dma.local [spmem:s17], $0x2700  }
0x58: {  	s3 =	sadd.s32 $0x1, s3;
	_ =	swait.ge [sflag:s14], $0x2700  }
0x59: {  	p1 =	sne.s32 s3, s12;
	[sflag:s14] =	ssyncset.done $0x0  }
.Ltmp3:
0x5a: {  	s19 =	simm.s32 @!p0 $0x1;
	[sflag:s14] =	ssyncadd.s32 $0xFFFFD900;
	(pc) =	sbr.rel @p1 .LBB2_1-.Ltmp3, $4  }
0x5b: {  	[hbm:s11], [sflag:s16] =	dma.local @!p0 [spmem:s18], $0x100  }
0x5c: {  	_ =	swait.ge @!p0 [sflag:s19], $0x100  }
0x5d: {  	[sflag:s19] =	ssyncset.done @!p0 $0x0  }
0x5e: {  	[sflag:s19] =	ssyncadd.s32 @!p0 $0xFFFFFF00  }
0x5f: {  	_ =	sfence.sel $0x180000  }
0x60: {  	[bflag:$0x0] =	sbarrier.arrive $0xFFFF  }
0x61: {  	p0 =	sne.s32 s0, $0x0;
	_ =	strace $0x90000047  }
0x62: {  	s0 =	sadd.s32 @!p0 $0x100000, s1;
	[bflag:$0x2] =	sbarrier.arrive $0xFFFF  }
0x63: {  	[sflag:s0] =	ssyncadd.tile.s32 @!p0 $0x1;
	_ =	shalt  }
.Lfunc_end2:
_tile_overlayer_lowered:
.L_overlay_start_2:
0x64: {  	(tag) =	ssettag $0x2  }
0x65: {  	s0 =	rddreg [dreg:$0x0];
	s2 =	stileid.u32  }
0x66: {  	s1 =	rddreg [dreg:$0x1];
	p0 =	sne.s32 s2, $0x0  }
0x67: {  	s3 =	rddreg [dreg:$0x2];
	[bflag:$0x3] =	sbarrier.arrive $0xFFFF;
	s2 =	simm.s32 @!p0 $0x1C01  }
0x68: {  	[timem:s3], [sflag:s2] =	dma.local @!p0 [hbm:s0], s1  }
0x69: {  	s0 =	simm.s32 @!p0 $0x1  }
0x6a: {  	_ =	swait.ge @!p0 [sflag:s0], s1  }
0x6b: {  	s1 =	ssub.s32 @!p0 $0x0, s1;
	[sflag:s0] =	ssyncset.done @!p0 $0x0  }
0x6c: {  	[sflag:s0] =	ssyncadd.s32 @!p0 s1  }
0x6d: {  	[bflag:$0x3] =	sbarrier.arrive $0xFFFF  }
0x6e: {  	_ =	shalt  }

</sc_bundles>
